<compile_context>
chip_gen: v7x
topology: tpu7x:2x2x1
jax: 0.10.2.dev20260603
libtpu: 0.0.44.dev20260713+nightly
codegen_flags: <defaults>
</compile_context>

<pallas_src>
import functools

import jax
import jax.numpy as jnp
from jax import lax
from jax.experimental import pallas as pl
from jax.experimental.pallas import tpu as pltpu, tpu_sc as plsc

N = 10000
E = 320000
DIN = 128
DH = 256
DOUT = 64
EPS = 1e-5

HF = 128
CH = 80
NDUMP = N + 8
RPT = 624
TAIL_BASE = 16 * RPT
TAIL = N - TAIL_BASE


def _zero_rows(ref, nrows, ncol16):
    z16 = jnp.zeros((16,), jnp.float32)

    def body(i, carry):
        for k in range(ncol16):
            ref[i, k * 16:(k + 1) * 16] = z16
        return carry

    lax.fori_loop(0, nrows, body, 0)


def _zero_acc_slice(zbuf, acc, s, zrows):
    rbase = s * RPT
    for k in range(RPT // zrows):
        pltpu.sync_copy(zbuf, acc.at[pl.ds(rbase + k * zrows, zrows)])
    rem = RPT - (RPT // zrows) * zrows
    if rem:
        pltpu.sync_copy(zbuf.at[pl.ds(0, rem)],
                        acc.at[pl.ds(rbase + (RPT // zrows) * zrows, rem)])

    @pl.when(s == 0)
    def _():
        pltpu.sync_copy(zbuf.at[pl.ds(0, NDUMP - TAIL_BASE)],
                        acc.at[pl.ds(TAIL_BASE, NDUMP - TAIL_BASE)])


def _copy_out_slice(acc, out_hbm, base_row, s):
    rbase = s * RPT
    pltpu.sync_copy(acc.at[pl.ds(rbase, RPT)],
                    out_hbm.at[pl.ds(base_row + rbase, RPT)])

    @pl.when(s == 0)
    def _():
        pltpu.sync_copy(acc.at[pl.ds(TAIL_BASE, TAIL)],
                        out_hbm.at[pl.ds(base_row + TAIL_BASE, TAIL)])


@functools.cache
def _make_scatter_kernel(src_cstride, dst_cstride, ept):
    mesh = plsc.VectorSubcoreMesh(core_axis_name="c", subcore_axis_name="s")

    def body(tbl_hbm, srcx_hbm, dstx_hbm, out_hbm, sidx, didx, rows, acc,
             sem):
        c = lax.axis_index("c")
        s = lax.axis_index("s")

        _zero_rows(rows, CH, HF // 16)
        _zero_acc_slice(rows, acc, s, CH)
        plsc.subcore_barrier()

        sbase = c * src_cstride + s * ept
        dbase = c * dst_cstride + s * ept

        def chunk(j, carry):
            off = j * CH
            pltpu.sync_copy(srcx_hbm.at[pl.ds(sbase + off, CH)], sidx)
            pltpu.sync_copy(dstx_hbm.at[pl.ds(dbase + off, CH)], didx)
            pltpu.async_copy(tbl_hbm.at[sidx], rows, sem).wait()
            pltpu.sync_copy(rows, acc.at[didx], add=True)
            return carry

        lax.fori_loop(0, ept // CH, chunk, 0)
        plsc.subcore_barrier()

        _copy_out_slice(acc, out_hbm, c * N, s)

    return functools.partial(
        pl.kernel,
        mesh=mesh,
        out_type=jax.ShapeDtypeStruct((2 * N, HF), jnp.float32),
        scratch_types=[
            pltpu.VMEM((CH,), jnp.int32),
            pltpu.VMEM((CH,), jnp.int32),
            pltpu.VMEM((CH, HF), jnp.float32),
            pltpu.VMEM_SHARED((NDUMP, HF), jnp.float32),
            pltpu.SemaphoreType.DMA,
        ],
    )(body)


BLK = 1000
NBLK = N // BLK


def _prep_body(x_ref, w_ref, dega_ref, degb_ref, y2_ref, dinv_ref):
    deg = dega_ref[:, 0:1] + degb_ref[:, 0:1] + 1.0
    dinv = lax.rsqrt(deg)
    xw = jnp.dot(x_ref[...], w_ref[...], preferred_element_type=jnp.float32)
    y = xw * dinv
    y2_ref[0] = y[:, :HF]
    y2_ref[1] = y[:, HF:]
    dinv_ref[...] = jnp.broadcast_to(dinv, (BLK, HF))


def _prep(x, w0, degp):
    return pl.pallas_call(
        _prep_body,
        grid=(NBLK,),
        in_specs=[
            pl.BlockSpec((BLK, DIN), lambda i: (i, 0)),
            pl.BlockSpec((DIN, DH), lambda i: (0, 0)),
            pl.BlockSpec((BLK, HF), lambda i: (i, 0)),
            pl.BlockSpec((BLK, HF), lambda i: (i + NBLK, 0)),
        ],
        out_specs=[
            pl.BlockSpec((2, BLK, HF), lambda i: (0, i, 0)),
            pl.BlockSpec((BLK, HF), lambda i: (i, 0)),
        ],
        out_shape=[
            jax.ShapeDtypeStruct((2, N, HF), jnp.float32),
            jax.ShapeDtypeStruct((N, HF), jnp.float32),
        ],
    )(x, w0, degp, degp)


def _stats_body(s_ref, y_ref, dinv_ref, b_ref, z_ref, st_ref):
    i = pl.program_id(0)
    dinv = dinv_ref[...]
    z0 = dinv * (s_ref[0] + y_ref[0]) + b_ref[0:1, :HF]
    z1 = dinv * (s_ref[1] + y_ref[1]) + b_ref[0:1, HF:]
    z_ref[0] = z0
    z_ref[1] = z1

    @pl.when(i == 0)
    def _():
        st_ref[...] = jnp.zeros((2, 8, HF), jnp.float32)

    st_ref[0, 0:1, :] += jnp.sum(z0, axis=0, keepdims=True)
    st_ref[0, 1:2, :] += jnp.sum(z0 * z0, axis=0, keepdims=True)
    st_ref[1, 0:1, :] += jnp.sum(z1, axis=0, keepdims=True)
    st_ref[1, 1:2, :] += jnp.sum(z1 * z1, axis=0, keepdims=True)


def _stats(s2, y2, dinv, b):
    bpad = jnp.broadcast_to(b.reshape(1, DH), (8, DH))
    return pl.pallas_call(
        _stats_body,
        grid=(NBLK,),
        in_specs=[
            pl.BlockSpec((2, BLK, HF), lambda i: (0, i, 0)),
            pl.BlockSpec((2, BLK, HF), lambda i: (0, i, 0)),
            pl.BlockSpec((BLK, HF), lambda i: (i, 0)),
            pl.BlockSpec((8, DH), lambda i: (0, 0)),
        ],
        out_specs=[
            pl.BlockSpec((2, BLK, HF), lambda i: (0, i, 0)),
            pl.BlockSpec((2, 8, HF), lambda i: (0, 0, 0)),
        ],
        out_shape=[
            jax.ShapeDtypeStruct((2, N, HF), jnp.float32),
            jax.ShapeDtypeStruct((2, 8, HF), jnp.float32),
        ],
    )(s2, y2, dinv, bpad)


def _bn_relu_halves(z_ref, st_ref, g_ref, be_ref):
    hs = []
    for k in range(2):
        m = st_ref[k, 0:1, :] * (1.0 / N)
        ex2 = st_ref[k, 1:2, :] * (1.0 / N)
        inv = lax.rsqrt(ex2 - m * m + EPS)
        h = (z_ref[k] - m) * inv * g_ref[0:1, k * HF:(k + 1) * HF]
        h = h + be_ref[0:1, k * HF:(k + 1) * HF]
        hs.append(jnp.maximum(h, 0.0))
    return jnp.concatenate(hs, axis=1)


def _mid_body(z_ref, st_ref, g_ref, be_ref, w_ref, dinv_ref, y2_ref):
    h = _bn_relu_halves(z_ref, st_ref, g_ref, be_ref)
    y = jnp.dot(h, w_ref[...], preferred_element_type=jnp.float32)
    y = y * dinv_ref[...][:, 0:1]
    y2_ref[0] = y[:, :HF]
    y2_ref[1] = y[:, HF:]


def _mid(z2, st, g, be, w, dinv):
    gpad = jnp.broadcast_to(g.reshape(1, DH), (8, DH))
    bepad = jnp.broadcast_to(be.reshape(1, DH), (8, DH))
    return pl.pallas_call(
        _mid_body,
        grid=(NBLK,),
        in_specs=[
            pl.BlockSpec((2, BLK, HF), lambda i: (0, i, 0)),
            pl.BlockSpec((2, 8, HF), lambda i: (0, 0, 0)),
            pl.BlockSpec((8, DH), lambda i: (0, 0)),
            pl.BlockSpec((8, DH), lambda i: (0, 0)),
            pl.BlockSpec((DH, DH), lambda i: (0, 0)),
            pl.BlockSpec((BLK, HF), lambda i: (i, 0)),
        ],
        out_specs=pl.BlockSpec((2, BLK, HF), lambda i: (0, i, 0)),
        out_shape=jax.ShapeDtypeStruct((2, N, HF), jnp.float32),
    )(z2, st, gpad, bepad, w, dinv)


def _head_body(z_ref, st_ref, g_ref, be_ref, w_ref, bo_ref, o_ref):
    h = _bn_relu_halves(z_ref, st_ref, g_ref, be_ref)
    o_ref[...] = jnp.dot(h, w_ref[...],
                         preferred_element_type=jnp.float32) + bo_ref[0:1, :]


def _head(z2, st, g, be, wo, bo):
    gpad = jnp.broadcast_to(g.reshape(1, DH), (8, DH))
    bepad = jnp.broadcast_to(be.reshape(1, DH), (8, DH))
    bopad = jnp.broadcast_to(bo.reshape(1, DOUT), (8, DOUT))
    return pl.pallas_call(
        _head_body,
        grid=(NBLK,),
        in_specs=[
            pl.BlockSpec((2, BLK, HF), lambda i: (0, i, 0)),
            pl.BlockSpec((2, 8, HF), lambda i: (0, 0, 0)),
            pl.BlockSpec((8, DH), lambda i: (0, 0)),
            pl.BlockSpec((8, DH), lambda i: (0, 0)),
            pl.BlockSpec((DH, DOUT), lambda i: (0, 0)),
            pl.BlockSpec((8, DOUT), lambda i: (0, 0)),
        ],
        out_specs=pl.BlockSpec((BLK, DOUT), lambda i: (i, 0)),
        out_shape=jax.ShapeDtypeStruct((N, DOUT), jnp.float32),
    )(z2, st, gpad, bepad, wo, bopad)


def kernel(x, edge_index, W0, b0, g0, be0, W1, b1, g1, be1, W2, b2, g2, be2,
           Wo, bo):
    src = edge_index[0]
    dst = edge_index[1]
    src2 = jnp.concatenate([src, src + N])

    ones_tbl = jnp.ones((2 * N, HF), jnp.float32)
    degp = _make_scatter_kernel(E // 2, E // 2, E // 32)(ones_tbl, src2, dst)
    y2, dinv = _prep(x, W0, degp)

    def agg(y2):
        return _make_scatter_kernel(E, 0, E // 16)(y2.reshape(2 * N, HF),
                                                   src2,
                                                   dst).reshape(2, N, HF)

    z2, st = _stats(agg(y2), y2, dinv, b0)
    y2 = _mid(z2, st, g0, be0, W1, dinv)
    z2, st = _stats(agg(y2), y2, dinv, b1)
    y2 = _mid(z2, st, g1, be1, W2, dinv)
    z2, st = _stats(agg(y2), y2, dinv, b2)
    return _head(z2, st, g2, be2, Wo, bo)

# --- scband reference (transcript-rebuilt; emitter-appended) ---
"""Pipeline reference for scband-gcn-7705171329690 (READ-ONLY COPY).

The authoritative reference and input builder live on the scoring server;
editing this copy changes nothing except your own understanding.
"""

import jax, jax.numpy as jnp
import numpy as np

N = 10000
E = 320000
DIN = 128
DH = 256
DOUT = 64
EPS = 1e-5

def setup_inputs(seed: int = 0):
    key = jax.random.key(seed)
    ks = jax.random.split(key, 16)
    inp = {}
    inp["x"] = jax.random.normal(ks[0], (N, DIN), dtype=jnp.float32)
    inp["edge_index"] = jax.random.randint(ks[1], (2, E), 0, N, dtype=jnp.int32)
    dims = [(DIN, DH), (DH, DH), (DH, DH)]
    for i, (di, do) in enumerate(dims):
        inp[f"W{i}"] = jax.random.normal(ks[2 + i], (di, do), dtype=jnp.float32) / np.sqrt(di)
        inp[f"b{i}"] = jnp.zeros((do,), dtype=jnp.float32)
        inp[f"g{i}"] = jnp.ones((do,), dtype=jnp.float32)
        inp[f"be{i}"] = jnp.zeros((do,), dtype=jnp.float32)
    inp["Wo"] = jax.random.normal(ks[10], (DH, DOUT), dtype=jnp.float32) / np.sqrt(DH)
    inp["bo"] = jnp.zeros((DOUT,), dtype=jnp.float32)
    return inp

def _gcn_layer(x, W, b, src, dst, dinv):
    # GCNConv: x @ W, then normalized scatter-add aggregation (self-loops included in src/dst)
    xw = x @ W
    coef = (dinv[src] * dinv[dst])[:, None]
    msg = xw[src] * coef
    out = jnp.zeros((x.shape[0], W.shape[1]), dtype=x.dtype).at[dst].add(msg)
    return out + b

def reference(x, edge_index, W0, b0, g0, be0, W1, b1, g1, be1, W2, b2, g2, be2, Wo, bo):
    sl = jnp.arange(N, dtype=edge_index.dtype)
    src = jnp.concatenate([edge_index[0], sl])
    dst = jnp.concatenate([edge_index[1], sl])
    deg = jnp.zeros((N,), dtype=jnp.float32).at[dst].add(1.0)
    dinv = jnp.where(deg > 0, 1.0 / jnp.sqrt(deg), 0.0)

    def bn_relu(h, g, be):
        # BatchNorm1d in training mode: batch statistics over nodes
        m = h.mean(axis=0)
        v = h.var(axis=0)
        return jax.nn.relu((h - m) / jnp.sqrt(v + EPS) * g + be)

    h = bn_relu(_gcn_layer(x, W0, b0, src, dst, dinv), g0, be0)
    h = bn_relu(_gcn_layer(h, W1, b1, src, dst, dinv), g1, be1)
    h = bn_relu(_gcn_layer(h, W2, b2, src, dst, dinv), g2, be2)
    # node_classification head: single linear layer
    return h @ Wo + bo

if __name__ == "__main__":
    import jax
    _d = setup_inputs()
    print(jax.jit(kernel)(*tuple(_d.values())))

</pallas_src>

<mosaic_0001>
#map = affine_map<(d0, d1) -> (0, 0)>
#map1 = affine_map<(d0, d1) -> (0)>
module attributes {stable_mosaic.version = 14 : i64} {
  func.func @body(%arg0: i32, %arg1: i32, %arg2: memref<20000x128xf32, #tpu.memory_space<hbm>>, %arg3: memref<640000xi32, #tpu.memory_space<hbm>>, %arg4: memref<320000xi32, #tpu.memory_space<hbm>>, %arg5: memref<20000x128xf32, #tpu.memory_space<hbm>>, %arg6: memref<80xi32, #tpu.memory_space<vmem>>, %arg7: memref<80xi32, #tpu.memory_space<vmem>>, %arg8: memref<80x128xf32, #tpu.memory_space<vmem>>, %arg9: memref<10008x128xf32, #tpu.memory_space<vmem_shared>>, %arg10: memref<!tpu.dma_semaphore, #tpu.memory_space<semaphore_mem>>) attributes {dimension_semantics = [#tpu.dimension_semantics<core_parallel>, #tpu.dimension_semantics<subcore_parallel>], iteration_bounds = array<i64: 2, 16>, scalar_prefetch = 0 : i64, scratch_operands = 5 : i64, tpu.core_type = #tpu.core_type<sc_vector_subcore>, window_params = [{transform_indices = #map}, {transform_indices = #map1}, {transform_indices = #map1}, {transform_indices = #map}]} {
    %broadcast_in_dim3A = arith.constant 0.000000e+00 : f32
    %broadcast_in_dim3A_0 = vector.broadcast %broadcast_in_dim3A : f32 to vector<16xf32>
    %scan3A = arith.constant 0 : i32
    %scan3A_1 = arith.constant 0 : i32
    %scan3A_2 = arith.constant 80 : i32
    %scan3A_3 = arith.addi %scan3A_1, %scan3A_2 : i32
    %scan3A_4 = arith.constant 1 : i32
    scf.for %scan3A_51 = %scan3A_1 to %scan3A_3 step %scan3A_4  : i32 {
      %swap3A = arith.index_cast %scan3A_51 : i32 to index
      %swap3A_52 = arith.constant 0 : index
      %swap3A_53 = tpu.vector_load %arg8[%swap3A, %swap3A_52] {strides = array<i32>} : memref<80x128xf32, #tpu.memory_space<vmem>>, vector<1x16xf32>,
      %swap3A_54 = vector.shape_cast %swap3A_53 : vector<1x16xf32> to vector<16xf32>
      %swap3A_55 = vector.shape_cast %broadcast_in_dim3A_0 : vector<16xf32> to vector<1x16xf32>
      tpu.vector_store %arg8[%swap3A, %swap3A_52], %swap3A_55 {strides = array<i32>} : memref<80x128xf32, #tpu.memory_space<vmem>>, vector<1x16xf32>,
      %swap3A_56 = arith.index_cast %scan3A_51 : i32 to index
      %swap3A_57 = arith.constant 16 : index
      %swap3A_58 = tpu.vector_load %arg8[%swap3A_56, %swap3A_57] {strides = array<i32>} : memref<80x128xf32, #tpu.memory_space<vmem>>, vector<1x16xf32>,
      %swap3A_59 = vector.shape_cast %swap3A_58 : vector<1x16xf32> to vector<16xf32>
      %swap3A_60 = vector.shape_cast %broadcast_in_dim3A_0 : vector<16xf32> to vector<1x16xf32>
      tpu.vector_store %arg8[%swap3A_56, %swap3A_57], %swap3A_60 {strides = array<i32>} : memref<80x128xf32, #tpu.memory_space<vmem>>, vector<1x16xf32>,
      %swap3A_61 = arith.index_cast %scan3A_51 : i32 to index
      %swap3A_62 = arith.constant 32 : index
      %swap3A_63 = tpu.vector_load %arg8[%swap3A_61, %swap3A_62] {strides = array<i32>} : memref<80x128xf32, #tpu.memory_space<vmem>>, vector<1x16xf32>,
      %swap3A_64 = vector.shape_cast %swap3A_63 : vector<1x16xf32> to vector<16xf32>
      %swap3A_65 = vector.shape_cast %broadcast_in_dim3A_0 : vector<16xf32> to vector<1x16xf32>
      tpu.vector_store %arg8[%swap3A_61, %swap3A_62], %swap3A_65 {strides = array<i32>} : memref<80x128xf32, #tpu.memory_space<vmem>>, vector<1x16xf32>,
      %swap3A_66 = arith.index_cast %scan3A_51 : i32 to index
      %swap3A_67 = arith.constant 48 : index
      %swap3A_68 = tpu.vector_load %arg8[%swap3A_66, %swap3A_67] {strides = array<i32>} : memref<80x128xf32, #tpu.memory_space<vmem>>, vector<1x16xf32>,
      %swap3A_69 = vector.shape_cast %swap3A_68 : vector<1x16xf32> to vector<16xf32>
      %swap3A_70 = vector.shape_cast %broadcast_in_dim3A_0 : vector<16xf32> to vector<1x16xf32>
      tpu.vector_store %arg8[%swap3A_66, %swap3A_67], %swap3A_70 {strides = array<i32>} : memref<80x128xf32, #tpu.memory_space<vmem>>, vector<1x16xf32>,
      %swap3A_71 = arith.index_cast %scan3A_51 : i32 to index
      %swap3A_72 = arith.constant 64 : index
      %swap3A_73 = tpu.vector_load %arg8[%swap3A_71, %swap3A_72] {strides = array<i32>} : memref<80x128xf32, #tpu.memory_space<vmem>>, vector<1x16xf32>,
      %swap3A_74 = vector.shape_cast %swap3A_73 : vector<1x16xf32> to vector<16xf32>
      %swap3A_75 = vector.shape_cast %broadcast_in_dim3A_0 : vector<16xf32> to vector<1x16xf32>
      tpu.vector_store %arg8[%swap3A_71, %swap3A_72], %swap3A_75 {strides = array<i32>} : memref<80x128xf32, #tpu.memory_space<vmem>>, vector<1x16xf32>,
      %swap3A_76 = arith.index_cast %scan3A_51 : i32 to index
      %swap3A_77 = arith.constant 80 : index
      %swap3A_78 = tpu.vector_load %arg8[%swap3A_76, %swap3A_77] {strides = array<i32>} : memref<80x128xf32, #tpu.memory_space<vmem>>, vector<1x16xf32>,
      %swap3A_79 = vector.shape_cast %swap3A_78 : vector<1x16xf32> to vector<16xf32>
      %swap3A_80 = vector.shape_cast %broadcast_in_dim3A_0 : vector<16xf32> to vector<1x16xf32>
      tpu.vector_store %arg8[%swap3A_76, %swap3A_77], %swap3A_80 {strides = array<i32>} : memref<80x128xf32, #tpu.memory_space<vmem>>, vector<1x16xf32>,
      %swap3A_81 = arith.index_cast %scan3A_51 : i32 to index
      %swap3A_82 = arith.constant 96 : index
      %swap3A_83 = tpu.vector_load %arg8[%swap3A_81, %swap3A_82] {strides = array<i32>} : memref<80x128xf32, #tpu.memory_space<vmem>>, vector<1x16xf32>,
      %swap3A_84 = vector.shape_cast %swap3A_83 : vector<1x16xf32> to vector<16xf32>
      %swap3A_85 = vector.shape_cast %broadcast_in_dim3A_0 : vector<16xf32> to vector<1x16xf32>
      tpu.vector_store %arg8[%swap3A_81, %swap3A_82], %swap3A_85 {strides = array<i32>} : memref<80x128xf32, #tpu.memory_space<vmem>>, vector<1x16xf32>,
      %swap3A_86 = arith.index_cast %scan3A_51 : i32 to index
      %swap3A_87 = arith.constant 112 : index
      %swap3A_88 = tpu.vector_load %arg8[%swap3A_86, %swap3A_87] {strides = array<i32>} : memref<80x128xf32, #tpu.memory_space<vmem>>, vector<1x16xf32>,
      %swap3A_89 = vector.shape_cast %swap3A_88 : vector<1x16xf32> to vector<16xf32>
      %swap3A_90 = vector.shape_cast %broadcast_in_dim3A_0 : vector<16xf32> to vector<1x16xf32>
      tpu.vector_store %arg8[%swap3A_86, %swap3A_87], %swap3A_90 {strides = array<i32>} : memref<80x128xf32, #tpu.memory_space<vmem>>, vector<1x16xf32>,
    }
    %scan3A_5 = arith.constant 80 : i32
    %mul3A = arith.constant 624 : i32
    %mul3A_6 = arith.muli %arg1, %mul3A : i32
    %add3A = arith.constant 0 : i32
    %add3A_7 = arith.addi %mul3A_6, %add3A : i32
    "tpu.region"() ({
      %run_scoped3A = tpu.sem_alloc : memref<!tpu.dma_semaphore, #tpu.memory_space<semaphore_mem>>
      %dma_start3A = arith.constant 0 : i32
      %dma_start3A_51 = tpu.memref_slice %arg9[%add3A_7, %dma_start3A] : memref<10008x128xf32, #tpu.memory_space<vmem_shared>> -> memref<80x128xf32, #tpu.memory_space<vmem_shared>>
      %dma_start3A_52 = arith.constant 0 : i32
      %dma_start3A_53 = tpu.memref_slice %arg9[%add3A_7, %dma_start3A_52] : memref<10008x128xf32, #tpu.memory_space<vmem_shared>> -> memref<80x128xf32, #tpu.memory_space<vmem_shared>>
      tpu.enqueue_dma source(%arg8 : memref<80x128xf32, #tpu.memory_space<vmem>>) target(%dma_start3A_53 : memref<80x128xf32, #tpu.memory_space<vmem_shared>>) target_semaphore(%run_scoped3A : memref<!tpu.dma_semaphore, #tpu.memory_space<semaphore_mem>>)
      %dma_wait3A = arith.constant 0 : i32
      %dma_wait3A_54 = tpu.memref_slice %arg9[%add3A_7, %dma_wait3A] : memref<10008x128xf32, #tpu.memory_space<vmem_shared>> -> memref<80x128xf32, #tpu.memory_space<vmem_shared>>
      %dma_wait3A_55 = arith.constant 0 : i32
      %dma_wait3A_56 = tpu.memref_slice %arg9[%add3A_7, %dma_wait3A_55] : memref<10008x128xf32, #tpu.memory_space<vmem_shared>> -> memref<80x128xf32, #tpu.memory_space<vmem_shared>>
      tpu.wait_dma2 semaphore(%run_scoped3A : memref<!tpu.dma_semaphore, #tpu.memory_space<semaphore_mem>>) src(%arg8 : memref<80x128xf32, #tpu.memory_space<vmem>>) dst(%dma_wait3A_56 : memref<80x128xf32, #tpu.memory_space<vmem_shared>>)
      tpu.yield
    }) : () -> ()
    %add3A_8 = arith.constant 80 : i32
    %add3A_9 = arith.addi %mul3A_6, %add3A_8 : i32
    "tpu.region"() ({
      %run_scoped3A = tpu.sem_alloc : memref<!tpu.dma_semaphore, #tpu.memory_space<semaphore_mem>>
      %dma_start3A = arith.constant 0 : i32
      %dma_start3A_51 = tpu.memref_slice %arg9[%add3A_9, %dma_start3A] : memref<10008x128xf32, #tpu.memory_space<vmem_shared>> -> memref<80x128xf32, #tpu.memory_space<vmem_shared>>
      %dma_start3A_52 = arith.constant 0 : i32
      %dma_start3A_53 = tpu.memref_slice %arg9[%add3A_9, %dma_start3A_52] : memref<10008x128xf32, #tpu.memory_space<vmem_shared>> -> memref<80x128xf32, #tpu.memory_space<vmem_shared>>
      tpu.enqueue_dma source(%arg8 : memref<80x128xf32, #tpu.memory_space<vmem>>) target(%dma_start3A_53 : memref<80x128xf32, #tpu.memory_space<vmem_shared>>) target_semaphore(%run_scoped3A : memref<!tpu.dma_semaphore, #tpu.memory_space<semaphore_mem>>)
      %dma_wait3A = arith.constant 0 : i32
      %dma_wait3A_54 = tpu.memref_slice %arg9[%add3A_9, %dma_wait3A] : memref<10008x128xf32, #tpu.memory_space<vmem_shared>> -> memref<80x128xf32, #tpu.memory_space<vmem_shared>>
      %dma_wait3A_55 = arith.constant 0 : i32
      %dma_wait3A_56 = tpu.memref_slice %arg9[%add3A_9, %dma_wait3A_55] : memref<10008x128xf32, #tpu.memory_space<vmem_shared>> -> memref<80x128xf32, #tpu.memory_space<vmem_shared>>
      tpu.wait_dma2 semaphore(%run_scoped3A : memref<!tpu.dma_semaphore, #tpu.memory_space<semaphore_mem>>) src(%arg8 : memref<80x128xf32, #tpu.memory_space<vmem>>) dst(%dma_wait3A_56 : memref<80x128xf32, #tpu.memory_space<vmem_shared>>)
      tpu.yield
    }) : () -> ()
    %add3A_10 = arith.constant 160 : i32
    %add3A_11 = arith.addi %mul3A_6, %add3A_10 : i32
    "tpu.region"() ({
      %run_scoped3A = tpu.sem_alloc : memref<!tpu.dma_semaphore, #tpu.memory_space<semaphore_mem>>
      %dma_start3A = arith.constant 0 : i32
      %dma_start3A_51 = tpu.memref_slice %arg9[%add3A_11, %dma_start3A] : memref<10008x128xf32, #tpu.memory_space<vmem_shared>> -> memref<80x128xf32, #tpu.memory_space<vmem_shared>>
      %dma_start3A_52 = arith.constant 0 : i32
      %dma_start3A_53 = tpu.memref_slice %arg9[%add3A_11, %dma_start3A_52] : memref<10008x128xf32, #tpu.memory_space<vmem_shared>> -> memref<80x128xf32, #tpu.memory_space<vmem_shared>>
      tpu.enqueue_dma source(%arg8 : memref<80x128xf32, #tpu.memory_space<vmem>>) target(%dma_start3A_53 : memref<80x128xf32, #tpu.memory_space<vmem_shared>>) target_semaphore(%run_scoped3A : memref<!tpu.dma_semaphore, #tpu.memory_space<semaphore_mem>>)
      %dma_wait3A = arith.constant 0 : i32
      %dma_wait3A_54 = tpu.memref_slice %arg9[%add3A_11, %dma_wait3A] : memref<10008x128xf32, #tpu.memory_space<vmem_shared>> -> memref<80x128xf32, #tpu.memory_space<vmem_shared>>
      %dma_wait3A_55 = arith.constant 0 : i32
      %dma_wait3A_56 = tpu.memref_slice %arg9[%add3A_11, %dma_wait3A_55] : memref<10008x128xf32, #tpu.memory_space<vmem_shared>> -> memref<80x128xf32, #tpu.memory_space<vmem_shared>>
      tpu.wait_dma2 semaphore(%run_scoped3A : memref<!tpu.dma_semaphore, #tpu.memory_space<semaphore_mem>>) src(%arg8 : memref<80x128xf32, #tpu.memory_space<vmem>>) dst(%dma_wait3A_56 : memref<80x128xf32, #tpu.memory_space<vmem_shared>>)
      tpu.yield
    }) : () -> ()
    %add3A_12 = arith.constant 240 : i32
    %add3A_13 = arith.addi %mul3A_6, %add3A_12 : i32
    "tpu.region"() ({
      %run_scoped3A = tpu.sem_alloc : memref<!tpu.dma_semaphore, #tpu.memory_space<semaphore_mem>>
      %dma_start3A = arith.constant 0 : i32
      %dma_start3A_51 = tpu.memref_slice %arg9[%add3A_13, %dma_start3A] : memref<10008x128xf32, #tpu.memory_space<vmem_shared>> -> memref<80x128xf32, #tpu.memory_space<vmem_shared>>
      %dma_start3A_52 = arith.constant 0 : i32
      %dma_start3A_53 = tpu.memref_slice %arg9[%add3A_13, %dma_start3A_52] : memref<10008x128xf32, #tpu.memory_space<vmem_shared>> -> memref<80x128xf32, #tpu.memory_space<vmem_shared>>
      tpu.enqueue_dma source(%arg8 : memref<80x128xf32, #tpu.memory_space<vmem>>) target(%dma_start3A_53 : memref<80x128xf32, #tpu.memory_space<vmem_shared>>) target_semaphore(%run_scoped3A : memref<!tpu.dma_semaphore, #tpu.memory_space<semaphore_mem>>)
      %dma_wait3A = arith.constant 0 : i32
      %dma_wait3A_54 = tpu.memref_slice %arg9[%add3A_13, %dma_wait3A] : memref<10008x128xf32, #tpu.memory_space<vmem_shared>> -> memref<80x128xf32, #tpu.memory_space<vmem_shared>>
      %dma_wait3A_55 = arith.constant 0 : i32
      %dma_wait3A_56 = tpu.memref_slice %arg9[%add3A_13, %dma_wait3A_55] : memref<10008x128xf32, #tpu.memory_space<vmem_shared>> -> memref<80x128xf32, #tpu.memory_space<vmem_shared>>
      tpu.wait_dma2 semaphore(%run_scoped3A : memref<!tpu.dma_semaphore, #tpu.memory_space<semaphore_mem>>) src(%arg8 : memref<80x128xf32, #tpu.memory_space<vmem>>) dst(%dma_wait3A_56 : memref<80x128xf32, #tpu.memory_space<vmem_shared>>)
      tpu.yield
    }) : () -> ()
    %add3A_14 = arith.constant 320 : i32
    %add3A_15 = arith.addi %mul3A_6, %add3A_14 : i32
    "tpu.region"() ({
      %run_scoped3A = tpu.sem_alloc : memref<!tpu.dma_semaphore, #tpu.memory_space<semaphore_mem>>
      %dma_start3A = arith.constant 0 : i32
      %dma_start3A_51 = tpu.memref_slice %arg9[%add3A_15, %dma_start3A] : memref<10008x128xf32, #tpu.memory_space<vmem_shared>> -> memref<80x128xf32, #tpu.memory_space<vmem_shared>>
      %dma_start3A_52 = arith.constant 0 : i32
      %dma_start3A_53 = tpu.memref_slice %arg9[%add3A_15, %dma_start3A_52] : memref<10008x128xf32, #tpu.memory_space<vmem_shared>> -> memref<80x128xf32, #tpu.memory_space<vmem_shared>>
      tpu.enqueue_dma source(%arg8 : memref<80x128xf32, #tpu.memory_space<vmem>>) target(%dma_start3A_53 : memref<80x128xf32, #tpu.memory_space<vmem_shared>>) target_semaphore(%run_scoped3A : memref<!tpu.dma_semaphore, #tpu.memory_space<semaphore_mem>>)
      %dma_wait3A = arith.constant 0 : i32
      %dma_wait3A_54 = tpu.memref_slice %arg9[%add3A_15, %dma_wait3A] : memref<10008x128xf32, #tpu.memory_space<vmem_shared>> -> memref<80x128xf32, #tpu.memory_space<vmem_shared>>
      %dma_wait3A_55 = arith.constant 0 : i32
      %dma_wait3A_56 = tpu.memref_slice %arg9[%add3A_15, %dma_wait3A_55] : memref<10008x128xf32, #tpu.memory_space<vmem_shared>> -> memref<80x128xf32, #tpu.memory_space<vmem_shared>>
      tpu.wait_dma2 semaphore(%run_scoped3A : memref<!tpu.dma_semaphore, #tpu.memory_space<semaphore_mem>>) src(%arg8 : memref<80x128xf32, #tpu.memory_space<vmem>>) dst(%dma_wait3A_56 : memref<80x128xf32, #tpu.memory_space<vmem_shared>>)
      tpu.yield
    }) : () -> ()
    %add3A_16 = arith.constant 400 : i32
    %add3A_17 = arith.addi %mul3A_6, %add3A_16 : i32
    "tpu.region"() ({
      %run_scoped3A = tpu.sem_alloc : memref<!tpu.dma_semaphore, #tpu.memory_space<semaphore_mem>>
      %dma_start3A = arith.constant 0 : i32
      %dma_start3A_51 = tpu.memref_slice %arg9[%add3A_17, %dma_start3A] : memref<10008x128xf32, #tpu.memory_space<vmem_shared>> -> memref<80x128xf32, #tpu.memory_space<vmem_shared>>
      %dma_start3A_52 = arith.constant 0 : i32
      %dma_start3A_53 = tpu.memref_slice %arg9[%add3A_17, %dma_start3A_52] : memref<10008x128xf32, #tpu.memory_space<vmem_shared>> -> memref<80x128xf32, #tpu.memory_space<vmem_shared>>
      tpu.enqueue_dma source(%arg8 : memref<80x128xf32, #tpu.memory_space<vmem>>) target(%dma_start3A_53 : memref<80x128xf32, #tpu.memory_space<vmem_shared>>) target_semaphore(%run_scoped3A : memref<!tpu.dma_semaphore, #tpu.memory_space<semaphore_mem>>)
      %dma_wait3A = arith.constant 0 : i32
      %dma_wait3A_54 = tpu.memref_slice %arg9[%add3A_17, %dma_wait3A] : memref<10008x128xf32, #tpu.memory_space<vmem_shared>> -> memref<80x128xf32, #tpu.memory_space<vmem_shared>>
      %dma_wait3A_55 = arith.constant 0 : i32
      %dma_wait3A_56 = tpu.memref_slice %arg9[%add3A_17, %dma_wait3A_55] : memref<10008x128xf32, #tpu.memory_space<vmem_shared>> -> memref<80x128xf32, #tpu.memory_space<vmem_shared>>
      tpu.wait_dma2 semaphore(%run_scoped3A : memref<!tpu.dma_semaphore, #tpu.memory_space<semaphore_mem>>) src(%arg8 : memref<80x128xf32, #tpu.memory_space<vmem>>) dst(%dma_wait3A_56 : memref<80x128xf32, #tpu.memory_space<vmem_shared>>)
      tpu.yield
    }) : () -> ()
    %add3A_18 = arith.constant 480 : i32
    %add3A_19 = arith.addi %mul3A_6, %add3A_18 : i32
    "tpu.region"() ({
      %run_scoped3A = tpu.sem_alloc : memref<!tpu.dma_semaphore, #tpu.memory_space<semaphore_mem>>
      %dma_start3A = arith.constant 0 : i32
      %dma_start3A_51 = tpu.memref_slice %arg9[%add3A_19, %dma_start3A] : memref<10008x128xf32, #tpu.memory_space<vmem_shared>> -> memref<80x128xf32, #tpu.memory_space<vmem_shared>>
      %dma_start3A_52 = arith.constant 0 : i32
      %dma_start3A_53 = tpu.memref_slice %arg9[%add3A_19, %dma_start3A_52] : memref<10008x128xf32, #tpu.memory_space<vmem_shared>> -> memref<80x128xf32, #tpu.memory_space<vmem_shared>>
      tpu.enqueue_dma source(%arg8 : memref<80x128xf32, #tpu.memory_space<vmem>>) target(%dma_start3A_53 : memref<80x128xf32, #tpu.memory_space<vmem_shared>>) target_semaphore(%run_scoped3A : memref<!tpu.dma_semaphore, #tpu.memory_space<semaphore_mem>>)
      %dma_wait3A = arith.constant 0 : i32
      %dma_wait3A_54 = tpu.memref_slice %arg9[%add3A_19, %dma_wait3A] : memref<10008x128xf32, #tpu.memory_space<vmem_shared>> -> memref<80x128xf32, #tpu.memory_space<vmem_shared>>
      %dma_wait3A_55 = arith.constant 0 : i32
      %dma_wait3A_56 = tpu.memref_slice %arg9[%add3A_19, %dma_wait3A_55] : memref<10008x128xf32, #tpu.memory_space<vmem_shared>> -> memref<80x128xf32, #tpu.memory_space<vmem_shared>>
      tpu.wait_dma2 semaphore(%run_scoped3A : memref<!tpu.dma_semaphore, #tpu.memory_space<semaphore_mem>>) src(%arg8 : memref<80x128xf32, #tpu.memory_space<vmem>>) dst(%dma_wait3A_56 : memref<80x128xf32, #tpu.memory_space<vmem_shared>>)
      tpu.yield
    }) : () -> ()
    %add3A_20 = arith.constant 560 : i32
    %add3A_21 = arith.addi %mul3A_6, %add3A_20 : i32
    "tpu.region"() ({
      %run_scoped3A = tpu.sem_alloc : memref<!tpu.dma_semaphore, #tpu.memory_space<semaphore_mem>>
      %dma_start3A = arith.constant 0 : i32
      %dma_start3A_51 = arith.constant 0 : i32
      %dma_start3A_52 = tpu.memref_slice %arg8[%dma_start3A, %dma_start3A_51] : memref<80x128xf32, #tpu.memory_space<vmem>> -> memref<64x128xf32, #tpu.memory_space<vmem>>
      %dma_start3A_53 = arith.constant 0 : i32
      %dma_start3A_54 = tpu.memref_slice %arg9[%add3A_21, %dma_start3A_53] : memref<10008x128xf32, #tpu.memory_space<vmem_shared>> -> memref<64x128xf32, #tpu.memory_space<vmem_shared>>
      %dma_start3A_55 = arith.constant 0 : i32
      %dma_start3A_56 = tpu.memref_slice %arg9[%add3A_21, %dma_start3A_55] : memref<10008x128xf32, #tpu.memory_space<vmem_shared>> -> memref<64x128xf32, #tpu.memory_space<vmem_shared>>
      %dma_start3A_57 = arith.constant 0 : i32
      %dma_start3A_58 = arith.constant 0 : i32
      %dma_start3A_59 = tpu.memref_slice %arg8[%dma_start3A_57, %dma_start3A_58] : memref<80x128xf32, #tpu.memory_space<vmem>> -> memref<64x128xf32, #tpu.memory_space<vmem>>
      tpu.enqueue_dma source(%dma_start3A_59 : memref<64x128xf32, #tpu.memory_space<vmem>>) target(%dma_start3A_56 : memref<64x128xf32, #tpu.memory_space<vmem_shared>>) target_semaphore(%run_scoped3A : memref<!tpu.dma_semaphore, #tpu.memory_space<semaphore_mem>>)
      %dma_wait3A = arith.constant 0 : i32
      %dma_wait3A_60 = arith.constant 0 : i32
      %dma_wait3A_61 = tpu.memref_slice %arg8[%dma_wait3A, %dma_wait3A_60] : memref<80x128xf32, #tpu.memory_space<vmem>> -> memref<64x128xf32, #tpu.memory_space<vmem>>
      %dma_wait3A_62 = arith.constant 0 : i32
      %dma_wait3A_63 = tpu.memref_slice %arg9[%add3A_21, %dma_wait3A_62] : memref<10008x128xf32, #tpu.memory_space<vmem_shared>> -> memref<64x128xf32, #tpu.memory_space<vmem_shared>>
      %dma_wait3A_64 = arith.constant 0 : i32
      %dma_wait3A_65 = tpu.memref_slice %arg9[%add3A_21, %dma_wait3A_64] : memref<10008x128xf32, #tpu.memory_space<vmem_shared>> -> memref<64x128xf32, #tpu.memory_space<vmem_shared>>
      %dma_wait3A_66 = arith.constant 0 : i32
      %dma_wait3A_67 = arith.constant 0 : i32
      %dma_wait3A_68 = tpu.memref_slice %arg8[%dma_wait3A_66, %dma_wait3A_67] : memref<80x128xf32, #tpu.memory_space<vmem>> -> memref<64x128xf32, #tpu.memory_space<vmem>>
      tpu.wait_dma2 semaphore(%run_scoped3A : memref<!tpu.dma_semaphore, #tpu.memory_space<semaphore_mem>>) src(%dma_wait3A_68 : memref<64x128xf32, #tpu.memory_space<vmem>>) dst(%dma_wait3A_65 : memref<64x128xf32, #tpu.memory_space<vmem_shared>>)
      tpu.yield
    }) : () -> ()
    %eq3A = arith.constant 0 : i32
    %eq3A_22 = arith.cmpi eq, %arg1, %eq3A : i32
    %convert_element_type3A = arith.extui %eq3A_22 : i1 to i32
    %cond3A = arith.constant 0 : i32
    %cond3A_23 = arith.cmpi ne, %convert_element_type3A, %cond3A : i32
    scf.if %cond3A_23 {
      "tpu.region"() ({
        %run_scoped3A = tpu.sem_alloc : memref<!tpu.dma_semaphore, #tpu.memory_space<semaphore_mem>>
        %dma_start3A = arith.constant 0 : i32
        %dma_start3A_51 = arith.constant 0 : i32
        %dma_start3A_52 = tpu.memref_slice %arg8[%dma_start3A, %dma_start3A_51] : memref<80x128xf32, #tpu.memory_space<vmem>> -> memref<24x128xf32, #tpu.memory_space<vmem>>
        %dma_start3A_53 = arith.constant 9984 : i32
        %dma_start3A_54 = arith.constant 0 : i32
        %dma_start3A_55 = tpu.memref_slice %arg9[%dma_start3A_53, %dma_start3A_54] : memref<10008x128xf32, #tpu.memory_space<vmem_shared>> -> memref<24x128xf32, #tpu.memory_space<vmem_shared>>
        %dma_start3A_56 = arith.constant 9984 : i32
        %dma_start3A_57 = arith.constant 0 : i32
        %dma_start3A_58 = tpu.memref_slice %arg9[%dma_start3A_56, %dma_start3A_57] : memref<10008x128xf32, #tpu.memory_space<vmem_shared>> -> memref<24x128xf32, #tpu.memory_space<vmem_shared>>
        %dma_start3A_59 = arith.constant 0 : i32
        %dma_start3A_60 = arith.constant 0 : i32
        %dma_start3A_61 = tpu.memref_slice %arg8[%dma_start3A_59, %dma_start3A_60] : memref<80x128xf32, #tpu.memory_space<vmem>> -> memref<24x128xf32, #tpu.memory_space<vmem>>
        tpu.enqueue_dma source(%dma_start3A_61 : memref<24x128xf32, #tpu.memory_space<vmem>>) target(%dma_start3A_58 : memref<24x128xf32, #tpu.memory_space<vmem_shared>>) target_semaphore(%run_scoped3A : memref<!tpu.dma_semaphore, #tpu.memory_space<semaphore_mem>>)
        %dma_wait3A = arith.constant 0 : i32
        %dma_wait3A_62 = arith.constant 0 : i32
        %dma_wait3A_63 = tpu.memref_slice %arg8[%dma_wait3A, %dma_wait3A_62] : memref<80x128xf32, #tpu.memory_space<vmem>> -> memref<24x128xf32, #tpu.memory_space<vmem>>
        %dma_wait3A_64 = arith.constant 9984 : i32
        %dma_wait3A_65 = arith.constant 0 : i32
        %dma_wait3A_66 = tpu.memref_slice %arg9[%dma_wait3A_64, %dma_wait3A_65] : memref<10008x128xf32, #tpu.memory_space<vmem_shared>> -> memref<24x128xf32, #tpu.memory_space<vmem_shared>>
        %dma_wait3A_67 = arith.constant 9984 : i32
        %dma_wait3A_68 = arith.constant 0 : i32
        %dma_wait3A_69 = tpu.memref_slice %arg9[%dma_wait3A_67, %dma_wait3A_68] : memref<10008x128xf32, #tpu.memory_space<vmem_shared>> -> memref<24x128xf32, #tpu.memory_space<vmem_shared>>
        %dma_wait3A_70 = arith.constant 0 : i32
        %dma_wait3A_71 = arith.constant 0 : i32
        %dma_wait3A_72 = tpu.memref_slice %arg8[%dma_wait3A_70, %dma_wait3A_71] : memref<80x128xf32, #tpu.memory_space<vmem>> -> memref<24x128xf32, #tpu.memory_space<vmem>>
        tpu.wait_dma2 semaphore(%run_scoped3A : memref<!tpu.dma_semaphore, #tpu.memory_space<semaphore_mem>>) src(%dma_wait3A_72 : memref<24x128xf32, #tpu.memory_space<vmem>>) dst(%dma_wait3A_69 : memref<24x128xf32, #tpu.memory_space<vmem_shared>>)
        tpu.yield
      }) : () -> ()
    } else {
    }
    %barrier3A = arith.constant 0 : index
    tpu.barrier barrier_id(%barrier3A)
    %mul3A_24 = arith.constant 320000 : i32
    %mul3A_25 = arith.muli %arg0, %mul3A_24 : i32
    %mul3A_26 = arith.constant 20000 : i32
    %mul3A_27 = arith.muli %arg1, %mul3A_26 : i32
    %add3A_28 = arith.addi %mul3A_25, %mul3A_27 : i32
    %mul3A_29 = arith.constant 0 : i32
    %mul3A_30 = arith.muli %arg0, %mul3A_29 : i32
    %mul3A_31 = arith.constant 20000 : i32
    %mul3A_32 = arith.muli %arg1, %mul3A_31 : i32
    %add3A_33 = arith.addi %mul3A_30, %mul3A_32 : i32
    %scan3A_34 = arith.constant 0 : i32
    %scan3A_35 = arith.constant 0 : i32
    %scan3A_36 = arith.constant 250 : i32
    %scan3A_37 = arith.addi %scan3A_35, %scan3A_36 : i32
    %scan3A_38 = arith.constant 1 : i32
    scf.for %scan3A_51 = %scan3A_35 to %scan3A_37 step %scan3A_38  : i32 {
      %mul3A_52 = arith.constant 80 : i32
      %mul3A_53 = arith.muli %scan3A_51, %mul3A_52 : i32
      %add3A_54 = arith.addi %add3A_28, %mul3A_53 : i32
      "tpu.region"() ({
        %run_scoped3A = tpu.sem_alloc : memref<!tpu.dma_semaphore, #tpu.memory_space<semaphore_mem>>
        %dma_start3A_60 = tpu.memref_slice %arg3[%add3A_54] : memref<640000xi32, #tpu.memory_space<hbm>> -> memref<80xi32, #tpu.memory_space<hbm>>
        %dma_start3A_61 = tpu.memref_slice %arg3[%add3A_54] : memref<640000xi32, #tpu.memory_space<hbm>> -> memref<80xi32, #tpu.memory_space<hbm>>
        tpu.enqueue_dma source(%dma_start3A_61 : memref<80xi32, #tpu.memory_space<hbm>>) target(%arg6 : memref<80xi32, #tpu.memory_space<vmem>>) target_semaphore(%run_scoped3A : memref<!tpu.dma_semaphore, #tpu.memory_space<semaphore_mem>>)
        %dma_wait3A_62 = tpu.memref_slice %arg3[%add3A_54] : memref<640000xi32, #tpu.memory_space<hbm>> -> memref<80xi32, #tpu.memory_space<hbm>>
        %dma_wait3A_63 = tpu.memref_slice %arg3[%add3A_54] : memref<640000xi32, #tpu.memory_space<hbm>> -> memref<80xi32, #tpu.memory_space<hbm>>
        tpu.wait_dma2 semaphore(%run_scoped3A : memref<!tpu.dma_semaphore, #tpu.memory_space<semaphore_mem>>) src(%dma_wait3A_63 : memref<80xi32, #tpu.memory_space<hbm>>) dst(%arg6 : memref<80xi32, #tpu.memory_space<vmem>>)
        tpu.yield
      }) : () -> ()
      %add3A_55 = arith.addi %add3A_33, %mul3A_53 : i32
      "tpu.region"() ({
        %run_scoped3A = tpu.sem_alloc : memref<!tpu.dma_semaphore, #tpu.memory_space<semaphore_mem>>
        %dma_start3A_60 = tpu.memref_slice %arg4[%add3A_55] : memref<320000xi32, #tpu.memory_space<hbm>> -> memref<80xi32, #tpu.memory_space<hbm>>
        %dma_start3A_61 = tpu.memref_slice %arg4[%add3A_55] : memref<320000xi32, #tpu.memory_space<hbm>> -> memref<80xi32, #tpu.memory_space<hbm>>
        tpu.enqueue_dma source(%dma_start3A_61 : memref<80xi32, #tpu.memory_space<hbm>>) target(%arg7 : memref<80xi32, #tpu.memory_space<vmem>>) target_semaphore(%run_scoped3A : memref<!tpu.dma_semaphore, #tpu.memory_space<semaphore_mem>>)
        %dma_wait3A_62 = tpu.memref_slice %arg4[%add3A_55] : memref<320000xi32, #tpu.memory_space<hbm>> -> memref<80xi32, #tpu.memory_space<hbm>>
        %dma_wait3A_63 = tpu.memref_slice %arg4[%add3A_55] : memref<320000xi32, #tpu.memory_space<hbm>> -> memref<80xi32, #tpu.memory_space<hbm>>
        tpu.wait_dma2 semaphore(%run_scoped3A : memref<!tpu.dma_semaphore, #tpu.memory_space<semaphore_mem>>) src(%dma_wait3A_63 : memref<80xi32, #tpu.memory_space<hbm>>) dst(%arg7 : memref<80xi32, #tpu.memory_space<vmem>>)
        tpu.yield
      }) : () -> ()
      %dma_start3A = arith.constant 0 : i32
      %dma_start3A_56 = arith.constant 0 : i32
      %dma_start3A_57 = tpu.memref_slice %arg2[%dma_start3A, %dma_start3A_56] : memref<20000x128xf32, #tpu.memory_space<hbm>> -> memref<20000x128xf32, #tpu.memory_space<hbm>>
      tpu.enqueue_indirect_dma source(%dma_start3A_57 : memref<20000x128xf32, #tpu.memory_space<hbm>>) target(%arg8 : memref<80x128xf32, #tpu.memory_space<vmem>>) offsets(%arg6 : memref<80xi32, #tpu.memory_space<vmem>>) semaphore(%arg10 : memref<!tpu.dma_semaphore, #tpu.memory_space<semaphore_mem>>)
      %dma_wait3A = arith.constant 0 : i32
      %dma_wait3A_58 = arith.constant 0 : i32
      %dma_wait3A_59 = tpu.memref_slice %arg2[%dma_wait3A, %dma_wait3A_58] : memref<20000x128xf32, #tpu.memory_space<hbm>> -> memref<20000x128xf32, #tpu.memory_space<hbm>>
      tpu.wait_indirect_dma semaphore(%arg10 : memref<!tpu.dma_semaphore, #tpu.memory_space<semaphore_mem>>) src(%dma_wait3A_59 : memref<20000x128xf32, #tpu.memory_space<hbm>>) dst(%arg8 : memref<80x128xf32, #tpu.memory_space<vmem>>)
      "tpu.region"() ({
        %run_scoped3A = tpu.sem_alloc : memref<!tpu.dma_semaphore, #tpu.memory_space<semaphore_mem>>
        %dma_start3A_60 = arith.constant 0 : i32
        %dma_start3A_61 = arith.constant 0 : i32
        %dma_start3A_62 = tpu.memref_slice %arg9[%dma_start3A_60, %dma_start3A_61] : memref<10008x128xf32, #tpu.memory_space<vmem_shared>> -> memref<10008x128xf32, #tpu.memory_space<vmem_shared>>
        tpu.enqueue_indirect_dma source(%arg8 : memref<80x128xf32, #tpu.memory_space<vmem>>) target(%dma_start3A_62 : memref<10008x128xf32, #tpu.memory_space<vmem_shared>>) offsets(%arg7 : memref<80xi32, #tpu.memory_space<vmem>>) semaphore(%run_scoped3A : memref<!tpu.dma_semaphore, #tpu.memory_space<semaphore_mem>>) {add = true}
        %dma_wait3A_63 = arith.constant 0 : i32
        %dma_wait3A_64 = arith.constant 0 : i32
        %dma_wait3A_65 = tpu.memref_slice %arg9[%dma_wait3A_63, %dma_wait3A_64] : memref<10008x128xf32, #tpu.memory_space<vmem_shared>> -> memref<10008x128xf32, #tpu.memory_space<vmem_shared>>
        tpu.wait_indirect_dma semaphore(%run_scoped3A : memref<!tpu.dma_semaphore, #tpu.memory_space<semaphore_mem>>) src(%arg8 : memref<80x128xf32, #tpu.memory_space<vmem>>) dst(%dma_wait3A_65 : memref<10008x128xf32, #tpu.memory_space<vmem_shared>>)
        tpu.yield
      }) : () -> ()
    }
    %scan3A_39 = arith.constant 250 : i32
    %barrier3A_40 = arith.constant 0 : index
    tpu.barrier barrier_id(%barrier3A_40)
    %mul3A_41 = arith.constant 10000 : i32
    %mul3A_42 = arith.muli %arg0, %mul3A_41 : i32
    %mul3A_43 = arith.constant 624 : i32
    %mul3A_44 = arith.muli %arg1, %mul3A_43 : i32
    %add3A_45 = arith.addi %mul3A_42, %mul3A_44 : i32
    "tpu.region"() ({
      %run_scoped3A = tpu.sem_alloc : memref<!tpu.dma_semaphore, #tpu.memory_space<semaphore_mem>>
      %dma_start3A = arith.constant 0 : i32
      %dma_start3A_51 = tpu.memref_slice %arg5[%add3A_45, %dma_start3A] : memref<20000x128xf32, #tpu.memory_space<hbm>> -> memref<624x128xf32, #tpu.memory_space<hbm>>
      %dma_start3A_52 = arith.constant 0 : i32
      %dma_start3A_53 = tpu.memref_slice %arg9[%mul3A_44, %dma_start3A_52] : memref<10008x128xf32, #tpu.memory_space<vmem_shared>> -> memref<624x128xf32, #tpu.memory_space<vmem_shared>>
      tpu.enqueue_dma source(%dma_start3A_53 : memref<624x128xf32, #tpu.memory_space<vmem_shared>>) target(%dma_start3A_51 : memref<624x128xf32, #tpu.memory_space<hbm>>) target_semaphore(%run_scoped3A : memref<!tpu.dma_semaphore, #tpu.memory_space<semaphore_mem>>)
      %dma_wait3A = arith.constant 0 : i32
      %dma_wait3A_54 = tpu.memref_slice %arg5[%add3A_45, %dma_wait3A] : memref<20000x128xf32, #tpu.memory_space<hbm>> -> memref<624x128xf32, #tpu.memory_space<hbm>>
      %dma_wait3A_55 = arith.constant 0 : i32
      %dma_wait3A_56 = tpu.memref_slice %arg9[%mul3A_44, %dma_wait3A_55] : memref<10008x128xf32, #tpu.memory_space<vmem_shared>> -> memref<624x128xf32, #tpu.memory_space<vmem_shared>>
      tpu.wait_dma2 semaphore(%run_scoped3A : memref<!tpu.dma_semaphore, #tpu.memory_space<semaphore_mem>>) src(%dma_wait3A_56 : memref<624x128xf32, #tpu.memory_space<vmem_shared>>) dst(%dma_wait3A_54 : memref<624x128xf32, #tpu.memory_space<hbm>>)
      tpu.yield
    }) : () -> ()
    %eq3A_46 = arith.constant 0 : i32
    %eq3A_47 = arith.cmpi eq, %arg1, %eq3A_46 : i32
    %convert_element_type3A_48 = arith.extui %eq3A_47 : i1 to i32
    %cond3A_49 = arith.constant 0 : i32
    %cond3A_50 = arith.cmpi ne, %convert_element_type3A_48, %cond3A_49 : i32
    scf.if %cond3A_50 {
      %add3A_51 = arith.constant 9984 : i32
      %add3A_52 = arith.addi %mul3A_42, %add3A_51 : i32
      "tpu.region"() ({
        %run_scoped3A = tpu.sem_alloc : memref<!tpu.dma_semaphore, #tpu.memory_space<semaphore_mem>>
        %dma_start3A = arith.constant 0 : i32
        %dma_start3A_53 = tpu.memref_slice %arg5[%add3A_52, %dma_start3A] : memref<20000x128xf32, #tpu.memory_space<hbm>> -> memref<16x128xf32, #tpu.memory_space<hbm>>
        %dma_start3A_54 = arith.constant 9984 : i32
        %dma_start3A_55 = arith.constant 0 : i32
        %dma_start3A_56 = tpu.memref_slice %arg9[%dma_start3A_54, %dma_start3A_55] : memref<10008x128xf32, #tpu.memory_space<vmem_shared>> -> memref<16x128xf32, #tpu.memory_space<vmem_shared>>
        tpu.enqueue_dma source(%dma_start3A_56 : memref<16x128xf32, #tpu.memory_space<vmem_shared>>) target(%dma_start3A_53 : memref<16x128xf32, #tpu.memory_space<hbm>>) target_semaphore(%run_scoped3A : memref<!tpu.dma_semaphore, #tpu.memory_space<semaphore_mem>>)
        %dma_wait3A = arith.constant 0 : i32
        %dma_wait3A_57 = tpu.memref_slice %arg5[%add3A_52, %dma_wait3A] : memref<20000x128xf32, #tpu.memory_space<hbm>> -> memref<16x128xf32, #tpu.memory_space<hbm>>
        %dma_wait3A_58 = arith.constant 9984 : i32
        %dma_wait3A_59 = arith.constant 0 : i32
        %dma_wait3A_60 = tpu.memref_slice %arg9[%dma_wait3A_58, %dma_wait3A_59] : memref<10008x128xf32, #tpu.memory_space<vmem_shared>> -> memref<16x128xf32, #tpu.memory_space<vmem_shared>>
        tpu.wait_dma2 semaphore(%run_scoped3A : memref<!tpu.dma_semaphore, #tpu.memory_space<semaphore_mem>>) src(%dma_wait3A_60 : memref<16x128xf32, #tpu.memory_space<vmem_shared>>) dst(%dma_wait3A_57 : memref<16x128xf32, #tpu.memory_space<hbm>>)
        tpu.yield
      }) : () -> ()
    } else {
    }
    return
  }
}

#map = affine_map<(d0, d1) -> (0, 0)>
#map1 = affine_map<(d0, d1) -> (0)>
module attributes {stable_mosaic.version = 14 : i64} {
  func.func @body(%arg0: i32, %arg1: i32, %arg2: memref<20000x128xf32, #tpu.memory_space<hbm>>, %arg3: memref<640000xi32, #tpu.memory_space<hbm>>, %arg4: memref<320000xi32, #tpu.memory_space<hbm>>, %arg5: memref<20000x128xf32, #tpu.memory_space<hbm>>, %arg6: memref<80xi32, #tpu.memory_space<vmem>>, %arg7: memref<80xi32, #tpu.memory_space<vmem>>, %arg8: memref<80x128xf32, #tpu.memory_space<vmem>>, %arg9: memref<10008x128xf32, #tpu.memory_space<vmem_shared>>, %arg10: memref<!tpu.dma_semaphore, #tpu.memory_space<semaphore_mem>>) attributes {dimension_semantics = [#tpu.dimension_semantics<core_parallel>, #tpu.dimension_semantics<subcore_parallel>], iteration_bounds = array<i64: 2, 16>, scalar_prefetch = 0 : i64, scratch_operands = 5 : i64, tpu.core_type = #tpu.core_type<sc_vector_subcore>, window_params = [{transform_indices = #map}, {transform_indices = #map1}, {transform_indices = #map1}, {transform_indices = #map}]} {
    %broadcast_in_dim3A = arith.constant 0.000000e+00 : f32
    %broadcast_in_dim3A_0 = vector.broadcast %broadcast_in_dim3A : f32 to vector<16xf32>
    %scan3A = arith.constant 0 : i32
    %scan3A_1 = arith.constant 0 : i32
    %scan3A_2 = arith.constant 80 : i32
    %scan3A_3 = arith.addi %scan3A_1, %scan3A_2 : i32
    %scan3A_4 = arith.constant 1 : i32
    scf.for %scan3A_51 = %scan3A_1 to %scan3A_3 step %scan3A_4  : i32 {
      %swap3A = arith.index_cast %scan3A_51 : i32 to index
      %swap3A_52 = arith.constant 0 : index
      %swap3A_53 = tpu.vector_load %arg8[%swap3A, %swap3A_52] {strides = array<i32>} : memref<80x128xf32, #tpu.memory_space<vmem>>, vector<1x16xf32>,
      %swap3A_54 = vector.shape_cast %swap3A_53 : vector<1x16xf32> to vector<16xf32>
      %swap3A_55 = vector.shape_cast %broadcast_in_dim3A_0 : vector<16xf32> to vector<1x16xf32>
      tpu.vector_store %arg8[%swap3A, %swap3A_52], %swap3A_55 {strides = array<i32>} : memref<80x128xf32, #tpu.memory_space<vmem>>, vector<1x16xf32>,
      %swap3A_56 = arith.index_cast %scan3A_51 : i32 to index
      %swap3A_57 = arith.constant 16 : index
      %swap3A_58 = tpu.vector_load %arg8[%swap3A_56, %swap3A_57] {strides = array<i32>} : memref<80x128xf32, #tpu.memory_space<vmem>>, vector<1x16xf32>,
      %swap3A_59 = vector.shape_cast %swap3A_58 : vector<1x16xf32> to vector<16xf32>
      %swap3A_60 = vector.shape_cast %broadcast_in_dim3A_0 : vector<16xf32> to vector<1x16xf32>
      tpu.vector_store %arg8[%swap3A_56, %swap3A_57], %swap3A_60 {strides = array<i32>} : memref<80x128xf32, #tpu.memory_space<vmem>>, vector<1x16xf32>,
      %swap3A_61 = arith.index_cast %scan3A_51 : i32 to index
      %swap3A_62 = arith.constant 32 : index
      %swap3A_63 = tpu.vector_load %arg8[%swap3A_61, %swap3A_62] {strides = array<i32>} : memref<80x128xf32, #tpu.memory_space<vmem>>, vector<1x16xf32>,
      %swap3A_64 = vector.shape_cast %swap3A_63 : vector<1x16xf32> to vector<16xf32>
      %swap3A_65 = vector.shape_cast %broadcast_in_dim3A_0 : vector<16xf32> to vector<1x16xf32>
      tpu.vector_store %arg8[%swap3A_61, %swap3A_62], %swap3A_65 {strides = array<i32>} : memref<80x128xf32, #tpu.memory_space<vmem>>, vector<1x16xf32>,
      %swap3A_66 = arith.index_cast %scan3A_51 : i32 to index
      %swap3A_67 = arith.constant 48 : index
      %swap3A_68 = tpu.vector_load %arg8[%swap3A_66, %swap3A_67] {strides = array<i32>} : memref<80x128xf32, #tpu.memory_space<vmem>>, vector<1x16xf32>,
      %swap3A_69 = vector.shape_cast %swap3A_68 : vector<1x16xf32> to vector<16xf32>
      %swap3A_70 = vector.shape_cast %broadcast_in_dim3A_0 : vector<16xf32> to vector<1x16xf32>
      tpu.vector_store %arg8[%swap3A_66, %swap3A_67], %swap3A_70 {strides = array<i32>} : memref<80x128xf32, #tpu.memory_space<vmem>>, vector<1x16xf32>,
      %swap3A_71 = arith.index_cast %scan3A_51 : i32 to index
      %swap3A_72 = arith.constant 64 : index
      %swap3A_73 = tpu.vector_load %arg8[%swap3A_71, %swap3A_72] {strides = array<i32>} : memref<80x128xf32, #tpu.memory_space<vmem>>, vector<1x16xf32>,
      %swap3A_74 = vector.shape_cast %swap3A_73 : vector<1x16xf32> to vector<16xf32>
      %swap3A_75 = vector.shape_cast %broadcast_in_dim3A_0 : vector<16xf32> to vector<1x16xf32>
      tpu.vector_store %arg8[%swap3A_71, %swap3A_72], %swap3A_75 {strides = array<i32>} : memref<80x128xf32, #tpu.memory_space<vmem>>, vector<1x16xf32>,
      %swap3A_76 = arith.index_cast %scan3A_51 : i32 to index
      %swap3A_77 = arith.constant 80 : index
      %swap3A_78 = tpu.vector_load %arg8[%swap3A_76, %swap3A_77] {strides = array<i32>} : memref<80x128xf32, #tpu.memory_space<vmem>>, vector<1x16xf32>,
      %swap3A_79 = vector.shape_cast %swap3A_78 : vector<1x16xf32> to vector<16xf32>
      %swap3A_80 = vector.shape_cast %broadcast_in_dim3A_0 : vector<16xf32> to vector<1x16xf32>
      tpu.vector_store %arg8[%swap3A_76, %swap3A_77], %swap3A_80 {strides = array<i32>} : memref<80x128xf32, #tpu.memory_space<vmem>>, vector<1x16xf32>,
      %swap3A_81 = arith.index_cast %scan3A_51 : i32 to index
      %swap3A_82 = arith.constant 96 : index
      %swap3A_83 = tpu.vector_load %arg8[%swap3A_81, %swap3A_82] {strides = array<i32>} : memref<80x128xf32, #tpu.memory_space<vmem>>, vector<1x16xf32>,
      %swap3A_84 = vector.shape_cast %swap3A_83 : vector<1x16xf32> to vector<16xf32>
      %swap3A_85 = vector.shape_cast %broadcast_in_dim3A_0 : vector<16xf32> to vector<1x16xf32>
      tpu.vector_store %arg8[%swap3A_81, %swap3A_82], %swap3A_85 {strides = array<i32>} : memref<80x128xf32, #tpu.memory_space<vmem>>, vector<1x16xf32>,
      %swap3A_86 = arith.index_cast %scan3A_51 : i32 to index
      %swap3A_87 = arith.constant 112 : index
      %swap3A_88 = tpu.vector_load %arg8[%swap3A_86, %swap3A_87] {strides = array<i32>} : memref<80x128xf32, #tpu.memory_space<vmem>>, vector<1x16xf32>,
      %swap3A_89 = vector.shape_cast %swap3A_88 : vector<1x16xf32> to vector<16xf32>
      %swap3A_90 = vector.shape_cast %broadcast_in_dim3A_0 : vector<16xf32> to vector<1x16xf32>
      tpu.vector_store %arg8[%swap3A_86, %swap3A_87], %swap3A_90 {strides = array<i32>} : memref<80x128xf32, #tpu.memory_space<vmem>>, vector<1x16xf32>,
    }
    %scan3A_5 = arith.constant 80 : i32
    %mul3A = arith.constant 624 : i32
    %mul3A_6 = arith.muli %arg1, %mul3A : i32
    %add3A = arith.constant 0 : i32
    %add3A_7 = arith.addi %mul3A_6, %add3A : i32
    "tpu.region"() ({
      %run_scoped3A = tpu.sem_alloc : memref<!tpu.dma_semaphore, #tpu.memory_space<semaphore_mem>>
      %dma_start3A = arith.constant 0 : i32
      %dma_start3A_51 = tpu.memref_slice %arg9[%add3A_7, %dma_start3A] : memref<10008x128xf32, #tpu.memory_space<vmem_shared>> -> memref<80x128xf32, #tpu.memory_space<vmem_shared>>
      %dma_start3A_52 = arith.constant 0 : i32
      %dma_start3A_53 = tpu.memref_slice %arg9[%add3A_7, %dma_start3A_52] : memref<10008x128xf32, #tpu.memory_space<vmem_shared>> -> memref<80x128xf32, #tpu.memory_space<vmem_shared>>
      tpu.enqueue_dma source(%arg8 : memref<80x128xf32, #tpu.memory_space<vmem>>) target(%dma_start3A_53 : memref<80x128xf32, #tpu.memory_space<vmem_shared>>) target_semaphore(%run_scoped3A : memref<!tpu.dma_semaphore, #tpu.memory_space<semaphore_mem>>)
      %dma_wait3A = arith.constant 0 : i32
      %dma_wait3A_54 = tpu.memref_slice %arg9[%add3A_7, %dma_wait3A] : memref<10008x128xf32, #tpu.memory_space<vmem_shared>> -> memref<80x128xf32, #tpu.memory_space<vmem_shared>>
      %dma_wait3A_55 = arith.constant 0 : i32
      %dma_wait3A_56 = tpu.memref_slice %arg9[%add3A_7, %dma_wait3A_55] : memref<10008x128xf32, #tpu.memory_space<vmem_shared>> -> memref<80x128xf32, #tpu.memory_space<vmem_shared>>
      tpu.wait_dma2 semaphore(%run_scoped3A : memref<!tpu.dma_semaphore, #tpu.memory_space<semaphore_mem>>) src(%arg8 : memref<80x128xf32, #tpu.memory_space<vmem>>) dst(%dma_wait3A_56 : memref<80x128xf32, #tpu.memory_space<vmem_shared>>)
      tpu.yield
    }) : () -> ()
    %add3A_8 = arith.constant 80 : i32
    %add3A_9 = arith.addi %mul3A_6, %add3A_8 : i32
    "tpu.region"() ({
      %run_scoped3A = tpu.sem_alloc : memref<!tpu.dma_semaphore, #tpu.memory_space<semaphore_mem>>
      %dma_start3A = arith.constant 0 : i32
      %dma_start3A_51 = tpu.memref_slice %arg9[%add3A_9, %dma_start3A] : memref<10008x128xf32, #tpu.memory_space<vmem_shared>> -> memref<80x128xf32, #tpu.memory_space<vmem_shared>>
      %dma_start3A_52 = arith.constant 0 : i32
      %dma_start3A_53 = tpu.memref_slice %arg9[%add3A_9, %dma_start3A_52] : memref<10008x128xf32, #tpu.memory_space<vmem_shared>> -> memref<80x128xf32, #tpu.memory_space<vmem_shared>>
      tpu.enqueue_dma source(%arg8 : memref<80x128xf32, #tpu.memory_space<vmem>>) target(%dma_start3A_53 : memref<80x128xf32, #tpu.memory_space<vmem_shared>>) target_semaphore(%run_scoped3A : memref<!tpu.dma_semaphore, #tpu.memory_space<semaphore_mem>>)
      %dma_wait3A = arith.constant 0 : i32
      %dma_wait3A_54 = tpu.memref_slice %arg9[%add3A_9, %dma_wait3A] : memref<10008x128xf32, #tpu.memory_space<vmem_shared>> -> memref<80x128xf32, #tpu.memory_space<vmem_shared>>
      %dma_wait3A_55 = arith.constant 0 : i32
      %dma_wait3A_56 = tpu.memref_slice %arg9[%add3A_9, %dma_wait3A_55] : memref<10008x128xf32, #tpu.memory_space<vmem_shared>> -> memref<80x128xf32, #tpu.memory_space<vmem_shared>>
      tpu.wait_dma2 semaphore(%run_scoped3A : memref<!tpu.dma_semaphore, #tpu.memory_space<semaphore_mem>>) src(%arg8 : memref<80x128xf32, #tpu.memory_space<vmem>>) dst(%dma_wait3A_56 : memref<80x128xf32, #tpu.memory_space<vmem_shared>>)
      tpu.yield
    }) : () -> ()
    %add3A_10 = arith.constant 160 : i32
    %add3A_11 = arith.addi %mul3A_6, %add3A_10 : i32
    "tpu.region"() ({
      %run_scoped3A = tpu.sem_alloc : memref<!tpu.dma_semaphore, #tpu.memory_space<semaphore_mem>>
      %dma_start3A = arith.constant 0 : i32
      %dma_start3A_51 = tpu.memref_slice %arg9[%add3A_11, %dma_start3A] : memref<10008x128xf32, #tpu.memory_space<vmem_shared>> -> memref<80x128xf32, #tpu.memory_space<vmem_shared>>
      %dma_start3A_52 = arith.constant 0 : i32
      %dma_start3A_53 = tpu.memref_slice %arg9[%add3A_11, %dma_start3A_52] : memref<10008x128xf32, #tpu.memory_space<vmem_shared>> -> memref<80x128xf32, #tpu.memory_space<vmem_shared>>
      tpu.enqueue_dma source(%arg8 : memref<80x128xf32, #tpu.memory_space<vmem>>) target(%dma_start3A_53 : memref<80x128xf32, #tpu.memory_space<vmem_shared>>) target_semaphore(%run_scoped3A : memref<!tpu.dma_semaphore, #tpu.memory_space<semaphore_mem>>)
      %dma_wait3A = arith.constant 0 : i32
      %dma_wait3A_54 = tpu.memref_slice %arg9[%add3A_11, %dma_wait3A] : memref<10008x128xf32, #tpu.memory_space<vmem_shared>> -> memref<80x128xf32, #tpu.memory_space<vmem_shared>>
      %dma_wait3A_55 = arith.constant 0 : i32
      %dma_wait3A_56 = tpu.memref_slice %arg9[%add3A_11, %dma_wait3A_55] : memref<10008x128xf32, #tpu.memory_space<vmem_shared>> -> memref<80x128xf32, #tpu.memory_space<vmem_shared>>
      tpu.wait_dma2 semaphore(%run_scoped3A : memref<!tpu.dma_semaphore, #tpu.memory_space<semaphore_mem>>) src(%arg8 : memref<80x128xf32, #tpu.memory_space<vmem>>) dst(%dma_wait3A_56 : memref<80x128xf32, #tpu.memory_space<vmem_shared>>)
      tpu.yield
    }) : () -> ()
    %add3A_12 = arith.constant 240 : i32
    %add3A_13 = arith.addi %mul3A_6, %add3A_12 : i32
    "tpu.region"() ({
      %run_scoped3A = tpu.sem_alloc : memref<!tpu.dma_semaphore, #tpu.memory_space<semaphore_mem>>
      %dma_start3A = arith.constant 0 : i32
      %dma_start3A_51 = tpu.memref_slice %arg9[%add3A_13, %dma_start3A] : memref<10008x128xf32, #tpu.memory_space<vmem_shared>> -> memref<80x128xf32, #tpu.memory_space<vmem_shared>>
      %dma_start3A_52 = arith.constant 0 : i32
      %dma_start3A_53 = tpu.memref_slice %arg9[%add3A_13, %dma_start3A_52] : memref<10008x128xf32, #tpu.memory_space<vmem_shared>> -> memref<80x128xf32, #tpu.memory_space<vmem_shared>>
      tpu.enqueue_dma source(%arg8 : memref<80x128xf32, #tpu.memory_space<vmem>>) target(%dma_start3A_53 : memref<80x128xf32, #tpu.memory_space<vmem_shared>>) target_semaphore(%run_scoped3A : memref<!tpu.dma_semaphore, #tpu.memory_space<semaphore_mem>>)
      %dma_wait3A = arith.constant 0 : i32
      %dma_wait3A_54 = tpu.memref_slice %arg9[%add3A_13, %dma_wait3A] : memref<10008x128xf32, #tpu.memory_space<vmem_shared>> -> memref<80x128xf32, #tpu.memory_space<vmem_shared>>
      %dma_wait3A_55 = arith.constant 0 : i32
      %dma_wait3A_56 = tpu.memref_slice %arg9[%add3A_13, %dma_wait3A_55] : memref<10008x128xf32, #tpu.memory_space<vmem_shared>> -> memref<80x128xf32, #tpu.memory_space<vmem_shared>>
      tpu.wait_dma2 semaphore(%run_scoped3A : memref<!tpu.dma_semaphore, #tpu.memory_space<semaphore_mem>>) src(%arg8 : memref<80x128xf32, #tpu.memory_space<vmem>>) dst(%dma_wait3A_56 : memref<80x128xf32, #tpu.memory_space<vmem_shared>>)
      tpu.yield
    }) : () -> ()
    %add3A_14 = arith.constant 320 : i32
    %add3A_15 = arith.addi %mul3A_6, %add3A_14 : i32
    "tpu.region"() ({
      %run_scoped3A = tpu.sem_alloc : memref<!tpu.dma_semaphore, #tpu.memory_space<semaphore_mem>>
      %dma_start3A = arith.constant 0 : i32
      %dma_start3A_51 = tpu.memref_slice %arg9[%add3A_15, %dma_start3A] : memref<10008x128xf32, #tpu.memory_space<vmem_shared>> -> memref<80x128xf32, #tpu.memory_space<vmem_shared>>
      %dma_start3A_52 = arith.constant 0 : i32
      %dma_start3A_53 = tpu.memref_slice %arg9[%add3A_15, %dma_start3A_52] : memref<10008x128xf32, #tpu.memory_space<vmem_shared>> -> memref<80x128xf32, #tpu.memory_space<vmem_shared>>
      tpu.enqueue_dma source(%arg8 : memref<80x128xf32, #tpu.memory_space<vmem>>) target(%dma_start3A_53 : memref<80x128xf32, #tpu.memory_space<vmem_shared>>) target_semaphore(%run_scoped3A : memref<!tpu.dma_semaphore, #tpu.memory_space<semaphore_mem>>)
      %dma_wait3A = arith.constant 0 : i32
      %dma_wait3A_54 = tpu.memref_slice %arg9[%add3A_15, %dma_wait3A] : memref<10008x128xf32, #tpu.memory_space<vmem_shared>> -> memref<80x128xf32, #tpu.memory_space<vmem_shared>>
      %dma_wait3A_55 = arith.constant 0 : i32
      %dma_wait3A_56 = tpu.memref_slice %arg9[%add3A_15, %dma_wait3A_55] : memref<10008x128xf32, #tpu.memory_space<vmem_shared>> -> memref<80x128xf32, #tpu.memory_space<vmem_shared>>
      tpu.wait_dma2 semaphore(%run_scoped3A : memref<!tpu.dma_semaphore, #tpu.memory_space<semaphore_mem>>) src(%arg8 : memref<80x128xf32, #tpu.memory_space<vmem>>) dst(%dma_wait3A_56 : memref<80x128xf32, #tpu.memory_space<vmem_shared>>)
      tpu.yield
    }) : () -> ()
    %add3A_16 = arith.constant 400 : i32
    %add3A_17 = arith.addi %mul3A_6, %add3A_16 : i32
    "tpu.region"() ({
      %run_scoped3A = tpu.sem_alloc : memref<!tpu.dma_semaphore, #tpu.memory_space<semaphore_mem>>
      %dma_start3A = arith.constant 0 : i32
      %dma_start3A_51 = tpu.memref_slice %arg9[%add3A_17, %dma_start3A] : memref<10008x128xf32, #tpu.memory_space<vmem_shared>> -> memref<80x128xf32, #tpu.memory_space<vmem_shared>>
      %dma_start3A_52 = arith.constant 0 : i32
      %dma_start3A_53 = tpu.memref_slice %arg9[%add3A_17, %dma_start3A_52] : memref<10008x128xf32, #tpu.memory_space<vmem_shared>> -> memref<80x128xf32, #tpu.memory_space<vmem_shared>>
      tpu.enqueue_dma source(%arg8 : memref<80x128xf32, #tpu.memory_space<vmem>>) target(%dma_start3A_53 : memref<80x128xf32, #tpu.memory_space<vmem_shared>>) target_semaphore(%run_scoped3A : memref<!tpu.dma_semaphore, #tpu.memory_space<semaphore_mem>>)
      %dma_wait3A = arith.constant 0 : i32
      %dma_wait3A_54 = tpu.memref_slice %arg9[%add3A_17, %dma_wait3A] : memref<10008x128xf32, #tpu.memory_space<vmem_shared>> -> memref<80x128xf32, #tpu.memory_space<vmem_shared>>
      %dma_wait3A_55 = arith.constant 0 : i32
      %dma_wait3A_56 = tpu.memref_slice %arg9[%add3A_17, %dma_wait3A_55] : memref<10008x128xf32, #tpu.memory_space<vmem_shared>> -> memref<80x128xf32, #tpu.memory_space<vmem_shared>>
      tpu.wait_dma2 semaphore(%run_scoped3A : memref<!tpu.dma_semaphore, #tpu.memory_space<semaphore_mem>>) src(%arg8 : memref<80x128xf32, #tpu.memory_space<vmem>>) dst(%dma_wait3A_56 : memref<80x128xf32, #tpu.memory_space<vmem_shared>>)
      tpu.yield
    }) : () -> ()
    %add3A_18 = arith.constant 480 : i32
    %add3A_19 = arith.addi %mul3A_6, %add3A_18 : i32
    "tpu.region"() ({
      %run_scoped3A = tpu.sem_alloc : memref<!tpu.dma_semaphore, #tpu.memory_space<semaphore_mem>>
      %dma_start3A = arith.constant 0 : i32
      %dma_start3A_51 = tpu.memref_slice %arg9[%add3A_19, %dma_start3A] : memref<10008x128xf32, #tpu.memory_space<vmem_shared>> -> memref<80x128xf32, #tpu.memory_space<vmem_shared>>
      %dma_start3A_52 = arith.constant 0 : i32
      %dma_start3A_53 = tpu.memref_slice %arg9[%add3A_19, %dma_start3A_52] : memref<10008x128xf32, #tpu.memory_space<vmem_shared>> -> memref<80x128xf32, #tpu.memory_space<vmem_shared>>
      tpu.enqueue_dma source(%arg8 : memref<80x128xf32, #tpu.memory_space<vmem>>) target(%dma_start3A_53 : memref<80x128xf32, #tpu.memory_space<vmem_shared>>) target_semaphore(%run_scoped3A : memref<!tpu.dma_semaphore, #tpu.memory_space<semaphore_mem>>)
      %dma_wait3A = arith.constant 0 : i32
      %dma_wait3A_54 = tpu.memref_slice %arg9[%add3A_19, %dma_wait3A] : memref<10008x128xf32, #tpu.memory_space<vmem_shared>> -> memref<80x128xf32, #tpu.memory_space<vmem_shared>>
      %dma_wait3A_55 = arith.constant 0 : i32
      %dma_wait3A_56 = tpu.memref_slice %arg9[%add3A_19, %dma_wait3A_55] : memref<10008x128xf32, #tpu.memory_space<vmem_shared>> -> memref<80x128xf32, #tpu.memory_space<vmem_shared>>
      tpu.wait_dma2 semaphore(%run_scoped3A : memref<!tpu.dma_semaphore, #tpu.memory_space<semaphore_mem>>) src(%arg8 : memref<80x128xf32, #tpu.memory_space<vmem>>) dst(%dma_wait3A_56 : memref<80x128xf32, #tpu.memory_space<vmem_shared>>)
      tpu.yield
    }) : () -> ()
    %add3A_20 = arith.constant 560 : i32
    %add3A_21 = arith.addi %mul3A_6, %add3A_20 : i32
    "tpu.region"() ({
      %run_scoped3A = tpu.sem_alloc : memref<!tpu.dma_semaphore, #tpu.memory_space<semaphore_mem>>
      %dma_start3A = arith.constant 0 : i32
      %dma_start3A_51 = arith.constant 0 : i32
      %dma_start3A_52 = tpu.memref_slice %arg8[%dma_start3A, %dma_start3A_51] : memref<80x128xf32, #tpu.memory_space<vmem>> -> memref<64x128xf32, #tpu.memory_space<vmem>>
      %dma_start3A_53 = arith.constant 0 : i32
      %dma_start3A_54 = tpu.memref_slice %arg9[%add3A_21, %dma_start3A_53] : memref<10008x128xf32, #tpu.memory_space<vmem_shared>> -> memref<64x128xf32, #tpu.memory_space<vmem_shared>>
      %dma_start3A_55 = arith.constant 0 : i32
      %dma_start3A_56 = tpu.memref_slice %arg9[%add3A_21, %dma_start3A_55] : memref<10008x128xf32, #tpu.memory_space<vmem_shared>> -> memref<64x128xf32, #tpu.memory_space<vmem_shared>>
      %dma_start3A_57 = arith.constant 0 : i32
      %dma_start3A_58 = arith.constant 0 : i32
      %dma_start3A_59 = tpu.memref_slice %arg8[%dma_start3A_57, %dma_start3A_58] : memref<80x128xf32, #tpu.memory_space<vmem>> -> memref<64x128xf32, #tpu.memory_space<vmem>>
      tpu.enqueue_dma source(%dma_start3A_59 : memref<64x128xf32, #tpu.memory_space<vmem>>) target(%dma_start3A_56 : memref<64x128xf32, #tpu.memory_space<vmem_shared>>) target_semaphore(%run_scoped3A : memref<!tpu.dma_semaphore, #tpu.memory_space<semaphore_mem>>)
      %dma_wait3A = arith.constant 0 : i32
      %dma_wait3A_60 = arith.constant 0 : i32
      %dma_wait3A_61 = tpu.memref_slice %arg8[%dma_wait3A, %dma_wait3A_60] : memref<80x128xf32, #tpu.memory_space<vmem>> -> memref<64x128xf32, #tpu.memory_space<vmem>>
      %dma_wait3A_62 = arith.constant 0 : i32
      %dma_wait3A_63 = tpu.memref_slice %arg9[%add3A_21, %dma_wait3A_62] : memref<10008x128xf32, #tpu.memory_space<vmem_shared>> -> memref<64x128xf32, #tpu.memory_space<vmem_shared>>
      %dma_wait3A_64 = arith.constant 0 : i32
      %dma_wait3A_65 = tpu.memref_slice %arg9[%add3A_21, %dma_wait3A_64] : memref<10008x128xf32, #tpu.memory_space<vmem_shared>> -> memref<64x128xf32, #tpu.memory_space<vmem_shared>>
      %dma_wait3A_66 = arith.constant 0 : i32
      %dma_wait3A_67 = arith.constant 0 : i32
      %dma_wait3A_68 = tpu.memref_slice %arg8[%dma_wait3A_66, %dma_wait3A_67] : memref<80x128xf32, #tpu.memory_space<vmem>> -> memref<64x128xf32, #tpu.memory_space<vmem>>
      tpu.wait_dma2 semaphore(%run_scoped3A : memref<!tpu.dma_semaphore, #tpu.memory_space<semaphore_mem>>) src(%dma_wait3A_68 : memref<64x128xf32, #tpu.memory_space<vmem>>) dst(%dma_wait3A_65 : memref<64x128xf32, #tpu.memory_space<vmem_shared>>)
      tpu.yield
    }) : () -> ()
    %eq3A = arith.constant 0 : i32
    %eq3A_22 = arith.cmpi eq, %arg1, %eq3A : i32
    %convert_element_type3A = arith.extui %eq3A_22 : i1 to i32
    %cond3A = arith.constant 0 : i32
    %cond3A_23 = arith.cmpi ne, %convert_element_type3A, %cond3A : i32
    scf.if %cond3A_23 {
      "tpu.region"() ({
        %run_scoped3A = tpu.sem_alloc : memref<!tpu.dma_semaphore, #tpu.memory_space<semaphore_mem>>
        %dma_start3A = arith.constant 0 : i32
        %dma_start3A_51 = arith.constant 0 : i32
        %dma_start3A_52 = tpu.memref_slice %arg8[%dma_start3A, %dma_start3A_51] : memref<80x128xf32, #tpu.memory_space<vmem>> -> memref<24x128xf32, #tpu.memory_space<vmem>>
        %dma_start3A_53 = arith.constant 9984 : i32
        %dma_start3A_54 = arith.constant 0 : i32
        %dma_start3A_55 = tpu.memref_slice %arg9[%dma_start3A_53, %dma_start3A_54] : memref<10008x128xf32, #tpu.memory_space<vmem_shared>> -> memref<24x128xf32, #tpu.memory_space<vmem_shared>>
        %dma_start3A_56 = arith.constant 9984 : i32
        %dma_start3A_57 = arith.constant 0 : i32
        %dma_start3A_58 = tpu.memref_slice %arg9[%dma_start3A_56, %dma_start3A_57] : memref<10008x128xf32, #tpu.memory_space<vmem_shared>> -> memref<24x128xf32, #tpu.memory_space<vmem_shared>>
        %dma_start3A_59 = arith.constant 0 : i32
        %dma_start3A_60 = arith.constant 0 : i32
        %dma_start3A_61 = tpu.memref_slice %arg8[%dma_start3A_59, %dma_start3A_60] : memref<80x128xf32, #tpu.memory_space<vmem>> -> memref<24x128xf32, #tpu.memory_space<vmem>>
        tpu.enqueue_dma source(%dma_start3A_61 : memref<24x128xf32, #tpu.memory_space<vmem>>) target(%dma_start3A_58 : memref<24x128xf32, #tpu.memory_space<vmem_shared>>) target_semaphore(%run_scoped3A : memref<!tpu.dma_semaphore, #tpu.memory_space<semaphore_mem>>)
        %dma_wait3A = arith.constant 0 : i32
        %dma_wait3A_62 = arith.constant 0 : i32
        %dma_wait3A_63 = tpu.memref_slice %arg8[%dma_wait3A, %dma_wait3A_62] : memref<80x128xf32, #tpu.memory_space<vmem>> -> memref<24x128xf32, #tpu.memory_space<vmem>>
        %dma_wait3A_64 = arith.constant 9984 : i32
        %dma_wait3A_65 = arith.constant 0 : i32
        %dma_wait3A_66 = tpu.memref_slice %arg9[%dma_wait3A_64, %dma_wait3A_65] : memref<10008x128xf32, #tpu.memory_space<vmem_shared>> -> memref<24x128xf32, #tpu.memory_space<vmem_shared>>
        %dma_wait3A_67 = arith.constant 9984 : i32
        %dma_wait3A_68 = arith.constant 0 : i32
        %dma_wait3A_69 = tpu.memref_slice %arg9[%dma_wait3A_67, %dma_wait3A_68] : memref<10008x128xf32, #tpu.memory_space<vmem_shared>> -> memref<24x128xf32, #tpu.memory_space<vmem_shared>>
        %dma_wait3A_70 = arith.constant 0 : i32
        %dma_wait3A_71 = arith.constant 0 : i32
        %dma_wait3A_72 = tpu.memref_slice %arg8[%dma_wait3A_70, %dma_wait3A_71] : memref<80x128xf32, #tpu.memory_space<vmem>> -> memref<24x128xf32, #tpu.memory_space<vmem>>
        tpu.wait_dma2 semaphore(%run_scoped3A : memref<!tpu.dma_semaphore, #tpu.memory_space<semaphore_mem>>) src(%dma_wait3A_72 : memref<24x128xf32, #tpu.memory_space<vmem>>) dst(%dma_wait3A_69 : memref<24x128xf32, #tpu.memory_space<vmem_shared>>)
        tpu.yield
      }) : () -> ()
    } else {
    }
    %barrier3A = arith.constant 0 : index
    tpu.barrier barrier_id(%barrier3A)
    %mul3A_24 = arith.constant 160000 : i32
    %mul3A_25 = arith.muli %arg0, %mul3A_24 : i32
    %mul3A_26 = arith.constant 10000 : i32
    %mul3A_27 = arith.muli %arg1, %mul3A_26 : i32
    %add3A_28 = arith.addi %mul3A_25, %mul3A_27 : i32
    %mul3A_29 = arith.constant 160000 : i32
    %mul3A_30 = arith.muli %arg0, %mul3A_29 : i32
    %mul3A_31 = arith.constant 10000 : i32
    %mul3A_32 = arith.muli %arg1, %mul3A_31 : i32
    %add3A_33 = arith.addi %mul3A_30, %mul3A_32 : i32
    %scan3A_34 = arith.constant 0 : i32
    %scan3A_35 = arith.constant 0 : i32
    %scan3A_36 = arith.constant 125 : i32
    %scan3A_37 = arith.addi %scan3A_35, %scan3A_36 : i32
    %scan3A_38 = arith.constant 1 : i32
    scf.for %scan3A_51 = %scan3A_35 to %scan3A_37 step %scan3A_38  : i32 {
      %mul3A_52 = arith.constant 80 : i32
      %mul3A_53 = arith.muli %scan3A_51, %mul3A_52 : i32
      %add3A_54 = arith.addi %add3A_28, %mul3A_53 : i32
      "tpu.region"() ({
        %run_scoped3A = tpu.sem_alloc : memref<!tpu.dma_semaphore, #tpu.memory_space<semaphore_mem>>
        %dma_start3A_60 = tpu.memref_slice %arg3[%add3A_54] : memref<640000xi32, #tpu.memory_space<hbm>> -> memref<80xi32, #tpu.memory_space<hbm>>
        %dma_start3A_61 = tpu.memref_slice %arg3[%add3A_54] : memref<640000xi32, #tpu.memory_space<hbm>> -> memref<80xi32, #tpu.memory_space<hbm>>
        tpu.enqueue_dma source(%dma_start3A_61 : memref<80xi32, #tpu.memory_space<hbm>>) target(%arg6 : memref<80xi32, #tpu.memory_space<vmem>>) target_semaphore(%run_scoped3A : memref<!tpu.dma_semaphore, #tpu.memory_space<semaphore_mem>>)
        %dma_wait3A_62 = tpu.memref_slice %arg3[%add3A_54] : memref<640000xi32, #tpu.memory_space<hbm>> -> memref<80xi32, #tpu.memory_space<hbm>>
        %dma_wait3A_63 = tpu.memref_slice %arg3[%add3A_54] : memref<640000xi32, #tpu.memory_space<hbm>> -> memref<80xi32, #tpu.memory_space<hbm>>
        tpu.wait_dma2 semaphore(%run_scoped3A : memref<!tpu.dma_semaphore, #tpu.memory_space<semaphore_mem>>) src(%dma_wait3A_63 : memref<80xi32, #tpu.memory_space<hbm>>) dst(%arg6 : memref<80xi32, #tpu.memory_space<vmem>>)
        tpu.yield
      }) : () -> ()
      %add3A_55 = arith.addi %add3A_33, %mul3A_53 : i32
      "tpu.region"() ({
        %run_scoped3A = tpu.sem_alloc : memref<!tpu.dma_semaphore, #tpu.memory_space<semaphore_mem>>
        %dma_start3A_60 = tpu.memref_slice %arg4[%add3A_55] : memref<320000xi32, #tpu.memory_space<hbm>> -> memref<80xi32, #tpu.memory_space<hbm>>
        %dma_start3A_61 = tpu.memref_slice %arg4[%add3A_55] : memref<320000xi32, #tpu.memory_space<hbm>> -> memref<80xi32, #tpu.memory_space<hbm>>
        tpu.enqueue_dma source(%dma_start3A_61 : memref<80xi32, #tpu.memory_space<hbm>>) target(%arg7 : memref<80xi32, #tpu.memory_space<vmem>>) target_semaphore(%run_scoped3A : memref<!tpu.dma_semaphore, #tpu.memory_space<semaphore_mem>>)
        %dma_wait3A_62 = tpu.memref_slice %arg4[%add3A_55] : memref<320000xi32, #tpu.memory_space<hbm>> -> memref<80xi32, #tpu.memory_space<hbm>>
        %dma_wait3A_63 = tpu.memref_slice %arg4[%add3A_55] : memref<320000xi32, #tpu.memory_space<hbm>> -> memref<80xi32, #tpu.memory_space<hbm>>
        tpu.wait_dma2 semaphore(%run_scoped3A : memref<!tpu.dma_semaphore, #tpu.memory_space<semaphore_mem>>) src(%dma_wait3A_63 : memref<80xi32, #tpu.memory_space<hbm>>) dst(%arg7 : memref<80xi32, #tpu.memory_space<vmem>>)
        tpu.yield
      }) : () -> ()
      %dma_start3A = arith.constant 0 : i32
      %dma_start3A_56 = arith.constant 0 : i32
      %dma_start3A_57 = tpu.memref_slice %arg2[%dma_start3A, %dma_start3A_56] : memref<20000x128xf32, #tpu.memory_space<hbm>> -> memref<20000x128xf32, #tpu.memory_space<hbm>>
      tpu.enqueue_indirect_dma source(%dma_start3A_57 : memref<20000x128xf32, #tpu.memory_space<hbm>>) target(%arg8 : memref<80x128xf32, #tpu.memory_space<vmem>>) offsets(%arg6 : memref<80xi32, #tpu.memory_space<vmem>>) semaphore(%arg10 : memref<!tpu.dma_semaphore, #tpu.memory_space<semaphore_mem>>)
      %dma_wait3A = arith.constant 0 : i32
      %dma_wait3A_58 = arith.constant 0 : i32
      %dma_wait3A_59 = tpu.memref_slice %arg2[%dma_wait3A, %dma_wait3A_58] : memref<20000x128xf32, #tpu.memory_space<hbm>> -> memref<20000x128xf32, #tpu.memory_space<hbm>>
      tpu.wait_indirect_dma semaphore(%arg10 : memref<!tpu.dma_semaphore, #tpu.memory_space<semaphore_mem>>) src(%dma_wait3A_59 : memref<20000x128xf32, #tpu.memory_space<hbm>>) dst(%arg8 : memref<80x128xf32, #tpu.memory_space<vmem>>)
      "tpu.region"() ({
        %run_scoped3A = tpu.sem_alloc : memref<!tpu.dma_semaphore, #tpu.memory_space<semaphore_mem>>
        %dma_start3A_60 = arith.constant 0 : i32
        %dma_start3A_61 = arith.constant 0 : i32
        %dma_start3A_62 = tpu.memref_slice %arg9[%dma_start3A_60, %dma_start3A_61] : memref<10008x128xf32, #tpu.memory_space<vmem_shared>> -> memref<10008x128xf32, #tpu.memory_space<vmem_shared>>
        tpu.enqueue_indirect_dma source(%arg8 : memref<80x128xf32, #tpu.memory_space<vmem>>) target(%dma_start3A_62 : memref<10008x128xf32, #tpu.memory_space<vmem_shared>>) offsets(%arg7 : memref<80xi32, #tpu.memory_space<vmem>>) semaphore(%run_scoped3A : memref<!tpu.dma_semaphore, #tpu.memory_space<semaphore_mem>>) {add = true}
        %dma_wait3A_63 = arith.constant 0 : i32
        %dma_wait3A_64 = arith.constant 0 : i32
        %dma_wait3A_65 = tpu.memref_slice %arg9[%dma_wait3A_63, %dma_wait3A_64] : memref<10008x128xf32, #tpu.memory_space<vmem_shared>> -> memref<10008x128xf32, #tpu.memory_space<vmem_shared>>
        tpu.wait_indirect_dma semaphore(%run_scoped3A : memref<!tpu.dma_semaphore, #tpu.memory_space<semaphore_mem>>) src(%arg8 : memref<80x128xf32, #tpu.memory_space<vmem>>) dst(%dma_wait3A_65 : memref<10008x128xf32, #tpu.memory_space<vmem_shared>>)
        tpu.yield
      }) : () -> ()
    }
    %scan3A_39 = arith.constant 125 : i32
    %barrier3A_40 = arith.constant 0 : index
    tpu.barrier barrier_id(%barrier3A_40)
    %mul3A_41 = arith.constant 10000 : i32
    %mul3A_42 = arith.muli %arg0, %mul3A_41 : i32
    %mul3A_43 = arith.constant 624 : i32
    %mul3A_44 = arith.muli %arg1, %mul3A_43 : i32
    %add3A_45 = arith.addi %mul3A_42, %mul3A_44 : i32
    "tpu.region"() ({
      %run_scoped3A = tpu.sem_alloc : memref<!tpu.dma_semaphore, #tpu.memory_space<semaphore_mem>>
      %dma_start3A = arith.constant 0 : i32
      %dma_start3A_51 = tpu.memref_slice %arg5[%add3A_45, %dma_start3A] : memref<20000x128xf32, #tpu.memory_space<hbm>> -> memref<624x128xf32, #tpu.memory_space<hbm>>
      %dma_start3A_52 = arith.constant 0 : i32
      %dma_start3A_53 = tpu.memref_slice %arg9[%mul3A_44, %dma_start3A_52] : memref<10008x128xf32, #tpu.memory_space<vmem_shared>> -> memref<624x128xf32, #tpu.memory_space<vmem_shared>>
      tpu.enqueue_dma source(%dma_start3A_53 : memref<624x128xf32, #tpu.memory_space<vmem_shared>>) target(%dma_start3A_51 : memref<624x128xf32, #tpu.memory_space<hbm>>) target_semaphore(%run_scoped3A : memref<!tpu.dma_semaphore, #tpu.memory_space<semaphore_mem>>)
      %dma_wait3A = arith.constant 0 : i32
      %dma_wait3A_54 = tpu.memref_slice %arg5[%add3A_45, %dma_wait3A] : memref<20000x128xf32, #tpu.memory_space<hbm>> -> memref<624x128xf32, #tpu.memory_space<hbm>>
      %dma_wait3A_55 = arith.constant 0 : i32
      %dma_wait3A_56 = tpu.memref_slice %arg9[%mul3A_44, %dma_wait3A_55] : memref<10008x128xf32, #tpu.memory_space<vmem_shared>> -> memref<624x128xf32, #tpu.memory_space<vmem_shared>>
      tpu.wait_dma2 semaphore(%run_scoped3A : memref<!tpu.dma_semaphore, #tpu.memory_space<semaphore_mem>>) src(%dma_wait3A_56 : memref<624x128xf32, #tpu.memory_space<vmem_shared>>) dst(%dma_wait3A_54 : memref<624x128xf32, #tpu.memory_space<hbm>>)
      tpu.yield
    }) : () -> ()
    %eq3A_46 = arith.constant 0 : i32
    %eq3A_47 = arith.cmpi eq, %arg1, %eq3A_46 : i32
    %convert_element_type3A_48 = arith.extui %eq3A_47 : i1 to i32
    %cond3A_49 = arith.constant 0 : i32
    %cond3A_50 = arith.cmpi ne, %convert_element_type3A_48, %cond3A_49 : i32
    scf.if %cond3A_50 {
      %add3A_51 = arith.constant 9984 : i32
      %add3A_52 = arith.addi %mul3A_42, %add3A_51 : i32
      "tpu.region"() ({
        %run_scoped3A = tpu.sem_alloc : memref<!tpu.dma_semaphore, #tpu.memory_space<semaphore_mem>>
        %dma_start3A = arith.constant 0 : i32
        %dma_start3A_53 = tpu.memref_slice %arg5[%add3A_52, %dma_start3A] : memref<20000x128xf32, #tpu.memory_space<hbm>> -> memref<16x128xf32, #tpu.memory_space<hbm>>
        %dma_start3A_54 = arith.constant 9984 : i32
        %dma_start3A_55 = arith.constant 0 : i32
        %dma_start3A_56 = tpu.memref_slice %arg9[%dma_start3A_54, %dma_start3A_55] : memref<10008x128xf32, #tpu.memory_space<vmem_shared>> -> memref<16x128xf32, #tpu.memory_space<vmem_shared>>
        tpu.enqueue_dma source(%dma_start3A_56 : memref<16x128xf32, #tpu.memory_space<vmem_shared>>) target(%dma_start3A_53 : memref<16x128xf32, #tpu.memory_space<hbm>>) target_semaphore(%run_scoped3A : memref<!tpu.dma_semaphore, #tpu.memory_space<semaphore_mem>>)
        %dma_wait3A = arith.constant 0 : i32
        %dma_wait3A_57 = tpu.memref_slice %arg5[%add3A_52, %dma_wait3A] : memref<20000x128xf32, #tpu.memory_space<hbm>> -> memref<16x128xf32, #tpu.memory_space<hbm>>
        %dma_wait3A_58 = arith.constant 9984 : i32
        %dma_wait3A_59 = arith.constant 0 : i32
        %dma_wait3A_60 = tpu.memref_slice %arg9[%dma_wait3A_58, %dma_wait3A_59] : memref<10008x128xf32, #tpu.memory_space<vmem_shared>> -> memref<16x128xf32, #tpu.memory_space<vmem_shared>>
        tpu.wait_dma2 semaphore(%run_scoped3A : memref<!tpu.dma_semaphore, #tpu.memory_space<semaphore_mem>>) src(%dma_wait3A_60 : memref<16x128xf32, #tpu.memory_space<vmem_shared>>) dst(%dma_wait3A_57 : memref<16x128xf32, #tpu.memory_space<hbm>>)
        tpu.yield
      }) : () -> ()
    } else {
    }
    return
  }
}

#map = affine_map<(d0, d1) -> (0, 0)>
#map1 = affine_map<(d0, d1) -> (0)>
module attributes {stable_mosaic.version = 14 : i64} {
  func.func @body(%arg0: i32, %arg1: i32, %arg2: memref<20000x128xf32, #tpu.memory_space<hbm>>, %arg3: memref<640000xi32, #tpu.memory_space<hbm>>, %arg4: memref<320000xi32, #tpu.memory_space<hbm>>, %arg5: memref<20000x128xf32, #tpu.memory_space<hbm>>, %arg6: memref<80xi32, #tpu.memory_space<vmem>>, %arg7: memref<80xi32, #tpu.memory_space<vmem>>, %arg8: memref<80x128xf32, #tpu.memory_space<vmem>>, %arg9: memref<10008x128xf32, #tpu.memory_space<vmem_shared>>, %arg10: memref<!tpu.dma_semaphore, #tpu.memory_space<semaphore_mem>>) attributes {dimension_semantics = [#tpu.dimension_semantics<core_parallel>, #tpu.dimension_semantics<subcore_parallel>], iteration_bounds = array<i64: 2, 16>, scalar_prefetch = 0 : i64, scratch_operands = 5 : i64, tpu.core_type = #tpu.core_type<sc_vector_subcore>, window_params = [{transform_indices = #map}, {transform_indices = #map1}, {transform_indices = #map1}, {transform_indices = #map}]} {
    %broadcast_in_dim3A = arith.constant 0.000000e+00 : f32
    %broadcast_in_dim3A_0 = vector.broadcast %broadcast_in_dim3A : f32 to vector<16xf32>
    %scan3A = arith.constant 0 : i32
    %scan3A_1 = arith.constant 0 : i32
    %scan3A_2 = arith.constant 80 : i32
    %scan3A_3 = arith.addi %scan3A_1, %scan3A_2 : i32
    %scan3A_4 = arith.constant 1 : i32
    scf.for %scan3A_51 = %scan3A_1 to %scan3A_3 step %scan3A_4  : i32 {
      %swap3A = arith.index_cast %scan3A_51 : i32 to index
      %swap3A_52 = arith.constant 0 : index
      %swap3A_53 = tpu.vector_load %arg8[%swap3A, %swap3A_52] {strides = array<i32>} : memref<80x128xf32, #tpu.memory_space<vmem>>, vector<1x16xf32>,
      %swap3A_54 = vector.shape_cast %swap3A_53 : vector<1x16xf32> to vector<16xf32>
      %swap3A_55 = vector.shape_cast %broadcast_in_dim3A_0 : vector<16xf32> to vector<1x16xf32>
      tpu.vector_store %arg8[%swap3A, %swap3A_52], %swap3A_55 {strides = array<i32>} : memref<80x128xf32, #tpu.memory_space<vmem>>, vector<1x16xf32>,
      %swap3A_56 = arith.index_cast %scan3A_51 : i32 to index
      %swap3A_57 = arith.constant 16 : index
      %swap3A_58 = tpu.vector_load %arg8[%swap3A_56, %swap3A_57] {strides = array<i32>} : memref<80x128xf32, #tpu.memory_space<vmem>>, vector<1x16xf32>,
      %swap3A_59 = vector.shape_cast %swap3A_58 : vector<1x16xf32> to vector<16xf32>
      %swap3A_60 = vector.shape_cast %broadcast_in_dim3A_0 : vector<16xf32> to vector<1x16xf32>
      tpu.vector_store %arg8[%swap3A_56, %swap3A_57], %swap3A_60 {strides = array<i32>} : memref<80x128xf32, #tpu.memory_space<vmem>>, vector<1x16xf32>,
      %swap3A_61 = arith.index_cast %scan3A_51 : i32 to index
      %swap3A_62 = arith.constant 32 : index
      %swap3A_63 = tpu.vector_load %arg8[%swap3A_61, %swap3A_62] {strides = array<i32>} : memref<80x128xf32, #tpu.memory_space<vmem>>, vector<1x16xf32>,
      %swap3A_64 = vector.shape_cast %swap3A_63 : vector<1x16xf32> to vector<16xf32>
      %swap3A_65 = vector.shape_cast %broadcast_in_dim3A_0 : vector<16xf32> to vector<1x16xf32>
      tpu.vector_store %arg8[%swap3A_61, %swap3A_62], %swap3A_65 {strides = array<i32>} : memref<80x128xf32, #tpu.memory_space<vmem>>, vector<1x16xf32>,
      %swap3A_66 = arith.index_cast %scan3A_51 : i32 to index
      %swap3A_67 = arith.constant 48 : index
      %swap3A_68 = tpu.vector_load %arg8[%swap3A_66, %swap3A_67] {strides = array<i32>} : memref<80x128xf32, #tpu.memory_space<vmem>>, vector<1x16xf32>,
      %swap3A_69 = vector.shape_cast %swap3A_68 : vector<1x16xf32> to vector<16xf32>
      %swap3A_70 = vector.shape_cast %broadcast_in_dim3A_0 : vector<16xf32> to vector<1x16xf32>
      tpu.vector_store %arg8[%swap3A_66, %swap3A_67], %swap3A_70 {strides = array<i32>} : memref<80x128xf32, #tpu.memory_space<vmem>>, vector<1x16xf32>,
      %swap3A_71 = arith.index_cast %scan3A_51 : i32 to index
      %swap3A_72 = arith.constant 64 : index
      %swap3A_73 = tpu.vector_load %arg8[%swap3A_71, %swap3A_72] {strides = array<i32>} : memref<80x128xf32, #tpu.memory_space<vmem>>, vector<1x16xf32>,
      %swap3A_74 = vector.shape_cast %swap3A_73 : vector<1x16xf32> to vector<16xf32>
      %swap3A_75 = vector.shape_cast %broadcast_in_dim3A_0 : vector<16xf32> to vector<1x16xf32>
      tpu.vector_store %arg8[%swap3A_71, %swap3A_72], %swap3A_75 {strides = array<i32>} : memref<80x128xf32, #tpu.memory_space<vmem>>, vector<1x16xf32>,
      %swap3A_76 = arith.index_cast %scan3A_51 : i32 to index
      %swap3A_77 = arith.constant 80 : index
      %swap3A_78 = tpu.vector_load %arg8[%swap3A_76, %swap3A_77] {strides = array<i32>} : memref<80x128xf32, #tpu.memory_space<vmem>>, vector<1x16xf32>,
      %swap3A_79 = vector.shape_cast %swap3A_78 : vector<1x16xf32> to vector<16xf32>
      %swap3A_80 = vector.shape_cast %broadcast_in_dim3A_0 : vector<16xf32> to vector<1x16xf32>
      tpu.vector_store %arg8[%swap3A_76, %swap3A_77], %swap3A_80 {strides = array<i32>} : memref<80x128xf32, #tpu.memory_space<vmem>>, vector<1x16xf32>,
      %swap3A_81 = arith.index_cast %scan3A_51 : i32 to index
      %swap3A_82 = arith.constant 96 : index
      %swap3A_83 = tpu.vector_load %arg8[%swap3A_81, %swap3A_82] {strides = array<i32>} : memref<80x128xf32, #tpu.memory_space<vmem>>, vector<1x16xf32>,
      %swap3A_84 = vector.shape_cast %swap3A_83 : vector<1x16xf32> to vector<16xf32>
      %swap3A_85 = vector.shape_cast %broadcast_in_dim3A_0 : vector<16xf32> to vector<1x16xf32>
      tpu.vector_store %arg8[%swap3A_81, %swap3A_82], %swap3A_85 {strides = array<i32>} : memref<80x128xf32, #tpu.memory_space<vmem>>, vector<1x16xf32>,
      %swap3A_86 = arith.index_cast %scan3A_51 : i32 to index
      %swap3A_87 = arith.constant 112 : index
      %swap3A_88 = tpu.vector_load %arg8[%swap3A_86, %swap3A_87] {strides = array<i32>} : memref<80x128xf32, #tpu.memory_space<vmem>>, vector<1x16xf32>,
      %swap3A_89 = vector.shape_cast %swap3A_88 : vector<1x16xf32> to vector<16xf32>
      %swap3A_90 = vector.shape_cast %broadcast_in_dim3A_0 : vector<16xf32> to vector<1x16xf32>
      tpu.vector_store %arg8[%swap3A_86, %swap3A_87], %swap3A_90 {strides = array<i32>} : memref<80x128xf32, #tpu.memory_space<vmem>>, vector<1x16xf32>,
    }
    %scan3A_5 = arith.constant 80 : i32
    %mul3A = arith.constant 624 : i32
    %mul3A_6 = arith.muli %arg1, %mul3A : i32
    %add3A = arith.constant 0 : i32
    %add3A_7 = arith.addi %mul3A_6, %add3A : i32
    "tpu.region"() ({
      %run_scoped3A = tpu.sem_alloc : memref<!tpu.dma_semaphore, #tpu.memory_space<semaphore_mem>>
      %dma_start3A = arith.constant 0 : i32
      %dma_start3A_51 = tpu.memref_slice %arg9[%add3A_7, %dma_start3A] : memref<10008x128xf32, #tpu.memory_space<vmem_shared>> -> memref<80x128xf32, #tpu.memory_space<vmem_shared>>
      %dma_start3A_52 = arith.constant 0 : i32
      %dma_start3A_53 = tpu.memref_slice %arg9[%add3A_7, %dma_start3A_52] : memref<10008x128xf32, #tpu.memory_space<vmem_shared>> -> memref<80x128xf32, #tpu.memory_space<vmem_shared>>
      tpu.enqueue_dma source(%arg8 : memref<80x128xf32, #tpu.memory_space<vmem>>) target(%dma_start3A_53 : memref<80x128xf32, #tpu.memory_space<vmem_shared>>) target_semaphore(%run_scoped3A : memref<!tpu.dma_semaphore, #tpu.memory_space<semaphore_mem>>)
      %dma_wait3A = arith.constant 0 : i32
      %dma_wait3A_54 = tpu.memref_slice %arg9[%add3A_7, %dma_wait3A] : memref<10008x128xf32, #tpu.memory_space<vmem_shared>> -> memref<80x128xf32, #tpu.memory_space<vmem_shared>>
      %dma_wait3A_55 = arith.constant 0 : i32
      %dma_wait3A_56 = tpu.memref_slice %arg9[%add3A_7, %dma_wait3A_55] : memref<10008x128xf32, #tpu.memory_space<vmem_shared>> -> memref<80x128xf32, #tpu.memory_space<vmem_shared>>
      tpu.wait_dma2 semaphore(%run_scoped3A : memref<!tpu.dma_semaphore, #tpu.memory_space<semaphore_mem>>) src(%arg8 : memref<80x128xf32, #tpu.memory_space<vmem>>) dst(%dma_wait3A_56 : memref<80x128xf32, #tpu.memory_space<vmem_shared>>)
      tpu.yield
    }) : () -> ()
    %add3A_8 = arith.constant 80 : i32
    %add3A_9 = arith.addi %mul3A_6, %add3A_8 : i32
    "tpu.region"() ({
      %run_scoped3A = tpu.sem_alloc : memref<!tpu.dma_semaphore, #tpu.memory_space<semaphore_mem>>
      %dma_start3A = arith.constant 0 : i32
      %dma_start3A_51 = tpu.memref_slice %arg9[%add3A_9, %dma_start3A] : memref<10008x128xf32, #tpu.memory_space<vmem_shared>> -> memref<80x128xf32, #tpu.memory_space<vmem_shared>>
      %dma_start3A_52 = arith.constant 0 : i32
      %dma_start3A_53 = tpu.memref_slice %arg9[%add3A_9, %dma_start3A_52] : memref<10008x128xf32, #tpu.memory_space<vmem_shared>> -> memref<80x128xf32, #tpu.memory_space<vmem_shared>>
      tpu.enqueue_dma source(%arg8 : memref<80x128xf32, #tpu.memory_space<vmem>>) target(%dma_start3A_53 : memref<80x128xf32, #tpu.memory_space<vmem_shared>>) target_semaphore(%run_scoped3A : memref<!tpu.dma_semaphore, #tpu.memory_space<semaphore_mem>>)
      %dma_wait3A = arith.constant 0 : i32
      %dma_wait3A_54 = tpu.memref_slice %arg9[%add3A_9, %dma_wait3A] : memref<10008x128xf32, #tpu.memory_space<vmem_shared>> -> memref<80x128xf32, #tpu.memory_space<vmem_shared>>
      %dma_wait3A_55 = arith.constant 0 : i32
      %dma_wait3A_56 = tpu.memref_slice %arg9[%add3A_9, %dma_wait3A_55] : memref<10008x128xf32, #tpu.memory_space<vmem_shared>> -> memref<80x128xf32, #tpu.memory_space<vmem_shared>>
      tpu.wait_dma2 semaphore(%run_scoped3A : memref<!tpu.dma_semaphore, #tpu.memory_space<semaphore_mem>>) src(%arg8 : memref<80x128xf32, #tpu.memory_space<vmem>>) dst(%dma_wait3A_56 : memref<80x128xf32, #tpu.memory_space<vmem_shared>>)
      tpu.yield
    }) : () -> ()
    %add3A_10 = arith.constant 160 : i32
    %add3A_11 = arith.addi %mul3A_6, %add3A_10 : i32
    "tpu.region"() ({
      %run_scoped3A = tpu.sem_alloc : memref<!tpu.dma_semaphore, #tpu.memory_space<semaphore_mem>>
      %dma_start3A = arith.constant 0 : i32
      %dma_start3A_51 = tpu.memref_slice %arg9[%add3A_11, %dma_start3A] : memref<10008x128xf32, #tpu.memory_space<vmem_shared>> -> memref<80x128xf32, #tpu.memory_space<vmem_shared>>
      %dma_start3A_52 = arith.constant 0 : i32
      %dma_start3A_53 = tpu.memref_slice %arg9[%add3A_11, %dma_start3A_52] : memref<10008x128xf32, #tpu.memory_space<vmem_shared>> -> memref<80x128xf32, #tpu.memory_space<vmem_shared>>
      tpu.enqueue_dma source(%arg8 : memref<80x128xf32, #tpu.memory_space<vmem>>) target(%dma_start3A_53 : memref<80x128xf32, #tpu.memory_space<vmem_shared>>) target_semaphore(%run_scoped3A : memref<!tpu.dma_semaphore, #tpu.memory_space<semaphore_mem>>)
      %dma_wait3A = arith.constant 0 : i32
      %dma_wait3A_54 = tpu.memref_slice %arg9[%add3A_11, %dma_wait3A] : memref<10008x128xf32, #tpu.memory_space<vmem_shared>> -> memref<80x128xf32, #tpu.memory_space<vmem_shared>>
      %dma_wait3A_55 = arith.constant 0 : i32
      %dma_wait3A_56 = tpu.memref_slice %arg9[%add3A_11, %dma_wait3A_55] : memref<10008x128xf32, #tpu.memory_space<vmem_shared>> -> memref<80x128xf32, #tpu.memory_space<vmem_shared>>
      tpu.wait_dma2 semaphore(%run_scoped3A : memref<!tpu.dma_semaphore, #tpu.memory_space<semaphore_mem>>) src(%arg8 : memref<80x128xf32, #tpu.memory_space<vmem>>) dst(%dma_wait3A_56 : memref<80x128xf32, #tpu.memory_space<vmem_shared>>)
      tpu.yield
    }) : () -> ()
    %add3A_12 = arith.constant 240 : i32
    %add3A_13 = arith.addi %mul3A_6, %add3A_12 : i32
    "tpu.region"() ({
      %run_scoped3A = tpu.sem_alloc : memref<!tpu.dma_semaphore, #tpu.memory_space<semaphore_mem>>
      %dma_start3A = arith.constant 0 : i32
      %dma_start3A_51 = tpu.memref_slice %arg9[%add3A_13, %dma_start3A] : memref<10008x128xf32, #tpu.memory_space<vmem_shared>> -> memref<80x128xf32, #tpu.memory_space<vmem_shared>>
      %dma_start3A_52 = arith.constant 0 : i32
      %dma_start3A_53 = tpu.memref_slice %arg9[%add3A_13, %dma_start3A_52] : memref<10008x128xf32, #tpu.memory_space<vmem_shared>> -> memref<80x128xf32, #tpu.memory_space<vmem_shared>>
      tpu.enqueue_dma source(%arg8 : memref<80x128xf32, #tpu.memory_space<vmem>>) target(%dma_start3A_53 : memref<80x128xf32, #tpu.memory_space<vmem_shared>>) target_semaphore(%run_scoped3A : memref<!tpu.dma_semaphore, #tpu.memory_space<semaphore_mem>>)
      %dma_wait3A = arith.constant 0 : i32
      %dma_wait3A_54 = tpu.memref_slice %arg9[%add3A_13, %dma_wait3A] : memref<10008x128xf32, #tpu.memory_space<vmem_shared>> -> memref<80x128xf32, #tpu.memory_space<vmem_shared>>
      %dma_wait3A_55 = arith.constant 0 : i32
      %dma_wait3A_56 = tpu.memref_slice %arg9[%add3A_13, %dma_wait3A_55] : memref<10008x128xf32, #tpu.memory_space<vmem_shared>> -> memref<80x128xf32, #tpu.memory_space<vmem_shared>>
      tpu.wait_dma2 semaphore(%run_scoped3A : memref<!tpu.dma_semaphore, #tpu.memory_space<semaphore_mem>>) src(%arg8 : memref<80x128xf32, #tpu.memory_space<vmem>>) dst(%dma_wait3A_56 : memref<80x128xf32, #tpu.memory_space<vmem_shared>>)
      tpu.yield
    }) : () -> ()
    %add3A_14 = arith.constant 320 : i32
    %add3A_15 = arith.addi %mul3A_6, %add3A_14 : i32
    "tpu.region"() ({
      %run_scoped3A = tpu.sem_alloc : memref<!tpu.dma_semaphore, #tpu.memory_space<semaphore_mem>>
      %dma_start3A = arith.constant 0 : i32
      %dma_start3A_51 = tpu.memref_slice %arg9[%add3A_15, %dma_start3A] : memref<10008x128xf32, #tpu.memory_space<vmem_shared>> -> memref<80x128xf32, #tpu.memory_space<vmem_shared>>
      %dma_start3A_52 = arith.constant 0 : i32
      %dma_start3A_53 = tpu.memref_slice %arg9[%add3A_15, %dma_start3A_52] : memref<10008x128xf32, #tpu.memory_space<vmem_shared>> -> memref<80x128xf32, #tpu.memory_space<vmem_shared>>
      tpu.enqueue_dma source(%arg8 : memref<80x128xf32, #tpu.memory_space<vmem>>) target(%dma_start3A_53 : memref<80x128xf32, #tpu.memory_space<vmem_shared>>) target_semaphore(%run_scoped3A : memref<!tpu.dma_semaphore, #tpu.memory_space<semaphore_mem>>)
      %dma_wait3A = arith.constant 0 : i32
      %dma_wait3A_54 = tpu.memref_slice %arg9[%add3A_15, %dma_wait3A] : memref<10008x128xf32, #tpu.memory_space<vmem_shared>> -> memref<80x128xf32, #tpu.memory_space<vmem_shared>>
      %dma_wait3A_55 = arith.constant 0 : i32
      %dma_wait3A_56 = tpu.memref_slice %arg9[%add3A_15, %dma_wait3A_55] : memref<10008x128xf32, #tpu.memory_space<vmem_shared>> -> memref<80x128xf32, #tpu.memory_space<vmem_shared>>
      tpu.wait_dma2 semaphore(%run_scoped3A : memref<!tpu.dma_semaphore, #tpu.memory_space<semaphore_mem>>) src(%arg8 : memref<80x128xf32, #tpu.memory_space<vmem>>) dst(%dma_wait3A_56 : memref<80x128xf32, #tpu.memory_space<vmem_shared>>)
      tpu.yield
    }) : () -> ()
    %add3A_16 = arith.constant 400 : i32
    %add3A_17 = arith.addi %mul3A_6, %add3A_16 : i32
    "tpu.region"() ({
      %run_scoped3A = tpu.sem_alloc : memref<!tpu.dma_semaphore, #tpu.memory_space<semaphore_mem>>
      %dma_start3A = arith.constant 0 : i32
      %dma_start3A_51 = tpu.memref_slice %arg9[%add3A_17, %dma_start3A] : memref<10008x128xf32, #tpu.memory_space<vmem_shared>> -> memref<80x128xf32, #tpu.memory_space<vmem_shared>>
      %dma_start3A_52 = arith.constant 0 : i32
      %dma_start3A_53 = tpu.memref_slice %arg9[%add3A_17, %dma_start3A_52] : memref<10008x128xf32, #tpu.memory_space<vmem_shared>> -> memref<80x128xf32, #tpu.memory_space<vmem_shared>>
      tpu.enqueue_dma source(%arg8 : memref<80x128xf32, #tpu.memory_space<vmem>>) target(%dma_start3A_53 : memref<80x128xf32, #tpu.memory_space<vmem_shared>>) target_semaphore(%run_scoped3A : memref<!tpu.dma_semaphore, #tpu.memory_space<semaphore_mem>>)
      %dma_wait3A = arith.constant 0 : i32
      %dma_wait3A_54 = tpu.memref_slice %arg9[%add3A_17, %dma_wait3A] : memref<10008x128xf32, #tpu.memory_space<vmem_shared>> -> memref<80x128xf32, #tpu.memory_space<vmem_shared>>
      %dma_wait3A_55 = arith.constant 0 : i32
      %dma_wait3A_56 = tpu.memref_slice %arg9[%add3A_17, %dma_wait3A_55] : memref<10008x128xf32, #tpu.memory_space<vmem_shared>> -> memref<80x128xf32, #tpu.memory_space<vmem_shared>>
      tpu.wait_dma2 semaphore(%run_scoped3A : memref<!tpu.dma_semaphore, #tpu.memory_space<semaphore_mem>>) src(%arg8 : memref<80x128xf32, #tpu.memory_space<vmem>>) dst(%dma_wait3A_56 : memref<80x128xf32, #tpu.memory_space<vmem_shared>>)
      tpu.yield
    }) : () -> ()
    %add3A_18 = arith.constant 480 : i32
    %add3A_19 = arith.addi %mul3A_6, %add3A_18 : i32
    "tpu.region"() ({
      %run_scoped3A = tpu.sem_alloc : memref<!tpu.dma_semaphore, #tpu.memory_space<semaphore_mem>>
      %dma_start3A = arith.constant 0 : i32
      %dma_start3A_51 = tpu.memref_slice %arg9[%add3A_19, %dma_start3A] : memref<10008x128xf32, #tpu.memory_space<vmem_shared>> -> memref<80x128xf32, #tpu.memory_space<vmem_shared>>
      %dma_start3A_52 = arith.constant 0 : i32
      %dma_start3A_53 = tpu.memref_slice %arg9[%add3A_19, %dma_start3A_52] : memref<10008x128xf32, #tpu.memory_space<vmem_shared>> -> memref<80x128xf32, #tpu.memory_space<vmem_shared>>
      tpu.enqueue_dma source(%arg8 : memref<80x128xf32, #tpu.memory_space<vmem>>) target(%dma_start3A_53 : memref<80x128xf32, #tpu.memory_space<vmem_shared>>) target_semaphore(%run_scoped3A : memref<!tpu.dma_semaphore, #tpu.memory_space<semaphore_mem>>)
      %dma_wait3A = arith.constant 0 : i32
      %dma_wait3A_54 = tpu.memref_slice %arg9[%add3A_19, %dma_wait3A] : memref<10008x128xf32, #tpu.memory_space<vmem_shared>> -> memref<80x128xf32, #tpu.memory_space<vmem_shared>>
      %dma_wait3A_55 = arith.constant 0 : i32
      %dma_wait3A_56 = tpu.memref_slice %arg9[%add3A_19, %dma_wait3A_55] : memref<10008x128xf32, #tpu.memory_space<vmem_shared>> -> memref<80x128xf32, #tpu.memory_space<vmem_shared>>
      tpu.wait_dma2 semaphore(%run_scoped3A : memref<!tpu.dma_semaphore, #tpu.memory_space<semaphore_mem>>) src(%arg8 : memref<80x128xf32, #tpu.memory_space<vmem>>) dst(%dma_wait3A_56 : memref<80x128xf32, #tpu.memory_space<vmem_shared>>)
      tpu.yield
    }) : () -> ()
    %add3A_20 = arith.constant 560 : i32
    %add3A_21 = arith.addi %mul3A_6, %add3A_20 : i32
    "tpu.region"() ({
      %run_scoped3A = tpu.sem_alloc : memref<!tpu.dma_semaphore, #tpu.memory_space<semaphore_mem>>
      %dma_start3A = arith.constant 0 : i32
      %dma_start3A_51 = arith.constant 0 : i32
      %dma_start3A_52 = tpu.memref_slice %arg8[%dma_start3A, %dma_start3A_51] : memref<80x128xf32, #tpu.memory_space<vmem>> -> memref<64x128xf32, #tpu.memory_space<vmem>>
      %dma_start3A_53 = arith.constant 0 : i32
      %dma_start3A_54 = tpu.memref_slice %arg9[%add3A_21, %dma_start3A_53] : memref<10008x128xf32, #tpu.memory_space<vmem_shared>> -> memref<64x128xf32, #tpu.memory_space<vmem_shared>>
      %dma_start3A_55 = arith.constant 0 : i32
      %dma_start3A_56 = tpu.memref_slice %arg9[%add3A_21, %dma_start3A_55] : memref<10008x128xf32, #tpu.memory_space<vmem_shared>> -> memref<64x128xf32, #tpu.memory_space<vmem_shared>>
      %dma_start3A_57 = arith.constant 0 : i32
      %dma_start3A_58 = arith.constant 0 : i32
      %dma_start3A_59 = tpu.memref_slice %arg8[%dma_start3A_57, %dma_start3A_58] : memref<80x128xf32, #tpu.memory_space<vmem>> -> memref<64x128xf32, #tpu.memory_space<vmem>>
      tpu.enqueue_dma source(%dma_start3A_59 : memref<64x128xf32, #tpu.memory_space<vmem>>) target(%dma_start3A_56 : memref<64x128xf32, #tpu.memory_space<vmem_shared>>) target_semaphore(%run_scoped3A : memref<!tpu.dma_semaphore, #tpu.memory_space<semaphore_mem>>)
      %dma_wait3A = arith.constant 0 : i32
      %dma_wait3A_60 = arith.constant 0 : i32
      %dma_wait3A_61 = tpu.memref_slice %arg8[%dma_wait3A, %dma_wait3A_60] : memref<80x128xf32, #tpu.memory_space<vmem>> -> memref<64x128xf32, #tpu.memory_space<vmem>>
      %dma_wait3A_62 = arith.constant 0 : i32
      %dma_wait3A_63 = tpu.memref_slice %arg9[%add3A_21, %dma_wait3A_62] : memref<10008x128xf32, #tpu.memory_space<vmem_shared>> -> memref<64x128xf32, #tpu.memory_space<vmem_shared>>
      %dma_wait3A_64 = arith.constant 0 : i32
      %dma_wait3A_65 = tpu.memref_slice %arg9[%add3A_21, %dma_wait3A_64] : memref<10008x128xf32, #tpu.memory_space<vmem_shared>> -> memref<64x128xf32, #tpu.memory_space<vmem_shared>>
      %dma_wait3A_66 = arith.constant 0 : i32
      %dma_wait3A_67 = arith.constant 0 : i32
      %dma_wait3A_68 = tpu.memref_slice %arg8[%dma_wait3A_66, %dma_wait3A_67] : memref<80x128xf32, #tpu.memory_space<vmem>> -> memref<64x128xf32, #tpu.memory_space<vmem>>
      tpu.wait_dma2 semaphore(%run_scoped3A : memref<!tpu.dma_semaphore, #tpu.memory_space<semaphore_mem>>) src(%dma_wait3A_68 : memref<64x128xf32, #tpu.memory_space<vmem>>) dst(%dma_wait3A_65 : memref<64x128xf32, #tpu.memory_space<vmem_shared>>)
      tpu.yield
    }) : () -> ()
    %eq3A = arith.constant 0 : i32
    %eq3A_22 = arith.cmpi eq, %arg1, %eq3A : i32
    %convert_element_type3A = arith.extui %eq3A_22 : i1 to i32
    %cond3A = arith.constant 0 : i32
    %cond3A_23 = arith.cmpi ne, %convert_element_type3A, %cond3A : i32
    scf.if %cond3A_23 {
      "tpu.region"() ({
        %run_scoped3A = tpu.sem_alloc : memref<!tpu.dma_semaphore, #tpu.memory_space<semaphore_mem>>
        %dma_start3A = arith.constant 0 : i32
        %dma_start3A_51 = arith.constant 0 : i32
        %dma_start3A_52 = tpu.memref_slice %arg8[%dma_start3A, %dma_start3A_51] : memref<80x128xf32, #tpu.memory_space<vmem>> -> memref<24x128xf32, #tpu.memory_space<vmem>>
        %dma_start3A_53 = arith.constant 9984 : i32
        %dma_start3A_54 = arith.constant 0 : i32
        %dma_start3A_55 = tpu.memref_slice %arg9[%dma_start3A_53, %dma_start3A_54] : memref<10008x128xf32, #tpu.memory_space<vmem_shared>> -> memref<24x128xf32, #tpu.memory_space<vmem_shared>>
        %dma_start3A_56 = arith.constant 9984 : i32
        %dma_start3A_57 = arith.constant 0 : i32
        %dma_start3A_58 = tpu.memref_slice %arg9[%dma_start3A_56, %dma_start3A_57] : memref<10008x128xf32, #tpu.memory_space<vmem_shared>> -> memref<24x128xf32, #tpu.memory_space<vmem_shared>>
        %dma_start3A_59 = arith.constant 0 : i32
        %dma_start3A_60 = arith.constant 0 : i32
        %dma_start3A_61 = tpu.memref_slice %arg8[%dma_start3A_59, %dma_start3A_60] : memref<80x128xf32, #tpu.memory_space<vmem>> -> memref<24x128xf32, #tpu.memory_space<vmem>>
        tpu.enqueue_dma source(%dma_start3A_61 : memref<24x128xf32, #tpu.memory_space<vmem>>) target(%dma_start3A_58 : memref<24x128xf32, #tpu.memory_space<vmem_shared>>) target_semaphore(%run_scoped3A : memref<!tpu.dma_semaphore, #tpu.memory_space<semaphore_mem>>)
        %dma_wait3A = arith.constant 0 : i32
        %dma_wait3A_62 = arith.constant 0 : i32
        %dma_wait3A_63 = tpu.memref_slice %arg8[%dma_wait3A, %dma_wait3A_62] : memref<80x128xf32, #tpu.memory_space<vmem>> -> memref<24x128xf32, #tpu.memory_space<vmem>>
        %dma_wait3A_64 = arith.constant 9984 : i32
        %dma_wait3A_65 = arith.constant 0 : i32
        %dma_wait3A_66 = tpu.memref_slice %arg9[%dma_wait3A_64, %dma_wait3A_65] : memref<10008x128xf32, #tpu.memory_space<vmem_shared>> -> memref<24x128xf32, #tpu.memory_space<vmem_shared>>
        %dma_wait3A_67 = arith.constant 9984 : i32
        %dma_wait3A_68 = arith.constant 0 : i32
        %dma_wait3A_69 = tpu.memref_slice %arg9[%dma_wait3A_67, %dma_wait3A_68] : memref<10008x128xf32, #tpu.memory_space<vmem_shared>> -> memref<24x128xf32, #tpu.memory_space<vmem_shared>>
        %dma_wait3A_70 = arith.constant 0 : i32
        %dma_wait3A_71 = arith.constant 0 : i32
        %dma_wait3A_72 = tpu.memref_slice %arg8[%dma_wait3A_70, %dma_wait3A_71] : memref<80x128xf32, #tpu.memory_space<vmem>> -> memref<24x128xf32, #tpu.memory_space<vmem>>
        tpu.wait_dma2 semaphore(%run_scoped3A : memref<!tpu.dma_semaphore, #tpu.memory_space<semaphore_mem>>) src(%dma_wait3A_72 : memref<24x128xf32, #tpu.memory_space<vmem>>) dst(%dma_wait3A_69 : memref<24x128xf32, #tpu.memory_space<vmem_shared>>)
        tpu.yield
      }) : () -> ()
    } else {
    }
    %barrier3A = arith.constant 0 : index
    tpu.barrier barrier_id(%barrier3A)
    %mul3A_24 = arith.constant 320000 : i32
    %mul3A_25 = arith.muli %arg0, %mul3A_24 : i32
    %mul3A_26 = arith.constant 20000 : i32
    %mul3A_27 = arith.muli %arg1, %mul3A_26 : i32
    %add3A_28 = arith.addi %mul3A_25, %mul3A_27 : i32
    %mul3A_29 = arith.constant 0 : i32
    %mul3A_30 = arith.muli %arg0, %mul3A_29 : i32
    %mul3A_31 = arith.constant 20000 : i32
    %mul3A_32 = arith.muli %arg1, %mul3A_31 : i32
    %add3A_33 = arith.addi %mul3A_30, %mul3A_32 : i32
    %scan3A_34 = arith.constant 0 : i32
    %scan3A_35 = arith.constant 0 : i32
    %scan3A_36 = arith.constant 250 : i32
    %scan3A_37 = arith.addi %scan3A_35, %scan3A_36 : i32
    %scan3A_38 = arith.constant 1 : i32
    scf.for %scan3A_51 = %scan3A_35 to %scan3A_37 step %scan3A_38  : i32 {
      %mul3A_52 = arith.constant 80 : i32
      %mul3A_53 = arith.muli %scan3A_51, %mul3A_52 : i32
      %add3A_54 = arith.addi %add3A_28, %mul3A_53 : i32
      "tpu.region"() ({
        %run_scoped3A = tpu.sem_alloc : memref<!tpu.dma_semaphore, #tpu.memory_space<semaphore_mem>>
        %dma_start3A_60 = tpu.memref_slice %arg3[%add3A_54] : memref<640000xi32, #tpu.memory_space<hbm>> -> memref<80xi32, #tpu.memory_space<hbm>>
        %dma_start3A_61 = tpu.memref_slice %arg3[%add3A_54] : memref<640000xi32, #tpu.memory_space<hbm>> -> memref<80xi32, #tpu.memory_space<hbm>>
        tpu.enqueue_dma source(%dma_start3A_61 : memref<80xi32, #tpu.memory_space<hbm>>) target(%arg6 : memref<80xi32, #tpu.memory_space<vmem>>) target_semaphore(%run_scoped3A : memref<!tpu.dma_semaphore, #tpu.memory_space<semaphore_mem>>)
        %dma_wait3A_62 = tpu.memref_slice %arg3[%add3A_54] : memref<640000xi32, #tpu.memory_space<hbm>> -> memref<80xi32, #tpu.memory_space<hbm>>
        %dma_wait3A_63 = tpu.memref_slice %arg3[%add3A_54] : memref<640000xi32, #tpu.memory_space<hbm>> -> memref<80xi32, #tpu.memory_space<hbm>>
        tpu.wait_dma2 semaphore(%run_scoped3A : memref<!tpu.dma_semaphore, #tpu.memory_space<semaphore_mem>>) src(%dma_wait3A_63 : memref<80xi32, #tpu.memory_space<hbm>>) dst(%arg6 : memref<80xi32, #tpu.memory_space<vmem>>)
        tpu.yield
      }) : () -> ()
      %add3A_55 = arith.addi %add3A_33, %mul3A_53 : i32
      "tpu.region"() ({
        %run_scoped3A = tpu.sem_alloc : memref<!tpu.dma_semaphore, #tpu.memory_space<semaphore_mem>>
        %dma_start3A_60 = tpu.memref_slice %arg4[%add3A_55] : memref<320000xi32, #tpu.memory_space<hbm>> -> memref<80xi32, #tpu.memory_space<hbm>>
        %dma_start3A_61 = tpu.memref_slice %arg4[%add3A_55] : memref<320000xi32, #tpu.memory_space<hbm>> -> memref<80xi32, #tpu.memory_space<hbm>>
        tpu.enqueue_dma source(%dma_start3A_61 : memref<80xi32, #tpu.memory_space<hbm>>) target(%arg7 : memref<80xi32, #tpu.memory_space<vmem>>) target_semaphore(%run_scoped3A : memref<!tpu.dma_semaphore, #tpu.memory_space<semaphore_mem>>)
        %dma_wait3A_62 = tpu.memref_slice %arg4[%add3A_55] : memref<320000xi32, #tpu.memory_space<hbm>> -> memref<80xi32, #tpu.memory_space<hbm>>
        %dma_wait3A_63 = tpu.memref_slice %arg4[%add3A_55] : memref<320000xi32, #tpu.memory_space<hbm>> -> memref<80xi32, #tpu.memory_space<hbm>>
        tpu.wait_dma2 semaphore(%run_scoped3A : memref<!tpu.dma_semaphore, #tpu.memory_space<semaphore_mem>>) src(%dma_wait3A_63 : memref<80xi32, #tpu.memory_space<hbm>>) dst(%arg7 : memref<80xi32, #tpu.memory_space<vmem>>)
        tpu.yield
      }) : () -> ()
      %dma_start3A = arith.constant 0 : i32
      %dma_start3A_56 = arith.constant 0 : i32
      %dma_start3A_57 = tpu.memref_slice %arg2[%dma_start3A, %dma_start3A_56] : memref<20000x128xf32, #tpu.memory_space<hbm>> -> memref<20000x128xf32, #tpu.memory_space<hbm>>
      tpu.enqueue_indirect_dma source(%dma_start3A_57 : memref<20000x128xf32, #tpu.memory_space<hbm>>) target(%arg8 : memref<80x128xf32, #tpu.memory_space<vmem>>) offsets(%arg6 : memref<80xi32, #tpu.memory_space<vmem>>) semaphore(%arg10 : memref<!tpu.dma_semaphore, #tpu.memory_space<semaphore_mem>>)
      %dma_wait3A = arith.constant 0 : i32
      %dma_wait3A_58 = arith.constant 0 : i32
      %dma_wait3A_59 = tpu.memref_slice %arg2[%dma_wait3A, %dma_wait3A_58] : memref<20000x128xf32, #tpu.memory_space<hbm>> -> memref<20000x128xf32, #tpu.memory_space<hbm>>
      tpu.wait_indirect_dma semaphore(%arg10 : memref<!tpu.dma_semaphore, #tpu.memory_space<semaphore_mem>>) src(%dma_wait3A_59 : memref<20000x128xf32, #tpu.memory_space<hbm>>) dst(%arg8 : memref<80x128xf32, #tpu.memory_space<vmem>>)
      "tpu.region"() ({
        %run_scoped3A = tpu.sem_alloc : memref<!tpu.dma_semaphore, #tpu.memory_space<semaphore_mem>>
        %dma_start3A_60 = arith.constant 0 : i32
        %dma_start3A_61 = arith.constant 0 : i32
        %dma_start3A_62 = tpu.memref_slice %arg9[%dma_start3A_60, %dma_start3A_61] : memref<10008x128xf32, #tpu.memory_space<vmem_shared>> -> memref<10008x128xf32, #tpu.memory_space<vmem_shared>>
        tpu.enqueue_indirect_dma source(%arg8 : memref<80x128xf32, #tpu.memory_space<vmem>>) target(%dma_start3A_62 : memref<10008x128xf32, #tpu.memory_space<vmem_shared>>) offsets(%arg7 : memref<80xi32, #tpu.memory_space<vmem>>) semaphore(%run_scoped3A : memref<!tpu.dma_semaphore, #tpu.memory_space<semaphore_mem>>) {add = true}
        %dma_wait3A_63 = arith.constant 0 : i32
        %dma_wait3A_64 = arith.constant 0 : i32
        %dma_wait3A_65 = tpu.memref_slice %arg9[%dma_wait3A_63, %dma_wait3A_64] : memref<10008x128xf32, #tpu.memory_space<vmem_shared>> -> memref<10008x128xf32, #tpu.memory_space<vmem_shared>>
        tpu.wait_indirect_dma semaphore(%run_scoped3A : memref<!tpu.dma_semaphore, #tpu.memory_space<semaphore_mem>>) src(%arg8 : memref<80x128xf32, #tpu.memory_space<vmem>>) dst(%dma_wait3A_65 : memref<10008x128xf32, #tpu.memory_space<vmem_shared>>)
        tpu.yield
      }) : () -> ()
    }
    %scan3A_39 = arith.constant 250 : i32
    %barrier3A_40 = arith.constant 0 : index
    tpu.barrier barrier_id(%barrier3A_40)
    %mul3A_41 = arith.constant 10000 : i32
    %mul3A_42 = arith.muli %arg0, %mul3A_41 : i32
    %mul3A_43 = arith.constant 624 : i32
    %mul3A_44 = arith.muli %arg1, %mul3A_43 : i32
    %add3A_45 = arith.addi %mul3A_42, %mul3A_44 : i32
    "tpu.region"() ({
      %run_scoped3A = tpu.sem_alloc : memref<!tpu.dma_semaphore, #tpu.memory_space<semaphore_mem>>
      %dma_start3A = arith.constant 0 : i32
      %dma_start3A_51 = tpu.memref_slice %arg5[%add3A_45, %dma_start3A] : memref<20000x128xf32, #tpu.memory_space<hbm>> -> memref<624x128xf32, #tpu.memory_space<hbm>>
      %dma_start3A_52 = arith.constant 0 : i32
      %dma_start3A_53 = tpu.memref_slice %arg9[%mul3A_44, %dma_start3A_52] : memref<10008x128xf32, #tpu.memory_space<vmem_shared>> -> memref<624x128xf32, #tpu.memory_space<vmem_shared>>
      tpu.enqueue_dma source(%dma_start3A_53 : memref<624x128xf32, #tpu.memory_space<vmem_shared>>) target(%dma_start3A_51 : memref<624x128xf32, #tpu.memory_space<hbm>>) target_semaphore(%run_scoped3A : memref<!tpu.dma_semaphore, #tpu.memory_space<semaphore_mem>>)
      %dma_wait3A = arith.constant 0 : i32
      %dma_wait3A_54 = tpu.memref_slice %arg5[%add3A_45, %dma_wait3A] : memref<20000x128xf32, #tpu.memory_space<hbm>> -> memref<624x128xf32, #tpu.memory_space<hbm>>
      %dma_wait3A_55 = arith.constant 0 : i32
      %dma_wait3A_56 = tpu.memref_slice %arg9[%mul3A_44, %dma_wait3A_55] : memref<10008x128xf32, #tpu.memory_space<vmem_shared>> -> memref<624x128xf32, #tpu.memory_space<vmem_shared>>
      tpu.wait_dma2 semaphore(%run_scoped3A : memref<!tpu.dma_semaphore, #tpu.memory_space<semaphore_mem>>) src(%dma_wait3A_56 : memref<624x128xf32, #tpu.memory_space<vmem_shared>>) dst(%dma_wait3A_54 : memref<624x128xf32, #tpu.memory_space<hbm>>)
      tpu.yield
    }) : () -> ()
    %eq3A_46 = arith.constant 0 : i32
    %eq3A_47 = arith.cmpi eq, %arg1, %eq3A_46 : i32
    %convert_element_type3A_48 = arith.extui %eq3A_47 : i1 to i32
    %cond3A_49 = arith.constant 0 : i32
    %cond3A_50 = arith.cmpi ne, %convert_element_type3A_48, %cond3A_49 : i32
    scf.if %cond3A_50 {
      %add3A_51 = arith.constant 9984 : i32
      %add3A_52 = arith.addi %mul3A_42, %add3A_51 : i32
      "tpu.region"() ({
        %run_scoped3A = tpu.sem_alloc : memref<!tpu.dma_semaphore, #tpu.memory_space<semaphore_mem>>
        %dma_start3A = arith.constant 0 : i32
        %dma_start3A_53 = tpu.memref_slice %arg5[%add3A_52, %dma_start3A] : memref<20000x128xf32, #tpu.memory_space<hbm>> -> memref<16x128xf32, #tpu.memory_space<hbm>>
        %dma_start3A_54 = arith.constant 9984 : i32
        %dma_start3A_55 = arith.constant 0 : i32
        %dma_start3A_56 = tpu.memref_slice %arg9[%dma_start3A_54, %dma_start3A_55] : memref<10008x128xf32, #tpu.memory_space<vmem_shared>> -> memref<16x128xf32, #tpu.memory_space<vmem_shared>>
        tpu.enqueue_dma source(%dma_start3A_56 : memref<16x128xf32, #tpu.memory_space<vmem_shared>>) target(%dma_start3A_53 : memref<16x128xf32, #tpu.memory_space<hbm>>) target_semaphore(%run_scoped3A : memref<!tpu.dma_semaphore, #tpu.memory_space<semaphore_mem>>)
        %dma_wait3A = arith.constant 0 : i32
        %dma_wait3A_57 = tpu.memref_slice %arg5[%add3A_52, %dma_wait3A] : memref<20000x128xf32, #tpu.memory_space<hbm>> -> memref<16x128xf32, #tpu.memory_space<hbm>>
        %dma_wait3A_58 = arith.constant 9984 : i32
        %dma_wait3A_59 = arith.constant 0 : i32
        %dma_wait3A_60 = tpu.memref_slice %arg9[%dma_wait3A_58, %dma_wait3A_59] : memref<10008x128xf32, #tpu.memory_space<vmem_shared>> -> memref<16x128xf32, #tpu.memory_space<vmem_shared>>
        tpu.wait_dma2 semaphore(%run_scoped3A : memref<!tpu.dma_semaphore, #tpu.memory_space<semaphore_mem>>) src(%dma_wait3A_60 : memref<16x128xf32, #tpu.memory_space<vmem_shared>>) dst(%dma_wait3A_57 : memref<16x128xf32, #tpu.memory_space<hbm>>)
        tpu.yield
      }) : () -> ()
    } else {
    }
    return
  }
}

#map = affine_map<(d0, d1) -> (0, 0)>
#map1 = affine_map<(d0, d1) -> (0)>
module attributes {stable_mosaic.version = 14 : i64} {
  func.func @body(%arg0: i32, %arg1: i32, %arg2: memref<20000x128xf32, #tpu.memory_space<hbm>>, %arg3: memref<640000xi32, #tpu.memory_space<hbm>>, %arg4: memref<320000xi32, #tpu.memory_space<hbm>>, %arg5: memref<20000x128xf32, #tpu.memory_space<hbm>>, %arg6: memref<80xi32, #tpu.memory_space<vmem>>, %arg7: memref<80xi32, #tpu.memory_space<vmem>>, %arg8: memref<80x128xf32, #tpu.memory_space<vmem>>, %arg9: memref<10008x128xf32, #tpu.memory_space<vmem_shared>>, %arg10: memref<!tpu.dma_semaphore, #tpu.memory_space<semaphore_mem>>) attributes {dimension_semantics = [#tpu.dimension_semantics<core_parallel>, #tpu.dimension_semantics<subcore_parallel>], iteration_bounds = array<i64: 2, 16>, scalar_prefetch = 0 : i64, scratch_operands = 5 : i64, tpu.core_type = #tpu.core_type<sc_vector_subcore>, window_params = [{transform_indices = #map}, {transform_indices = #map1}, {transform_indices = #map1}, {transform_indices = #map}]} {
    %broadcast_in_dim3A = arith.constant 0.000000e+00 : f32
    %broadcast_in_dim3A_0 = vector.broadcast %broadcast_in_dim3A : f32 to vector<16xf32>
    %scan3A = arith.constant 0 : i32
    %scan3A_1 = arith.constant 0 : i32
    %scan3A_2 = arith.constant 80 : i32
    %scan3A_3 = arith.addi %scan3A_1, %scan3A_2 : i32
    %scan3A_4 = arith.constant 1 : i32
    scf.for %scan3A_51 = %scan3A_1 to %scan3A_3 step %scan3A_4  : i32 {
      %swap3A = arith.index_cast %scan3A_51 : i32 to index
      %swap3A_52 = arith.constant 0 : index
      %swap3A_53 = tpu.vector_load %arg8[%swap3A, %swap3A_52] {strides = array<i32>} : memref<80x128xf32, #tpu.memory_space<vmem>>, vector<1x16xf32>,
      %swap3A_54 = vector.shape_cast %swap3A_53 : vector<1x16xf32> to vector<16xf32>
      %swap3A_55 = vector.shape_cast %broadcast_in_dim3A_0 : vector<16xf32> to vector<1x16xf32>
      tpu.vector_store %arg8[%swap3A, %swap3A_52], %swap3A_55 {strides = array<i32>} : memref<80x128xf32, #tpu.memory_space<vmem>>, vector<1x16xf32>,
      %swap3A_56 = arith.index_cast %scan3A_51 : i32 to index
      %swap3A_57 = arith.constant 16 : index
      %swap3A_58 = tpu.vector_load %arg8[%swap3A_56, %swap3A_57] {strides = array<i32>} : memref<80x128xf32, #tpu.memory_space<vmem>>, vector<1x16xf32>,
      %swap3A_59 = vector.shape_cast %swap3A_58 : vector<1x16xf32> to vector<16xf32>
      %swap3A_60 = vector.shape_cast %broadcast_in_dim3A_0 : vector<16xf32> to vector<1x16xf32>
      tpu.vector_store %arg8[%swap3A_56, %swap3A_57], %swap3A_60 {strides = array<i32>} : memref<80x128xf32, #tpu.memory_space<vmem>>, vector<1x16xf32>,
      %swap3A_61 = arith.index_cast %scan3A_51 : i32 to index
      %swap3A_62 = arith.constant 32 : index
      %swap3A_63 = tpu.vector_load %arg8[%swap3A_61, %swap3A_62] {strides = array<i32>} : memref<80x128xf32, #tpu.memory_space<vmem>>, vector<1x16xf32>,
      %swap3A_64 = vector.shape_cast %swap3A_63 : vector<1x16xf32> to vector<16xf32>
      %swap3A_65 = vector.shape_cast %broadcast_in_dim3A_0 : vector<16xf32> to vector<1x16xf32>
      tpu.vector_store %arg8[%swap3A_61, %swap3A_62], %swap3A_65 {strides = array<i32>} : memref<80x128xf32, #tpu.memory_space<vmem>>, vector<1x16xf32>,
      %swap3A_66 = arith.index_cast %scan3A_51 : i32 to index
      %swap3A_67 = arith.constant 48 : index
      %swap3A_68 = tpu.vector_load %arg8[%swap3A_66, %swap3A_67] {strides = array<i32>} : memref<80x128xf32, #tpu.memory_space<vmem>>, vector<1x16xf32>,
      %swap3A_69 = vector.shape_cast %swap3A_68 : vector<1x16xf32> to vector<16xf32>
      %swap3A_70 = vector.shape_cast %broadcast_in_dim3A_0 : vector<16xf32> to vector<1x16xf32>
      tpu.vector_store %arg8[%swap3A_66, %swap3A_67], %swap3A_70 {strides = array<i32>} : memref<80x128xf32, #tpu.memory_space<vmem>>, vector<1x16xf32>,
      %swap3A_71 = arith.index_cast %scan3A_51 : i32 to index
      %swap3A_72 = arith.constant 64 : index
      %swap3A_73 = tpu.vector_load %arg8[%swap3A_71, %swap3A_72] {strides = array<i32>} : memref<80x128xf32, #tpu.memory_space<vmem>>, vector<1x16xf32>,
      %swap3A_74 = vector.shape_cast %swap3A_73 : vector<1x16xf32> to vector<16xf32>
      %swap3A_75 = vector.shape_cast %broadcast_in_dim3A_0 : vector<16xf32> to vector<1x16xf32>
      tpu.vector_store %arg8[%swap3A_71, %swap3A_72], %swap3A_75 {strides = array<i32>} : memref<80x128xf32, #tpu.memory_space<vmem>>, vector<1x16xf32>,
      %swap3A_76 = arith.index_cast %scan3A_51 : i32 to index
      %swap3A_77 = arith.constant 80 : index
      %swap3A_78 = tpu.vector_load %arg8[%swap3A_76, %swap3A_77] {strides = array<i32>} : memref<80x128xf32, #tpu.memory_space<vmem>>, vector<1x16xf32>,
      %swap3A_79 = vector.shape_cast %swap3A_78 : vector<1x16xf32> to vector<16xf32>
      %swap3A_80 = vector.shape_cast %broadcast_in_dim3A_0 : vector<16xf32> to vector<1x16xf32>
      tpu.vector_store %arg8[%swap3A_76, %swap3A_77], %swap3A_80 {strides = array<i32>} : memref<80x128xf32, #tpu.memory_space<vmem>>, vector<1x16xf32>,
      %swap3A_81 = arith.index_cast %scan3A_51 : i32 to index
      %swap3A_82 = arith.constant 96 : index
      %swap3A_83 = tpu.vector_load %arg8[%swap3A_81, %swap3A_82] {strides = array<i32>} : memref<80x128xf32, #tpu.memory_space<vmem>>, vector<1x16xf32>,
      %swap3A_84 = vector.shape_cast %swap3A_83 : vector<1x16xf32> to vector<16xf32>
      %swap3A_85 = vector.shape_cast %broadcast_in_dim3A_0 : vector<16xf32> to vector<1x16xf32>
      tpu.vector_store %arg8[%swap3A_81, %swap3A_82], %swap3A_85 {strides = array<i32>} : memref<80x128xf32, #tpu.memory_space<vmem>>, vector<1x16xf32>,
      %swap3A_86 = arith.index_cast %scan3A_51 : i32 to index
      %swap3A_87 = arith.constant 112 : index
      %swap3A_88 = tpu.vector_load %arg8[%swap3A_86, %swap3A_87] {strides = array<i32>} : memref<80x128xf32, #tpu.memory_space<vmem>>, vector<1x16xf32>,
      %swap3A_89 = vector.shape_cast %swap3A_88 : vector<1x16xf32> to vector<16xf32>
      %swap3A_90 = vector.shape_cast %broadcast_in_dim3A_0 : vector<16xf32> to vector<1x16xf32>
      tpu.vector_store %arg8[%swap3A_86, %swap3A_87], %swap3A_90 {strides = array<i32>} : memref<80x128xf32, #tpu.memory_space<vmem>>, vector<1x16xf32>,
    }
    %scan3A_5 = arith.constant 80 : i32
    %mul3A = arith.constant 624 : i32
    %mul3A_6 = arith.muli %arg1, %mul3A : i32
    %add3A = arith.constant 0 : i32
    %add3A_7 = arith.addi %mul3A_6, %add3A : i32
    "tpu.region"() ({
      %run_scoped3A = tpu.sem_alloc : memref<!tpu.dma_semaphore, #tpu.memory_space<semaphore_mem>>
      %dma_start3A = arith.constant 0 : i32
      %dma_start3A_51 = tpu.memref_slice %arg9[%add3A_7, %dma_start3A] : memref<10008x128xf32, #tpu.memory_space<vmem_shared>> -> memref<80x128xf32, #tpu.memory_space<vmem_shared>>
      %dma_start3A_52 = arith.constant 0 : i32
      %dma_start3A_53 = tpu.memref_slice %arg9[%add3A_7, %dma_start3A_52] : memref<10008x128xf32, #tpu.memory_space<vmem_shared>> -> memref<80x128xf32, #tpu.memory_space<vmem_shared>>
      tpu.enqueue_dma source(%arg8 : memref<80x128xf32, #tpu.memory_space<vmem>>) target(%dma_start3A_53 : memref<80x128xf32, #tpu.memory_space<vmem_shared>>) target_semaphore(%run_scoped3A : memref<!tpu.dma_semaphore, #tpu.memory_space<semaphore_mem>>)
      %dma_wait3A = arith.constant 0 : i32
      %dma_wait3A_54 = tpu.memref_slice %arg9[%add3A_7, %dma_wait3A] : memref<10008x128xf32, #tpu.memory_space<vmem_shared>> -> memref<80x128xf32, #tpu.memory_space<vmem_shared>>
      %dma_wait3A_55 = arith.constant 0 : i32
      %dma_wait3A_56 = tpu.memref_slice %arg9[%add3A_7, %dma_wait3A_55] : memref<10008x128xf32, #tpu.memory_space<vmem_shared>> -> memref<80x128xf32, #tpu.memory_space<vmem_shared>>
      tpu.wait_dma2 semaphore(%run_scoped3A : memref<!tpu.dma_semaphore, #tpu.memory_space<semaphore_mem>>) src(%arg8 : memref<80x128xf32, #tpu.memory_space<vmem>>) dst(%dma_wait3A_56 : memref<80x128xf32, #tpu.memory_space<vmem_shared>>)
      tpu.yield
    }) : () -> ()
    %add3A_8 = arith.constant 80 : i32
    %add3A_9 = arith.addi %mul3A_6, %add3A_8 : i32
    "tpu.region"() ({
      %run_scoped3A = tpu.sem_alloc : memref<!tpu.dma_semaphore, #tpu.memory_space<semaphore_mem>>
      %dma_start3A = arith.constant 0 : i32
      %dma_start3A_51 = tpu.memref_slice %arg9[%add3A_9, %dma_start3A] : memref<10008x128xf32, #tpu.memory_space<vmem_shared>> -> memref<80x128xf32, #tpu.memory_space<vmem_shared>>
      %dma_start3A_52 = arith.constant 0 : i32
      %dma_start3A_53 = tpu.memref_slice %arg9[%add3A_9, %dma_start3A_52] : memref<10008x128xf32, #tpu.memory_space<vmem_shared>> -> memref<80x128xf32, #tpu.memory_space<vmem_shared>>
      tpu.enqueue_dma source(%arg8 : memref<80x128xf32, #tpu.memory_space<vmem>>) target(%dma_start3A_53 : memref<80x128xf32, #tpu.memory_space<vmem_shared>>) target_semaphore(%run_scoped3A : memref<!tpu.dma_semaphore, #tpu.memory_space<semaphore_mem>>)
      %dma_wait3A = arith.constant 0 : i32
      %dma_wait3A_54 = tpu.memref_slice %arg9[%add3A_9, %dma_wait3A] : memref<10008x128xf32, #tpu.memory_space<vmem_shared>> -> memref<80x128xf32, #tpu.memory_space<vmem_shared>>
      %dma_wait3A_55 = arith.constant 0 : i32
      %dma_wait3A_56 = tpu.memref_slice %arg9[%add3A_9, %dma_wait3A_55] : memref<10008x128xf32, #tpu.memory_space<vmem_shared>> -> memref<80x128xf32, #tpu.memory_space<vmem_shared>>
      tpu.wait_dma2 semaphore(%run_scoped3A : memref<!tpu.dma_semaphore, #tpu.memory_space<semaphore_mem>>) src(%arg8 : memref<80x128xf32, #tpu.memory_space<vmem>>) dst(%dma_wait3A_56 : memref<80x128xf32, #tpu.memory_space<vmem_shared>>)
      tpu.yield
    }) : () -> ()
    %add3A_10 = arith.constant 160 : i32
    %add3A_11 = arith.addi %mul3A_6, %add3A_10 : i32
    "tpu.region"() ({
      %run_scoped3A = tpu.sem_alloc : memref<!tpu.dma_semaphore, #tpu.memory_space<semaphore_mem>>
      %dma_start3A = arith.constant 0 : i32
      %dma_start3A_51 = tpu.memref_slice %arg9[%add3A_11, %dma_start3A] : memref<10008x128xf32, #tpu.memory_space<vmem_shared>> -> memref<80x128xf32, #tpu.memory_space<vmem_shared>>
      %dma_start3A_52 = arith.constant 0 : i32
      %dma_start3A_53 = tpu.memref_slice %arg9[%add3A_11, %dma_start3A_52] : memref<10008x128xf32, #tpu.memory_space<vmem_shared>> -> memref<80x128xf32, #tpu.memory_space<vmem_shared>>
      tpu.enqueue_dma source(%arg8 : memref<80x128xf32, #tpu.memory_space<vmem>>) target(%dma_start3A_53 : memref<80x128xf32, #tpu.memory_space<vmem_shared>>) target_semaphore(%run_scoped3A : memref<!tpu.dma_semaphore, #tpu.memory_space<semaphore_mem>>)
      %dma_wait3A = arith.constant 0 : i32
      %dma_wait3A_54 = tpu.memref_slice %arg9[%add3A_11, %dma_wait3A] : memref<10008x128xf32, #tpu.memory_space<vmem_shared>> -> memref<80x128xf32, #tpu.memory_space<vmem_shared>>
      %dma_wait3A_55 = arith.constant 0 : i32
      %dma_wait3A_56 = tpu.memref_slice %arg9[%add3A_11, %dma_wait3A_55] : memref<10008x128xf32, #tpu.memory_space<vmem_shared>> -> memref<80x128xf32, #tpu.memory_space<vmem_shared>>
      tpu.wait_dma2 semaphore(%run_scoped3A : memref<!tpu.dma_semaphore, #tpu.memory_space<semaphore_mem>>) src(%arg8 : memref<80x128xf32, #tpu.memory_space<vmem>>) dst(%dma_wait3A_56 : memref<80x128xf32, #tpu.memory_space<vmem_shared>>)
      tpu.yield
    }) : () -> ()
    %add3A_12 = arith.constant 240 : i32
    %add3A_13 = arith.addi %mul3A_6, %add3A_12 : i32
    "tpu.region"() ({
      %run_scoped3A = tpu.sem_alloc : memref<!tpu.dma_semaphore, #tpu.memory_space<semaphore_mem>>
      %dma_start3A = arith.constant 0 : i32
      %dma_start3A_51 = tpu.memref_slice %arg9[%add3A_13, %dma_start3A] : memref<10008x128xf32, #tpu.memory_space<vmem_shared>> -> memref<80x128xf32, #tpu.memory_space<vmem_shared>>
      %dma_start3A_52 = arith.constant 0 : i32
      %dma_start3A_53 = tpu.memref_slice %arg9[%add3A_13, %dma_start3A_52] : memref<10008x128xf32, #tpu.memory_space<vmem_shared>> -> memref<80x128xf32, #tpu.memory_space<vmem_shared>>
      tpu.enqueue_dma source(%arg8 : memref<80x128xf32, #tpu.memory_space<vmem>>) target(%dma_start3A_53 : memref<80x128xf32, #tpu.memory_space<vmem_shared>>) target_semaphore(%run_scoped3A : memref<!tpu.dma_semaphore, #tpu.memory_space<semaphore_mem>>)
      %dma_wait3A = arith.constant 0 : i32
      %dma_wait3A_54 = tpu.memref_slice %arg9[%add3A_13, %dma_wait3A] : memref<10008x128xf32, #tpu.memory_space<vmem_shared>> -> memref<80x128xf32, #tpu.memory_space<vmem_shared>>
      %dma_wait3A_55 = arith.constant 0 : i32
      %dma_wait3A_56 = tpu.memref_slice %arg9[%add3A_13, %dma_wait3A_55] : memref<10008x128xf32, #tpu.memory_space<vmem_shared>> -> memref<80x128xf32, #tpu.memory_space<vmem_shared>>
      tpu.wait_dma2 semaphore(%run_scoped3A : memref<!tpu.dma_semaphore, #tpu.memory_space<semaphore_mem>>) src(%arg8 : memref<80x128xf32, #tpu.memory_space<vmem>>) dst(%dma_wait3A_56 : memref<80x128xf32, #tpu.memory_space<vmem_shared>>)
      tpu.yield
    }) : () -> ()
    %add3A_14 = arith.constant 320 : i32
    %add3A_15 = arith.addi %mul3A_6, %add3A_14 : i32
    "tpu.region"() ({
      %run_scoped3A = tpu.sem_alloc : memref<!tpu.dma_semaphore, #tpu.memory_space<semaphore_mem>>
      %dma_start3A = arith.constant 0 : i32
      %dma_start3A_51 = tpu.memref_slice %arg9[%add3A_15, %dma_start3A] : memref<10008x128xf32, #tpu.memory_space<vmem_shared>> -> memref<80x128xf32, #tpu.memory_space<vmem_shared>>
      %dma_start3A_52 = arith.constant 0 : i32
      %dma_start3A_53 = tpu.memref_slice %arg9[%add3A_15, %dma_start3A_52] : memref<10008x128xf32, #tpu.memory_space<vmem_shared>> -> memref<80x128xf32, #tpu.memory_space<vmem_shared>>
      tpu.enqueue_dma source(%arg8 : memref<80x128xf32, #tpu.memory_space<vmem>>) target(%dma_start3A_53 : memref<80x128xf32, #tpu.memory_space<vmem_shared>>) target_semaphore(%run_scoped3A : memref<!tpu.dma_semaphore, #tpu.memory_space<semaphore_mem>>)
      %dma_wait3A = arith.constant 0 : i32
      %dma_wait3A_54 = tpu.memref_slice %arg9[%add3A_15, %dma_wait3A] : memref<10008x128xf32, #tpu.memory_space<vmem_shared>> -> memref<80x128xf32, #tpu.memory_space<vmem_shared>>
      %dma_wait3A_55 = arith.constant 0 : i32
      %dma_wait3A_56 = tpu.memref_slice %arg9[%add3A_15, %dma_wait3A_55] : memref<10008x128xf32, #tpu.memory_space<vmem_shared>> -> memref<80x128xf32, #tpu.memory_space<vmem_shared>>
      tpu.wait_dma2 semaphore(%run_scoped3A : memref<!tpu.dma_semaphore, #tpu.memory_space<semaphore_mem>>) src(%arg8 : memref<80x128xf32, #tpu.memory_space<vmem>>) dst(%dma_wait3A_56 : memref<80x128xf32, #tpu.memory_space<vmem_shared>>)
      tpu.yield
    }) : () -> ()
    %add3A_16 = arith.constant 400 : i32
    %add3A_17 = arith.addi %mul3A_6, %add3A_16 : i32
    "tpu.region"() ({
      %run_scoped3A = tpu.sem_alloc : memref<!tpu.dma_semaphore, #tpu.memory_space<semaphore_mem>>
      %dma_start3A = arith.constant 0 : i32
      %dma_start3A_51 = tpu.memref_slice %arg9[%add3A_17, %dma_start3A] : memref<10008x128xf32, #tpu.memory_space<vmem_shared>> -> memref<80x128xf32, #tpu.memory_space<vmem_shared>>
      %dma_start3A_52 = arith.constant 0 : i32
      %dma_start3A_53 = tpu.memref_slice %arg9[%add3A_17, %dma_start3A_52] : memref<10008x128xf32, #tpu.memory_space<vmem_shared>> -> memref<80x128xf32, #tpu.memory_space<vmem_shared>>
      tpu.enqueue_dma source(%arg8 : memref<80x128xf32, #tpu.memory_space<vmem>>) target(%dma_start3A_53 : memref<80x128xf32, #tpu.memory_space<vmem_shared>>) target_semaphore(%run_scoped3A : memref<!tpu.dma_semaphore, #tpu.memory_space<semaphore_mem>>)
      %dma_wait3A = arith.constant 0 : i32
      %dma_wait3A_54 = tpu.memref_slice %arg9[%add3A_17, %dma_wait3A] : memref<10008x128xf32, #tpu.memory_space<vmem_shared>> -> memref<80x128xf32, #tpu.memory_space<vmem_shared>>
      %dma_wait3A_55 = arith.constant 0 : i32
      %dma_wait3A_56 = tpu.memref_slice %arg9[%add3A_17, %dma_wait3A_55] : memref<10008x128xf32, #tpu.memory_space<vmem_shared>> -> memref<80x128xf32, #tpu.memory_space<vmem_shared>>
      tpu.wait_dma2 semaphore(%run_scoped3A : memref<!tpu.dma_semaphore, #tpu.memory_space<semaphore_mem>>) src(%arg8 : memref<80x128xf32, #tpu.memory_space<vmem>>) dst(%dma_wait3A_56 : memref<80x128xf32, #tpu.memory_space<vmem_shared>>)
      tpu.yield
    }) : () -> ()
    %add3A_18 = arith.constant 480 : i32
    %add3A_19 = arith.addi %mul3A_6, %add3A_18 : i32
    "tpu.region"() ({
      %run_scoped3A = tpu.sem_alloc : memref<!tpu.dma_semaphore, #tpu.memory_space<semaphore_mem>>
      %dma_start3A = arith.constant 0 : i32
      %dma_start3A_51 = tpu.memref_slice %arg9[%add3A_19, %dma_start3A] : memref<10008x128xf32, #tpu.memory_space<vmem_shared>> -> memref<80x128xf32, #tpu.memory_space<vmem_shared>>
      %dma_start3A_52 = arith.constant 0 : i32
      %dma_start3A_53 = tpu.memref_slice %arg9[%add3A_19, %dma_start3A_52] : memref<10008x128xf32, #tpu.memory_space<vmem_shared>> -> memref<80x128xf32, #tpu.memory_space<vmem_shared>>
      tpu.enqueue_dma source(%arg8 : memref<80x128xf32, #tpu.memory_space<vmem>>) target(%dma_start3A_53 : memref<80x128xf32, #tpu.memory_space<vmem_shared>>) target_semaphore(%run_scoped3A : memref<!tpu.dma_semaphore, #tpu.memory_space<semaphore_mem>>)
      %dma_wait3A = arith.constant 0 : i32
      %dma_wait3A_54 = tpu.memref_slice %arg9[%add3A_19, %dma_wait3A] : memref<10008x128xf32, #tpu.memory_space<vmem_shared>> -> memref<80x128xf32, #tpu.memory_space<vmem_shared>>
      %dma_wait3A_55 = arith.constant 0 : i32
      %dma_wait3A_56 = tpu.memref_slice %arg9[%add3A_19, %dma_wait3A_55] : memref<10008x128xf32, #tpu.memory_space<vmem_shared>> -> memref<80x128xf32, #tpu.memory_space<vmem_shared>>
      tpu.wait_dma2 semaphore(%run_scoped3A : memref<!tpu.dma_semaphore, #tpu.memory_space<semaphore_mem>>) src(%arg8 : memref<80x128xf32, #tpu.memory_space<vmem>>) dst(%dma_wait3A_56 : memref<80x128xf32, #tpu.memory_space<vmem_shared>>)
      tpu.yield
    }) : () -> ()
    %add3A_20 = arith.constant 560 : i32
    %add3A_21 = arith.addi %mul3A_6, %add3A_20 : i32
    "tpu.region"() ({
      %run_scoped3A = tpu.sem_alloc : memref<!tpu.dma_semaphore, #tpu.memory_space<semaphore_mem>>
      %dma_start3A = arith.constant 0 : i32
      %dma_start3A_51 = arith.constant 0 : i32
      %dma_start3A_52 = tpu.memref_slice %arg8[%dma_start3A, %dma_start3A_51] : memref<80x128xf32, #tpu.memory_space<vmem>> -> memref<64x128xf32, #tpu.memory_space<vmem>>
      %dma_start3A_53 = arith.constant 0 : i32
      %dma_start3A_54 = tpu.memref_slice %arg9[%add3A_21, %dma_start3A_53] : memref<10008x128xf32, #tpu.memory_space<vmem_shared>> -> memref<64x128xf32, #tpu.memory_space<vmem_shared>>
      %dma_start3A_55 = arith.constant 0 : i32
      %dma_start3A_56 = tpu.memref_slice %arg9[%add3A_21, %dma_start3A_55] : memref<10008x128xf32, #tpu.memory_space<vmem_shared>> -> memref<64x128xf32, #tpu.memory_space<vmem_shared>>
      %dma_start3A_57 = arith.constant 0 : i32
      %dma_start3A_58 = arith.constant 0 : i32
      %dma_start3A_59 = tpu.memref_slice %arg8[%dma_start3A_57, %dma_start3A_58] : memref<80x128xf32, #tpu.memory_space<vmem>> -> memref<64x128xf32, #tpu.memory_space<vmem>>
      tpu.enqueue_dma source(%dma_start3A_59 : memref<64x128xf32, #tpu.memory_space<vmem>>) target(%dma_start3A_56 : memref<64x128xf32, #tpu.memory_space<vmem_shared>>) target_semaphore(%run_scoped3A : memref<!tpu.dma_semaphore, #tpu.memory_space<semaphore_mem>>)
      %dma_wait3A = arith.constant 0 : i32
      %dma_wait3A_60 = arith.constant 0 : i32
      %dma_wait3A_61 = tpu.memref_slice %arg8[%dma_wait3A, %dma_wait3A_60] : memref<80x128xf32, #tpu.memory_space<vmem>> -> memref<64x128xf32, #tpu.memory_space<vmem>>
      %dma_wait3A_62 = arith.constant 0 : i32
      %dma_wait3A_63 = tpu.memref_slice %arg9[%add3A_21, %dma_wait3A_62] : memref<10008x128xf32, #tpu.memory_space<vmem_shared>> -> memref<64x128xf32, #tpu.memory_space<vmem_shared>>
      %dma_wait3A_64 = arith.constant 0 : i32
      %dma_wait3A_65 = tpu.memref_slice %arg9[%add3A_21, %dma_wait3A_64] : memref<10008x128xf32, #tpu.memory_space<vmem_shared>> -> memref<64x128xf32, #tpu.memory_space<vmem_shared>>
      %dma_wait3A_66 = arith.constant 0 : i32
      %dma_wait3A_67 = arith.constant 0 : i32
      %dma_wait3A_68 = tpu.memref_slice %arg8[%dma_wait3A_66, %dma_wait3A_67] : memref<80x128xf32, #tpu.memory_space<vmem>> -> memref<64x128xf32, #tpu.memory_space<vmem>>
      tpu.wait_dma2 semaphore(%run_scoped3A : memref<!tpu.dma_semaphore, #tpu.memory_space<semaphore_mem>>) src(%dma_wait3A_68 : memref<64x128xf32, #tpu.memory_space<vmem>>) dst(%dma_wait3A_65 : memref<64x128xf32, #tpu.memory_space<vmem_shared>>)
      tpu.yield
    }) : () -> ()
    %eq3A = arith.constant 0 : i32
    %eq3A_22 = arith.cmpi eq, %arg1, %eq3A : i32
    %convert_element_type3A = arith.extui %eq3A_22 : i1 to i32
    %cond3A = arith.constant 0 : i32
    %cond3A_23 = arith.cmpi ne, %convert_element_type3A, %cond3A : i32
    scf.if %cond3A_23 {
      "tpu.region"() ({
        %run_scoped3A = tpu.sem_alloc : memref<!tpu.dma_semaphore, #tpu.memory_space<semaphore_mem>>
        %dma_start3A = arith.constant 0 : i32
        %dma_start3A_51 = arith.constant 0 : i32
        %dma_start3A_52 = tpu.memref_slice %arg8[%dma_start3A, %dma_start3A_51] : memref<80x128xf32, #tpu.memory_space<vmem>> -> memref<24x128xf32, #tpu.memory_space<vmem>>
        %dma_start3A_53 = arith.constant 9984 : i32
        %dma_start3A_54 = arith.constant 0 : i32
        %dma_start3A_55 = tpu.memref_slice %arg9[%dma_start3A_53, %dma_start3A_54] : memref<10008x128xf32, #tpu.memory_space<vmem_shared>> -> memref<24x128xf32, #tpu.memory_space<vmem_shared>>
        %dma_start3A_56 = arith.constant 9984 : i32
        %dma_start3A_57 = arith.constant 0 : i32
        %dma_start3A_58 = tpu.memref_slice %arg9[%dma_start3A_56, %dma_start3A_57] : memref<10008x128xf32, #tpu.memory_space<vmem_shared>> -> memref<24x128xf32, #tpu.memory_space<vmem_shared>>
        %dma_start3A_59 = arith.constant 0 : i32
        %dma_start3A_60 = arith.constant 0 : i32
        %dma_start3A_61 = tpu.memref_slice %arg8[%dma_start3A_59, %dma_start3A_60] : memref<80x128xf32, #tpu.memory_space<vmem>> -> memref<24x128xf32, #tpu.memory_space<vmem>>
        tpu.enqueue_dma source(%dma_start3A_61 : memref<24x128xf32, #tpu.memory_space<vmem>>) target(%dma_start3A_58 : memref<24x128xf32, #tpu.memory_space<vmem_shared>>) target_semaphore(%run_scoped3A : memref<!tpu.dma_semaphore, #tpu.memory_space<semaphore_mem>>)
        %dma_wait3A = arith.constant 0 : i32
        %dma_wait3A_62 = arith.constant 0 : i32
        %dma_wait3A_63 = tpu.memref_slice %arg8[%dma_wait3A, %dma_wait3A_62] : memref<80x128xf32, #tpu.memory_space<vmem>> -> memref<24x128xf32, #tpu.memory_space<vmem>>
        %dma_wait3A_64 = arith.constant 9984 : i32
        %dma_wait3A_65 = arith.constant 0 : i32
        %dma_wait3A_66 = tpu.memref_slice %arg9[%dma_wait3A_64, %dma_wait3A_65] : memref<10008x128xf32, #tpu.memory_space<vmem_shared>> -> memref<24x128xf32, #tpu.memory_space<vmem_shared>>
        %dma_wait3A_67 = arith.constant 9984 : i32
        %dma_wait3A_68 = arith.constant 0 : i32
        %dma_wait3A_69 = tpu.memref_slice %arg9[%dma_wait3A_67, %dma_wait3A_68] : memref<10008x128xf32, #tpu.memory_space<vmem_shared>> -> memref<24x128xf32, #tpu.memory_space<vmem_shared>>
        %dma_wait3A_70 = arith.constant 0 : i32
        %dma_wait3A_71 = arith.constant 0 : i32
        %dma_wait3A_72 = tpu.memref_slice %arg8[%dma_wait3A_70, %dma_wait3A_71] : memref<80x128xf32, #tpu.memory_space<vmem>> -> memref<24x128xf32, #tpu.memory_space<vmem>>
        tpu.wait_dma2 semaphore(%run_scoped3A : memref<!tpu.dma_semaphore, #tpu.memory_space<semaphore_mem>>) src(%dma_wait3A_72 : memref<24x128xf32, #tpu.memory_space<vmem>>) dst(%dma_wait3A_69 : memref<24x128xf32, #tpu.memory_space<vmem_shared>>)
        tpu.yield
      }) : () -> ()
    } else {
    }
    %barrier3A = arith.constant 0 : index
    tpu.barrier barrier_id(%barrier3A)
    %mul3A_24 = arith.constant 320000 : i32
    %mul3A_25 = arith.muli %arg0, %mul3A_24 : i32
    %mul3A_26 = arith.constant 20000 : i32
    %mul3A_27 = arith.muli %arg1, %mul3A_26 : i32
    %add3A_28 = arith.addi %mul3A_25, %mul3A_27 : i32
    %mul3A_29 = arith.constant 0 : i32
    %mul3A_30 = arith.muli %arg0, %mul3A_29 : i32
    %mul3A_31 = arith.constant 20000 : i32
    %mul3A_32 = arith.muli %arg1, %mul3A_31 : i32
    %add3A_33 = arith.addi %mul3A_30, %mul3A_32 : i32
    %scan3A_34 = arith.constant 0 : i32
    %scan3A_35 = arith.constant 0 : i32
    %scan3A_36 = arith.constant 250 : i32
    %scan3A_37 = arith.addi %scan3A_35, %scan3A_36 : i32
    %scan3A_38 = arith.constant 1 : i32
    scf.for %scan3A_51 = %scan3A_35 to %scan3A_37 step %scan3A_38  : i32 {
      %mul3A_52 = arith.constant 80 : i32
      %mul3A_53 = arith.muli %scan3A_51, %mul3A_52 : i32
      %add3A_54 = arith.addi %add3A_28, %mul3A_53 : i32
      "tpu.region"() ({
        %run_scoped3A = tpu.sem_alloc : memref<!tpu.dma_semaphore, #tpu.memory_space<semaphore_mem>>
        %dma_start3A_60 = tpu.memref_slice %arg3[%add3A_54] : memref<640000xi32, #tpu.memory_space<hbm>> -> memref<80xi32, #tpu.memory_space<hbm>>
        %dma_start3A_61 = tpu.memref_slice %arg3[%add3A_54] : memref<640000xi32, #tpu.memory_space<hbm>> -> memref<80xi32, #tpu.memory_space<hbm>>
        tpu.enqueue_dma source(%dma_start3A_61 : memref<80xi32, #tpu.memory_space<hbm>>) target(%arg6 : memref<80xi32, #tpu.memory_space<vmem>>) target_semaphore(%run_scoped3A : memref<!tpu.dma_semaphore, #tpu.memory_space<semaphore_mem>>)
        %dma_wait3A_62 = tpu.memref_slice %arg3[%add3A_54] : memref<640000xi32, #tpu.memory_space<hbm>> -> memref<80xi32, #tpu.memory_space<hbm>>
        %dma_wait3A_63 = tpu.memref_slice %arg3[%add3A_54] : memref<640000xi32, #tpu.memory_space<hbm>> -> memref<80xi32, #tpu.memory_space<hbm>>
        tpu.wait_dma2 semaphore(%run_scoped3A : memref<!tpu.dma_semaphore, #tpu.memory_space<semaphore_mem>>) src(%dma_wait3A_63 : memref<80xi32, #tpu.memory_space<hbm>>) dst(%arg6 : memref<80xi32, #tpu.memory_space<vmem>>)
        tpu.yield
      }) : () -> ()
      %add3A_55 = arith.addi %add3A_33, %mul3A_53 : i32
      "tpu.region"() ({
        %run_scoped3A = tpu.sem_alloc : memref<!tpu.dma_semaphore, #tpu.memory_space<semaphore_mem>>
        %dma_start3A_60 = tpu.memref_slice %arg4[%add3A_55] : memref<320000xi32, #tpu.memory_space<hbm>> -> memref<80xi32, #tpu.memory_space<hbm>>
        %dma_start3A_61 = tpu.memref_slice %arg4[%add3A_55] : memref<320000xi32, #tpu.memory_space<hbm>> -> memref<80xi32, #tpu.memory_space<hbm>>
        tpu.enqueue_dma source(%dma_start3A_61 : memref<80xi32, #tpu.memory_space<hbm>>) target(%arg7 : memref<80xi32, #tpu.memory_space<vmem>>) target_semaphore(%run_scoped3A : memref<!tpu.dma_semaphore, #tpu.memory_space<semaphore_mem>>)
        %dma_wait3A_62 = tpu.memref_slice %arg4[%add3A_55] : memref<320000xi32, #tpu.memory_space<hbm>> -> memref<80xi32, #tpu.memory_space<hbm>>
        %dma_wait3A_63 = tpu.memref_slice %arg4[%add3A_55] : memref<320000xi32, #tpu.memory_space<hbm>> -> memref<80xi32, #tpu.memory_space<hbm>>
        tpu.wait_dma2 semaphore(%run_scoped3A : memref<!tpu.dma_semaphore, #tpu.memory_space<semaphore_mem>>) src(%dma_wait3A_63 : memref<80xi32, #tpu.memory_space<hbm>>) dst(%arg7 : memref<80xi32, #tpu.memory_space<vmem>>)
        tpu.yield
      }) : () -> ()
      %dma_start3A = arith.constant 0 : i32
      %dma_start3A_56 = arith.constant 0 : i32
      %dma_start3A_57 = tpu.memref_slice %arg2[%dma_start3A, %dma_start3A_56] : memref<20000x128xf32, #tpu.memory_space<hbm>> -> memref<20000x128xf32, #tpu.memory_space<hbm>>
      tpu.enqueue_indirect_dma source(%dma_start3A_57 : memref<20000x128xf32, #tpu.memory_space<hbm>>) target(%arg8 : memref<80x128xf32, #tpu.memory_space<vmem>>) offsets(%arg6 : memref<80xi32, #tpu.memory_space<vmem>>) semaphore(%arg10 : memref<!tpu.dma_semaphore, #tpu.memory_space<semaphore_mem>>)
      %dma_wait3A = arith.constant 0 : i32
      %dma_wait3A_58 = arith.constant 0 : i32
      %dma_wait3A_59 = tpu.memref_slice %arg2[%dma_wait3A, %dma_wait3A_58] : memref<20000x128xf32, #tpu.memory_space<hbm>> -> memref<20000x128xf32, #tpu.memory_space<hbm>>
      tpu.wait_indirect_dma semaphore(%arg10 : memref<!tpu.dma_semaphore, #tpu.memory_space<semaphore_mem>>) src(%dma_wait3A_59 : memref<20000x128xf32, #tpu.memory_space<hbm>>) dst(%arg8 : memref<80x128xf32, #tpu.memory_space<vmem>>)
      "tpu.region"() ({
        %run_scoped3A = tpu.sem_alloc : memref<!tpu.dma_semaphore, #tpu.memory_space<semaphore_mem>>
        %dma_start3A_60 = arith.constant 0 : i32
        %dma_start3A_61 = arith.constant 0 : i32
        %dma_start3A_62 = tpu.memref_slice %arg9[%dma_start3A_60, %dma_start3A_61] : memref<10008x128xf32, #tpu.memory_space<vmem_shared>> -> memref<10008x128xf32, #tpu.memory_space<vmem_shared>>
        tpu.enqueue_indirect_dma source(%arg8 : memref<80x128xf32, #tpu.memory_space<vmem>>) target(%dma_start3A_62 : memref<10008x128xf32, #tpu.memory_space<vmem_shared>>) offsets(%arg7 : memref<80xi32, #tpu.memory_space<vmem>>) semaphore(%run_scoped3A : memref<!tpu.dma_semaphore, #tpu.memory_space<semaphore_mem>>) {add = true}
        %dma_wait3A_63 = arith.constant 0 : i32
        %dma_wait3A_64 = arith.constant 0 : i32
        %dma_wait3A_65 = tpu.memref_slice %arg9[%dma_wait3A_63, %dma_wait3A_64] : memref<10008x128xf32, #tpu.memory_space<vmem_shared>> -> memref<10008x128xf32, #tpu.memory_space<vmem_shared>>
        tpu.wait_indirect_dma semaphore(%run_scoped3A : memref<!tpu.dma_semaphore, #tpu.memory_space<semaphore_mem>>) src(%arg8 : memref<80x128xf32, #tpu.memory_space<vmem>>) dst(%dma_wait3A_65 : memref<10008x128xf32, #tpu.memory_space<vmem_shared>>)
        tpu.yield
      }) : () -> ()
    }
    %scan3A_39 = arith.constant 250 : i32
    %barrier3A_40 = arith.constant 0 : index
    tpu.barrier barrier_id(%barrier3A_40)
    %mul3A_41 = arith.constant 10000 : i32
    %mul3A_42 = arith.muli %arg0, %mul3A_41 : i32
    %mul3A_43 = arith.constant 624 : i32
    %mul3A_44 = arith.muli %arg1, %mul3A_43 : i32
    %add3A_45 = arith.addi %mul3A_42, %mul3A_44 : i32
    "tpu.region"() ({
      %run_scoped3A = tpu.sem_alloc : memref<!tpu.dma_semaphore, #tpu.memory_space<semaphore_mem>>
      %dma_start3A = arith.constant 0 : i32
      %dma_start3A_51 = tpu.memref_slice %arg5[%add3A_45, %dma_start3A] : memref<20000x128xf32, #tpu.memory_space<hbm>> -> memref<624x128xf32, #tpu.memory_space<hbm>>
      %dma_start3A_52 = arith.constant 0 : i32
      %dma_start3A_53 = tpu.memref_slice %arg9[%mul3A_44, %dma_start3A_52] : memref<10008x128xf32, #tpu.memory_space<vmem_shared>> -> memref<624x128xf32, #tpu.memory_space<vmem_shared>>
      tpu.enqueue_dma source(%dma_start3A_53 : memref<624x128xf32, #tpu.memory_space<vmem_shared>>) target(%dma_start3A_51 : memref<624x128xf32, #tpu.memory_space<hbm>>) target_semaphore(%run_scoped3A : memref<!tpu.dma_semaphore, #tpu.memory_space<semaphore_mem>>)
      %dma_wait3A = arith.constant 0 : i32
      %dma_wait3A_54 = tpu.memref_slice %arg5[%add3A_45, %dma_wait3A] : memref<20000x128xf32, #tpu.memory_space<hbm>> -> memref<624x128xf32, #tpu.memory_space<hbm>>
      %dma_wait3A_55 = arith.constant 0 : i32
      %dma_wait3A_56 = tpu.memref_slice %arg9[%mul3A_44, %dma_wait3A_55] : memref<10008x128xf32, #tpu.memory_space<vmem_shared>> -> memref<624x128xf32, #tpu.memory_space<vmem_shared>>
      tpu.wait_dma2 semaphore(%run_scoped3A : memref<!tpu.dma_semaphore, #tpu.memory_space<semaphore_mem>>) src(%dma_wait3A_56 : memref<624x128xf32, #tpu.memory_space<vmem_shared>>) dst(%dma_wait3A_54 : memref<624x128xf32, #tpu.memory_space<hbm>>)
      tpu.yield
    }) : () -> ()
    %eq3A_46 = arith.constant 0 : i32
    %eq3A_47 = arith.cmpi eq, %arg1, %eq3A_46 : i32
    %convert_element_type3A_48 = arith.extui %eq3A_47 : i1 to i32
    %cond3A_49 = arith.constant 0 : i32
    %cond3A_50 = arith.cmpi ne, %convert_element_type3A_48, %cond3A_49 : i32
    scf.if %cond3A_50 {
      %add3A_51 = arith.constant 9984 : i32
      %add3A_52 = arith.addi %mul3A_42, %add3A_51 : i32
      "tpu.region"() ({
        %run_scoped3A = tpu.sem_alloc : memref<!tpu.dma_semaphore, #tpu.memory_space<semaphore_mem>>
        %dma_start3A = arith.constant 0 : i32
        %dma_start3A_53 = tpu.memref_slice %arg5[%add3A_52, %dma_start3A] : memref<20000x128xf32, #tpu.memory_space<hbm>> -> memref<16x128xf32, #tpu.memory_space<hbm>>
        %dma_start3A_54 = arith.constant 9984 : i32
        %dma_start3A_55 = arith.constant 0 : i32
        %dma_start3A_56 = tpu.memref_slice %arg9[%dma_start3A_54, %dma_start3A_55] : memref<10008x128xf32, #tpu.memory_space<vmem_shared>> -> memref<16x128xf32, #tpu.memory_space<vmem_shared>>
        tpu.enqueue_dma source(%dma_start3A_56 : memref<16x128xf32, #tpu.memory_space<vmem_shared>>) target(%dma_start3A_53 : memref<16x128xf32, #tpu.memory_space<hbm>>) target_semaphore(%run_scoped3A : memref<!tpu.dma_semaphore, #tpu.memory_space<semaphore_mem>>)
        %dma_wait3A = arith.constant 0 : i32
        %dma_wait3A_57 = tpu.memref_slice %arg5[%add3A_52, %dma_wait3A] : memref<20000x128xf32, #tpu.memory_space<hbm>> -> memref<16x128xf32, #tpu.memory_space<hbm>>
        %dma_wait3A_58 = arith.constant 9984 : i32
        %dma_wait3A_59 = arith.constant 0 : i32
        %dma_wait3A_60 = tpu.memref_slice %arg9[%dma_wait3A_58, %dma_wait3A_59] : memref<10008x128xf32, #tpu.memory_space<vmem_shared>> -> memref<16x128xf32, #tpu.memory_space<vmem_shared>>
        tpu.wait_dma2 semaphore(%run_scoped3A : memref<!tpu.dma_semaphore, #tpu.memory_space<semaphore_mem>>) src(%dma_wait3A_60 : memref<16x128xf32, #tpu.memory_space<vmem_shared>>) dst(%dma_wait3A_57 : memref<16x128xf32, #tpu.memory_space<hbm>>)
        tpu.yield
      }) : () -> ()
    } else {
    }
    return
  }
}

module attributes {stable_mosaic.version = 14 : i64} {
  func.func @_prep_body(%arg0: i32, %arg1: memref<1000x128xf32, #tpu.memory_space<vmem>>, %arg2: memref<128x256xf32, #tpu.memory_space<vmem>>, %arg3: memref<1000x128xf32, #tpu.memory_space<vmem>>, %arg4: memref<1000x128xf32, #tpu.memory_space<vmem>>, %arg5: memref<2x1000x128xf32, #tpu.memory_space<vmem>>, %arg6: memref<1000x128xf32, #tpu.memory_space<vmem>>) attributes {dimension_semantics = [#tpu.dimension_semantics<arbitrary>], iteration_bounds = array<i64: 10>, scalar_prefetch = 0 : i64, scratch_operands = 0 : i64, tpu.core_type = #tpu.core_type<tc>, window_params = [{transform_indices = @transform_0, window_bounds = array<i64: 1000, 128>}, {pipeline_mode = #tpu.pipeline_mode<synchronous>, transform_indices = @transform_1, window_bounds = array<i64: 128, 256>}, {transform_indices = @transform_2, window_bounds = array<i64: 1000, 128>}, {transform_indices = @transform_3, window_bounds = array<i64: 1000, 128>}, {transform_indices = @transform_4, window_bounds = array<i64: 2, 1000, 128>}, {transform_indices = @transform_5, window_bounds = array<i64: 1000, 128>}]} {
    %get3A = arith.constant 0 : index
    %get3A_0 = arith.constant 0 : index
    %get3A_1 = vector.load %arg3[%get3A, %get3A_0] : memref<1000x128xf32, #tpu.memory_space<vmem>>, vector<1000x1xf32>
    %get3A_2 = arith.constant 0 : index
    %get3A_3 = arith.constant 0 : index
    %get3A_4 = vector.load %arg4[%get3A_2, %get3A_3] : memref<1000x128xf32, #tpu.memory_space<vmem>>, vector<1000x1xf32>
    %add3A = arith.addf %get3A_1, %get3A_4 : vector<1000x1xf32>
    %add3A_5 = arith.constant 1.000000e+00 : f32
    %add3A_6 = vector.broadcast %add3A_5 : f32 to vector<1000x1xf32>
    %add3A_7 = arith.addf %add3A, %add3A_6 : vector<1000x1xf32>
    %rsqrt3A = math.rsqrt %add3A_7 : vector<1000x1xf32>
    %get3A_8 = arith.constant 0 : index
    %get3A_9 = arith.constant 0 : index
    %get3A_10 = vector.load %arg1[%get3A_8, %get3A_9] : memref<1000x128xf32, #tpu.memory_space<vmem>>, vector<1000x128xf32>
    %get3A_11 = arith.constant 0 : index
    %get3A_12 = arith.constant 0 : index
    %get3A_13 = vector.load %arg2[%get3A_11, %get3A_12] : memref<128x256xf32, #tpu.memory_space<vmem>>, vector<128x256xf32>
    %dot_general3A = arith.constant dense<0.000000e+00> : vector<1000x256xf32>
    %dot_general3A_14 = tpu.matmul %get3A_10, %get3A_13, %dot_general3A {dimension_numbers = #tpu.dot_dimension_numbers<[1], [0], [0], [1], [0, 0, 1, 1], [], []>, transpose_lhs_hint = false} : vector<1000x128xf32>, vector<128x256xf32>, vector<1000x256xf32> -> vector<1000x256xf32>
    %mul3A = vector.broadcast %rsqrt3A : vector<1000x1xf32> to vector<1000x256xf32>
    %mul3A_15 = arith.mulf %dot_general3A_14, %mul3A : vector<1000x256xf32>
    %slice3A = vector.extract_strided_slice %mul3A_15 {offsets = [0, 0], sizes = [1000, 128], strides = [1, 1]} : vector<1000x256xf32> to vector<1000x128xf32>
    %swap3A = arith.constant 0 : index
    %swap3A_16 = arith.constant 0 : index
    %swap3A_17 = arith.constant 0 : index
    %swap3A_18 = vector.load %arg5[%swap3A, %swap3A_16, %swap3A_17] : memref<2x1000x128xf32, #tpu.memory_space<vmem>>, vector<1x1000x128xf32>
    %swap3A_19 = vector.shape_cast %swap3A_18 : vector<1x1000x128xf32> to vector<1000x128xf32>
    %swap3A_20 = vector.shape_cast %slice3A : vector<1000x128xf32> to vector<1x1000x128xf32>
    tpu.vector_store %arg5[%swap3A, %swap3A_16, %swap3A_17], %swap3A_20 {strides = array<i32>} : memref<2x1000x128xf32, #tpu.memory_space<vmem>>, vector<1x1000x128xf32>,
    %slice3A_21 = vector.extract_strided_slice %mul3A_15 {offsets = [0, 128], sizes = [1000, 128], strides = [1, 1]} : vector<1000x256xf32> to vector<1000x128xf32>
    %swap3A_22 = arith.constant 1 : index
    %swap3A_23 = arith.constant 0 : index
    %swap3A_24 = arith.constant 0 : index
    %swap3A_25 = vector.load %arg5[%swap3A_22, %swap3A_23, %swap3A_24] : memref<2x1000x128xf32, #tpu.memory_space<vmem>>, vector<1x1000x128xf32>
    %swap3A_26 = vector.shape_cast %swap3A_25 : vector<1x1000x128xf32> to vector<1000x128xf32>
    %swap3A_27 = vector.shape_cast %slice3A_21 : vector<1000x128xf32> to vector<1x1000x128xf32>
    tpu.vector_store %arg5[%swap3A_22, %swap3A_23, %swap3A_24], %swap3A_27 {strides = array<i32>} : memref<2x1000x128xf32, #tpu.memory_space<vmem>>, vector<1x1000x128xf32>,
    %broadcast_in_dim3A = vector.shape_cast %rsqrt3A : vector<1000x1xf32> to vector<1000x1xf32>
    %broadcast_in_dim3A_28 = vector.broadcast %broadcast_in_dim3A : vector<1000x1xf32> to vector<1000x128xf32>
    %swap3A_29 = arith.constant 0 : index
    %swap3A_30 = arith.constant 0 : index
    %swap3A_31 = vector.load %arg6[%swap3A_29, %swap3A_30] : memref<1000x128xf32, #tpu.memory_space<vmem>>, vector<1000x128xf32>
    tpu.vector_store %arg6[%swap3A_29, %swap3A_30], %broadcast_in_dim3A_28 {strides = array<i32>} : memref<1000x128xf32, #tpu.memory_space<vmem>>, vector<1000x128xf32>,
    return
  }
  func.func @transform_0(%arg0: i32) -> (i32, i32) {
    %c0_i32 = arith.constant 0 : i32
    %c0_i32_0 = arith.constant 0 : i32
    return %arg0, %c0_i32 : i32, i32
  }
  func.func @transform_1(%arg0: i32) -> (i32, i32) {
    %c0_i32 = arith.constant 0 : i32
    %c0_i32_0 = arith.constant 0 : i32
    %c0_i32_1 = arith.constant 0 : i32
    return %c0_i32, %c0_i32_0 : i32, i32
  }
  func.func @transform_2(%arg0: i32) -> (i32, i32) {
    %c0_i32 = arith.constant 0 : i32
    %c0_i32_0 = arith.constant 0 : i32
    return %arg0, %c0_i32 : i32, i32
  }
  func.func @transform_3(%arg0: i32) -> (i32, i32) {
    %add3A = arith.constant 10 : i32
    %add3A_0 = arith.addi %arg0, %add3A : i32
    %c0_i32 = arith.constant 0 : i32
    %c0_i32_1 = arith.constant 0 : i32
    return %add3A_0, %c0_i32 : i32, i32
  }
  func.func @transform_4(%arg0: i32) -> (i32, i32, i32) {
    %c0_i32 = arith.constant 0 : i32
    %c0_i32_0 = arith.constant 0 : i32
    %c0_i32_1 = arith.constant 0 : i32
    return %c0_i32, %arg0, %c0_i32_0 : i32, i32, i32
  }
  func.func @transform_5(%arg0: i32) -> (i32, i32) {
    %c0_i32 = arith.constant 0 : i32
    %c0_i32_0 = arith.constant 0 : i32
    return %arg0, %c0_i32 : i32, i32
  }
}

module attributes {stable_mosaic.version = 14 : i64} {
  func.func @_stats_body(%arg0: i32, %arg1: memref<2x1000x128xf32, #tpu.memory_space<vmem>>, %arg2: memref<2x1000x128xf32, #tpu.memory_space<vmem>>, %arg3: memref<1000x128xf32, #tpu.memory_space<vmem>>, %arg4: memref<8x256xf32, #tpu.memory_space<vmem>>, %arg5: memref<2x1000x128xf32, #tpu.memory_space<vmem>>, %arg6: memref<2x8x128xf32, #tpu.memory_space<vmem>>) attributes {dimension_semantics = [#tpu.dimension_semantics<arbitrary>], iteration_bounds = array<i64: 10>, scalar_prefetch = 0 : i64, scratch_operands = 0 : i64, tpu.core_type = #tpu.core_type<tc>, window_params = [{transform_indices = @transform_0, window_bounds = array<i64: 2, 1000, 128>}, {transform_indices = @transform_1, window_bounds = array<i64: 2, 1000, 128>}, {transform_indices = @transform_2, window_bounds = array<i64: 1000, 128>}, {pipeline_mode = #tpu.pipeline_mode<synchronous>, transform_indices = @transform_3, window_bounds = array<i64: 8, 256>}, {transform_indices = @transform_4, window_bounds = array<i64: 2, 1000, 128>}, {pipeline_mode = #tpu.pipeline_mode<synchronous>, transform_indices = @transform_5, window_bounds = array<i64: 2, 8, 128>}]} {
    %get3A = arith.constant 0 : index
    %get3A_0 = arith.constant 0 : index
    %get3A_1 = vector.load %arg3[%get3A, %get3A_0] : memref<1000x128xf32, #tpu.memory_space<vmem>>, vector<1000x128xf32>
    %get3A_2 = arith.constant 0 : index
    %get3A_3 = arith.constant 0 : index
    %get3A_4 = arith.constant 0 : index
    %get3A_5 = vector.load %arg1[%get3A_2, %get3A_3, %get3A_4] : memref<2x1000x128xf32, #tpu.memory_space<vmem>>, vector<1x1000x128xf32>
    %get3A_6 = vector.shape_cast %get3A_5 : vector<1x1000x128xf32> to vector<1000x128xf32>
    %get3A_7 = arith.constant 0 : index
    %get3A_8 = arith.constant 0 : index
    %get3A_9 = arith.constant 0 : index
    %get3A_10 = vector.load %arg2[%get3A_7, %get3A_8, %get3A_9] : memref<2x1000x128xf32, #tpu.memory_space<vmem>>, vector<1x1000x128xf32>
    %get3A_11 = vector.shape_cast %get3A_10 : vector<1x1000x128xf32> to vector<1000x128xf32>
    %add3A = arith.addf %get3A_6, %get3A_11 : vector<1000x128xf32>
    %mul3A = arith.mulf %get3A_1, %add3A : vector<1000x128xf32>
    %get3A_12 = arith.constant 0 : index
    %get3A_13 = arith.constant 0 : index
    %get3A_14 = vector.load %arg4[%get3A_12, %get3A_13] : memref<8x256xf32, #tpu.memory_space<vmem>>, vector<1x128xf32>
    %add3A_15 = vector.broadcast %get3A_14 : vector<1x128xf32> to vector<1000x128xf32>
    %add3A_16 = arith.addf %mul3A, %add3A_15 : vector<1000x128xf32>
    %get3A_17 = arith.constant 1 : index
    %get3A_18 = arith.constant 0 : index
    %get3A_19 = arith.constant 0 : index
    %get3A_20 = vector.load %arg1[%get3A_17, %get3A_18, %get3A_19] : memref<2x1000x128xf32, #tpu.memory_space<vmem>>, vector<1x1000x128xf32>
    %get3A_21 = vector.shape_cast %get3A_20 : vector<1x1000x128xf32> to vector<1000x128xf32>
    %get3A_22 = arith.constant 1 : index
    %get3A_23 = arith.constant 0 : index
    %get3A_24 = arith.constant 0 : index
    %get3A_25 = vector.load %arg2[%get3A_22, %get3A_23, %get3A_24] : memref<2x1000x128xf32, #tpu.memory_space<vmem>>, vector<1x1000x128xf32>
    %get3A_26 = vector.shape_cast %get3A_25 : vector<1x1000x128xf32> to vector<1000x128xf32>
    %add3A_27 = arith.addf %get3A_21, %get3A_26 : vector<1000x128xf32>
    %mul3A_28 = arith.mulf %get3A_1, %add3A_27 : vector<1000x128xf32>
    %get3A_29 = arith.constant 0 : index
    %get3A_30 = arith.constant 128 : index
    %get3A_31 = vector.load %arg4[%get3A_29, %get3A_30] : memref<8x256xf32, #tpu.memory_space<vmem>>, vector<1x128xf32>
    %add3A_32 = vector.broadcast %get3A_31 : vector<1x128xf32> to vector<1000x128xf32>
    %add3A_33 = arith.addf %mul3A_28, %add3A_32 : vector<1000x128xf32>
    %swap3A = arith.constant 0 : index
    %swap3A_34 = arith.constant 0 : index
    %swap3A_35 = arith.constant 0 : index
    %swap3A_36 = vector.load %arg5[%swap3A, %swap3A_34, %swap3A_35] : memref<2x1000x128xf32, #tpu.memory_space<vmem>>, vector<1x1000x128xf32>
    %swap3A_37 = vector.shape_cast %swap3A_36 : vector<1x1000x128xf32> to vector<1000x128xf32>
    %swap3A_38 = vector.shape_cast %add3A_16 : vector<1000x128xf32> to vector<1x1000x128xf32>
    tpu.vector_store %arg5[%swap3A, %swap3A_34, %swap3A_35], %swap3A_38 {strides = array<i32>} : memref<2x1000x128xf32, #tpu.memory_space<vmem>>, vector<1x1000x128xf32>,
    %swap3A_39 = arith.constant 1 : index
    %swap3A_40 = arith.constant 0 : index
    %swap3A_41 = arith.constant 0 : index
    %swap3A_42 = vector.load %arg5[%swap3A_39, %swap3A_40, %swap3A_41] : memref<2x1000x128xf32, #tpu.memory_space<vmem>>, vector<1x1000x128xf32>
    %swap3A_43 = vector.shape_cast %swap3A_42 : vector<1x1000x128xf32> to vector<1000x128xf32>
    %swap3A_44 = vector.shape_cast %add3A_33 : vector<1000x128xf32> to vector<1x1000x128xf32>
    tpu.vector_store %arg5[%swap3A_39, %swap3A_40, %swap3A_41], %swap3A_44 {strides = array<i32>} : memref<2x1000x128xf32, #tpu.memory_space<vmem>>, vector<1x1000x128xf32>,
    %eq3A = arith.constant 0 : i32
    %eq3A_45 = arith.cmpi eq, %arg0, %eq3A : i32
    %convert_element_type3A = arith.extui %eq3A_45 : i1 to i32
    %cond3A = arith.constant 0 : i32
    %cond3A_46 = arith.cmpi ne, %convert_element_type3A, %cond3A : i32
    scf.if %cond3A_46 {
      %broadcast_in_dim3A_107 = arith.constant 0.000000e+00 : f32
      %broadcast_in_dim3A_108 = vector.broadcast %broadcast_in_dim3A_107 : f32 to vector<2x8x128xf32>
      %swap3A_109 = arith.constant 0 : index
      %swap3A_110 = arith.constant 0 : index
      %swap3A_111 = arith.constant 0 : index
      %swap3A_112 = vector.load %arg6[%swap3A_109, %swap3A_110, %swap3A_111] : memref<2x8x128xf32, #tpu.memory_space<vmem>>, vector<2x8x128xf32>
      tpu.vector_store %arg6[%swap3A_109, %swap3A_110, %swap3A_111], %broadcast_in_dim3A_108 {strides = array<i32>} : memref<2x8x128xf32, #tpu.memory_space<vmem>>, vector<2x8x128xf32>,
    } else {
    }
    %get3A_47 = arith.constant 0 : index
    %get3A_48 = arith.constant 0 : index
    %get3A_49 = arith.constant 0 : index
    %get3A_50 = vector.load %arg6[%get3A_47, %get3A_48, %get3A_49] : memref<2x8x128xf32, #tpu.memory_space<vmem>>, vector<1x1x128xf32>
    %get3A_51 = vector.shape_cast %get3A_50 : vector<1x1x128xf32> to vector<1x128xf32>
    %reduce_sum3A = arith.constant dense<0.000000e+00> : vector<128xf32>
    %reduce_sum3A_52 = vector.multi_reduction <add>, %add3A_16, %reduce_sum3A [0] : vector<1000x128xf32> to vector<128xf32>
    %broadcast_in_dim3A = vector.shape_cast %reduce_sum3A_52 : vector<128xf32> to vector<1x128xf32>
    %add3A_53 = arith.addf %get3A_51, %broadcast_in_dim3A : vector<1x128xf32>
    %swap3A_54 = arith.constant 0 : index
    %swap3A_55 = arith.constant 0 : index
    %swap3A_56 = arith.constant 0 : index
    %swap3A_57 = vector.load %arg6[%swap3A_54, %swap3A_55, %swap3A_56] : memref<2x8x128xf32, #tpu.memory_space<vmem>>, vector<1x1x128xf32>
    %swap3A_58 = vector.shape_cast %swap3A_57 : vector<1x1x128xf32> to vector<1x128xf32>
    %swap3A_59 = vector.shape_cast %add3A_53 : vector<1x128xf32> to vector<1x1x128xf32>
    tpu.vector_store %arg6[%swap3A_54, %swap3A_55, %swap3A_56], %swap3A_59 {strides = array<i32>} : memref<2x8x128xf32, #tpu.memory_space<vmem>>, vector<1x1x128xf32>,
    %get3A_60 = arith.constant 0 : index
    %get3A_61 = arith.constant 1 : index
    %get3A_62 = arith.constant 0 : index
    %get3A_63 = vector.load %arg6[%get3A_60, %get3A_61, %get3A_62] : memref<2x8x128xf32, #tpu.memory_space<vmem>>, vector<1x1x128xf32>
    %get3A_64 = vector.shape_cast %get3A_63 : vector<1x1x128xf32> to vector<1x128xf32>
    %mul3A_65 = arith.mulf %add3A_16, %add3A_16 : vector<1000x128xf32>
    %reduce_sum3A_66 = arith.constant dense<0.000000e+00> : vector<128xf32>
    %reduce_sum3A_67 = vector.multi_reduction <add>, %mul3A_65, %reduce_sum3A_66 [0] : vector<1000x128xf32> to vector<128xf32>
    %broadcast_in_dim3A_68 = vector.shape_cast %reduce_sum3A_67 : vector<128xf32> to vector<1x128xf32>
    %add3A_69 = arith.addf %get3A_64, %broadcast_in_dim3A_68 : vector<1x128xf32>
    %swap3A_70 = arith.constant 0 : index
    %swap3A_71 = arith.constant 1 : index
    %swap3A_72 = arith.constant 0 : index
    %swap3A_73 = vector.load %arg6[%swap3A_70, %swap3A_71, %swap3A_72] : memref<2x8x128xf32, #tpu.memory_space<vmem>>, vector<1x1x128xf32>
    %swap3A_74 = vector.shape_cast %swap3A_73 : vector<1x1x128xf32> to vector<1x128xf32>
    %swap3A_75 = vector.shape_cast %add3A_69 : vector<1x128xf32> to vector<1x1x128xf32>
    tpu.vector_store %arg6[%swap3A_70, %swap3A_71, %swap3A_72], %swap3A_75 {strides = array<i32>} : memref<2x8x128xf32, #tpu.memory_space<vmem>>, vector<1x1x128xf32>,
    %get3A_76 = arith.constant 1 : index
    %get3A_77 = arith.constant 0 : index
    %get3A_78 = arith.constant 0 : index
    %get3A_79 = vector.load %arg6[%get3A_76, %get3A_77, %get3A_78] : memref<2x8x128xf32, #tpu.memory_space<vmem>>, vector<1x1x128xf32>
    %get3A_80 = vector.shape_cast %get3A_79 : vector<1x1x128xf32> to vector<1x128xf32>
    %reduce_sum3A_81 = arith.constant dense<0.000000e+00> : vector<128xf32>
    %reduce_sum3A_82 = vector.multi_reduction <add>, %add3A_33, %reduce_sum3A_81 [0] : vector<1000x128xf32> to vector<128xf32>
    %broadcast_in_dim3A_83 = vector.shape_cast %reduce_sum3A_82 : vector<128xf32> to vector<1x128xf32>
    %add3A_84 = arith.addf %get3A_80, %broadcast_in_dim3A_83 : vector<1x128xf32>
    %swap3A_85 = arith.constant 1 : index
    %swap3A_86 = arith.constant 0 : index
    %swap3A_87 = arith.constant 0 : index
    %swap3A_88 = vector.load %arg6[%swap3A_85, %swap3A_86, %swap3A_87] : memref<2x8x128xf32, #tpu.memory_space<vmem>>, vector<1x1x128xf32>
    %swap3A_89 = vector.shape_cast %swap3A_88 : vector<1x1x128xf32> to vector<1x128xf32>
    %swap3A_90 = vector.shape_cast %add3A_84 : vector<1x128xf32> to vector<1x1x128xf32>
    tpu.vector_store %arg6[%swap3A_85, %swap3A_86, %swap3A_87], %swap3A_90 {strides = array<i32>} : memref<2x8x128xf32, #tpu.memory_space<vmem>>, vector<1x1x128xf32>,
    %get3A_91 = arith.constant 1 : index
    %get3A_92 = arith.constant 1 : index
    %get3A_93 = arith.constant 0 : index
    %get3A_94 = vector.load %arg6[%get3A_91, %get3A_92, %get3A_93] : memref<2x8x128xf32, #tpu.memory_space<vmem>>, vector<1x1x128xf32>
    %get3A_95 = vector.shape_cast %get3A_94 : vector<1x1x128xf32> to vector<1x128xf32>
    %mul3A_96 = arith.mulf %add3A_33, %add3A_33 : vector<1000x128xf32>
    %reduce_sum3A_97 = arith.constant dense<0.000000e+00> : vector<128xf32>
    %reduce_sum3A_98 = vector.multi_reduction <add>, %mul3A_96, %reduce_sum3A_97 [0] : vector<1000x128xf32> to vector<128xf32>
    %broadcast_in_dim3A_99 = vector.shape_cast %reduce_sum3A_98 : vector<128xf32> to vector<1x128xf32>
    %add3A_100 = arith.addf %get3A_95, %broadcast_in_dim3A_99 : vector<1x128xf32>
    %swap3A_101 = arith.constant 1 : index
    %swap3A_102 = arith.constant 1 : index
    %swap3A_103 = arith.constant 0 : index
    %swap3A_104 = vector.load %arg6[%swap3A_101, %swap3A_102, %swap3A_103] : memref<2x8x128xf32, #tpu.memory_space<vmem>>, vector<1x1x128xf32>
    %swap3A_105 = vector.shape_cast %swap3A_104 : vector<1x1x128xf32> to vector<1x128xf32>
    %swap3A_106 = vector.shape_cast %add3A_100 : vector<1x128xf32> to vector<1x1x128xf32>
    tpu.vector_store %arg6[%swap3A_101, %swap3A_102, %swap3A_103], %swap3A_106 {strides = array<i32>} : memref<2x8x128xf32, #tpu.memory_space<vmem>>, vector<1x1x128xf32>,
    return
  }
  func.func @transform_0(%arg0: i32) -> (i32, i32, i32) {
    %c0_i32 = arith.constant 0 : i32
    %c0_i32_0 = arith.constant 0 : i32
    %c0_i32_1 = arith.constant 0 : i32
    return %c0_i32, %arg0, %c0_i32_0 : i32, i32, i32
  }
  func.func @transform_1(%arg0: i32) -> (i32, i32, i32) {
    %c0_i32 = arith.constant 0 : i32
    %c0_i32_0 = arith.constant 0 : i32
    %c0_i32_1 = arith.constant 0 : i32
    return %c0_i32, %arg0, %c0_i32_0 : i32, i32, i32
  }
  func.func @transform_2(%arg0: i32) -> (i32, i32) {
    %c0_i32 = arith.constant 0 : i32
    %c0_i32_0 = arith.constant 0 : i32
    return %arg0, %c0_i32 : i32, i32
  }
  func.func @transform_3(%arg0: i32) -> (i32, i32) {
    %c0_i32 = arith.constant 0 : i32
    %c0_i32_0 = arith.constant 0 : i32
    %c0_i32_1 = arith.constant 0 : i32
    return %c0_i32, %c0_i32_0 : i32, i32
  }
  func.func @transform_4(%arg0: i32) -> (i32, i32, i32) {
    %c0_i32 = arith.constant 0 : i32
    %c0_i32_0 = arith.constant 0 : i32
    %c0_i32_1 = arith.constant 0 : i32
    return %c0_i32, %arg0, %c0_i32_0 : i32, i32, i32
  }
  func.func @transform_5(%arg0: i32) -> (i32, i32, i32) {
    %c0_i32 = arith.constant 0 : i32
    %c0_i32_0 = arith.constant 0 : i32
    %c0_i32_1 = arith.constant 0 : i32
    %c0_i32_2 = arith.constant 0 : i32
    return %c0_i32, %c0_i32_0, %c0_i32_1 : i32, i32, i32
  }
}

module attributes {stable_mosaic.version = 14 : i64} {
  func.func @_mid_body(%arg0: i32, %arg1: memref<2x1000x128xf32, #tpu.memory_space<vmem>>, %arg2: memref<2x8x128xf32, #tpu.memory_space<vmem>>, %arg3: memref<8x256xf32, #tpu.memory_space<vmem>>, %arg4: memref<8x256xf32, #tpu.memory_space<vmem>>, %arg5: memref<256x256xf32, #tpu.memory_space<vmem>>, %arg6: memref<1000x128xf32, #tpu.memory_space<vmem>>, %arg7: memref<2x1000x128xf32, #tpu.memory_space<vmem>>) attributes {dimension_semantics = [#tpu.dimension_semantics<arbitrary>], iteration_bounds = array<i64: 10>, scalar_prefetch = 0 : i64, scratch_operands = 0 : i64, tpu.core_type = #tpu.core_type<tc>, window_params = [{transform_indices = @transform_0, window_bounds = array<i64: 2, 1000, 128>}, {pipeline_mode = #tpu.pipeline_mode<synchronous>, transform_indices = @transform_1, window_bounds = array<i64: 2, 8, 128>}, {pipeline_mode = #tpu.pipeline_mode<synchronous>, transform_indices = @transform_2, window_bounds = array<i64: 8, 256>}, {pipeline_mode = #tpu.pipeline_mode<synchronous>, transform_indices = @transform_3, window_bounds = array<i64: 8, 256>}, {pipeline_mode = #tpu.pipeline_mode<synchronous>, transform_indices = @transform_4, window_bounds = array<i64: 256, 256>}, {transform_indices = @transform_5, window_bounds = array<i64: 1000, 128>}, {transform_indices = @transform_6, window_bounds = array<i64: 2, 1000, 128>}]} {
    %get3A = arith.constant 0 : index
    %get3A_0 = arith.constant 0 : index
    %get3A_1 = arith.constant 0 : index
    %get3A_2 = vector.load %arg2[%get3A, %get3A_0, %get3A_1] : memref<2x8x128xf32, #tpu.memory_space<vmem>>, vector<1x1x128xf32>
    %get3A_3 = vector.shape_cast %get3A_2 : vector<1x1x128xf32> to vector<1x128xf32>
    %mul3A = arith.constant 9.99999974E-5 : f32
    %mul3A_4 = vector.broadcast %mul3A : f32 to vector<1x128xf32>
    %mul3A_5 = arith.mulf %get3A_3, %mul3A_4 : vector<1x128xf32>
    %get3A_6 = arith.constant 0 : index
    %get3A_7 = arith.constant 1 : index
    %get3A_8 = arith.constant 0 : index
    %get3A_9 = vector.load %arg2[%get3A_6, %get3A_7, %get3A_8] : memref<2x8x128xf32, #tpu.memory_space<vmem>>, vector<1x1x128xf32>
    %get3A_10 = vector.shape_cast %get3A_9 : vector<1x1x128xf32> to vector<1x128xf32>
    %mul3A_11 = arith.constant 9.99999974E-5 : f32
    %mul3A_12 = vector.broadcast %mul3A_11 : f32 to vector<1x128xf32>
    %mul3A_13 = arith.mulf %get3A_10, %mul3A_12 : vector<1x128xf32>
    %mul3A_14 = arith.mulf %mul3A_5, %mul3A_5 : vector<1x128xf32>
    %sub3A = arith.subf %mul3A_13, %mul3A_14 : vector<1x128xf32>
    %add3A = arith.constant 9.99999974E-6 : f32
    %add3A_15 = vector.broadcast %add3A : f32 to vector<1x128xf32>
    %add3A_16 = arith.addf %sub3A, %add3A_15 : vector<1x128xf32>
    %rsqrt3A = math.rsqrt %add3A_16 : vector<1x128xf32>
    %get3A_17 = arith.constant 0 : index
    %get3A_18 = arith.constant 0 : index
    %get3A_19 = arith.constant 0 : index
    %get3A_20 = vector.load %arg1[%get3A_17, %get3A_18, %get3A_19] : memref<2x1000x128xf32, #tpu.memory_space<vmem>>, vector<1x1000x128xf32>
    %get3A_21 = vector.shape_cast %get3A_20 : vector<1x1000x128xf32> to vector<1000x128xf32>
    %sub3A_22 = vector.broadcast %mul3A_5 : vector<1x128xf32> to vector<1000x128xf32>
    %sub3A_23 = arith.subf %get3A_21, %sub3A_22 : vector<1000x128xf32>
    %mul3A_24 = vector.broadcast %rsqrt3A : vector<1x128xf32> to vector<1000x128xf32>
    %mul3A_25 = arith.mulf %sub3A_23, %mul3A_24 : vector<1000x128xf32>
    %get3A_26 = arith.constant 0 : index
    %get3A_27 = arith.constant 0 : index
    %get3A_28 = vector.load %arg3[%get3A_26, %get3A_27] : memref<8x256xf32, #tpu.memory_space<vmem>>, vector<1x128xf32>
    %mul3A_29 = vector.broadcast %get3A_28 : vector<1x128xf32> to vector<1000x128xf32>
    %mul3A_30 = arith.mulf %mul3A_25, %mul3A_29 : vector<1000x128xf32>
    %get3A_31 = arith.constant 0 : index
    %get3A_32 = arith.constant 0 : index
    %get3A_33 = vector.load %arg4[%get3A_31, %get3A_32] : memref<8x256xf32, #tpu.memory_space<vmem>>, vector<1x128xf32>
    %add3A_34 = vector.broadcast %get3A_33 : vector<1x128xf32> to vector<1000x128xf32>
    %add3A_35 = arith.addf %mul3A_30, %add3A_34 : vector<1000x128xf32>
    %max3A = arith.constant 0.000000e+00 : f32
    %max3A_36 = vector.broadcast %max3A : f32 to vector<1000x128xf32>
    %max3A_37 = arith.maximumf %add3A_35, %max3A_36 : vector<1000x128xf32>
    %get3A_38 = arith.constant 1 : index
    %get3A_39 = arith.constant 0 : index
    %get3A_40 = arith.constant 0 : index
    %get3A_41 = vector.load %arg2[%get3A_38, %get3A_39, %get3A_40] : memref<2x8x128xf32, #tpu.memory_space<vmem>>, vector<1x1x128xf32>
    %get3A_42 = vector.shape_cast %get3A_41 : vector<1x1x128xf32> to vector<1x128xf32>
    %mul3A_43 = arith.constant 9.99999974E-5 : f32
    %mul3A_44 = vector.broadcast %mul3A_43 : f32 to vector<1x128xf32>
    %mul3A_45 = arith.mulf %get3A_42, %mul3A_44 : vector<1x128xf32>
    %get3A_46 = arith.constant 1 : index
    %get3A_47 = arith.constant 1 : index
    %get3A_48 = arith.constant 0 : index
    %get3A_49 = vector.load %arg2[%get3A_46, %get3A_47, %get3A_48] : memref<2x8x128xf32, #tpu.memory_space<vmem>>, vector<1x1x128xf32>
    %get3A_50 = vector.shape_cast %get3A_49 : vector<1x1x128xf32> to vector<1x128xf32>
    %mul3A_51 = arith.constant 9.99999974E-5 : f32
    %mul3A_52 = vector.broadcast %mul3A_51 : f32 to vector<1x128xf32>
    %mul3A_53 = arith.mulf %get3A_50, %mul3A_52 : vector<1x128xf32>
    %mul3A_54 = arith.mulf %mul3A_45, %mul3A_45 : vector<1x128xf32>
    %sub3A_55 = arith.subf %mul3A_53, %mul3A_54 : vector<1x128xf32>
    %add3A_56 = arith.constant 9.99999974E-6 : f32
    %add3A_57 = vector.broadcast %add3A_56 : f32 to vector<1x128xf32>
    %add3A_58 = arith.addf %sub3A_55, %add3A_57 : vector<1x128xf32>
    %rsqrt3A_59 = math.rsqrt %add3A_58 : vector<1x128xf32>
    %get3A_60 = arith.constant 1 : index
    %get3A_61 = arith.constant 0 : index
    %get3A_62 = arith.constant 0 : index
    %get3A_63 = vector.load %arg1[%get3A_60, %get3A_61, %get3A_62] : memref<2x1000x128xf32, #tpu.memory_space<vmem>>, vector<1x1000x128xf32>
    %get3A_64 = vector.shape_cast %get3A_63 : vector<1x1000x128xf32> to vector<1000x128xf32>
    %sub3A_65 = vector.broadcast %mul3A_45 : vector<1x128xf32> to vector<1000x128xf32>
    %sub3A_66 = arith.subf %get3A_64, %sub3A_65 : vector<1000x128xf32>
    %mul3A_67 = vector.broadcast %rsqrt3A_59 : vector<1x128xf32> to vector<1000x128xf32>
    %mul3A_68 = arith.mulf %sub3A_66, %mul3A_67 : vector<1000x128xf32>
    %get3A_69 = arith.constant 0 : index
    %get3A_70 = arith.constant 128 : index
    %get3A_71 = vector.load %arg3[%get3A_69, %get3A_70] : memref<8x256xf32, #tpu.memory_space<vmem>>, vector<1x128xf32>
    %mul3A_72 = vector.broadcast %get3A_71 : vector<1x128xf32> to vector<1000x128xf32>
    %mul3A_73 = arith.mulf %mul3A_68, %mul3A_72 : vector<1000x128xf32>
    %get3A_74 = arith.constant 0 : index
    %get3A_75 = arith.constant 128 : index
    %get3A_76 = vector.load %arg4[%get3A_74, %get3A_75] : memref<8x256xf32, #tpu.memory_space<vmem>>, vector<1x128xf32>
    %add3A_77 = vector.broadcast %get3A_76 : vector<1x128xf32> to vector<1000x128xf32>
    %add3A_78 = arith.addf %mul3A_73, %add3A_77 : vector<1000x128xf32>
    %max3A_79 = arith.constant 0.000000e+00 : f32
    %max3A_80 = vector.broadcast %max3A_79 : f32 to vector<1000x128xf32>
    %max3A_81 = arith.maximumf %add3A_78, %max3A_80 : vector<1000x128xf32>
    %concatenate3A = tpu.concatenate %max3A_37, %max3A_81 in 1 : vector<1000x128xf32>, vector<1000x128xf32> -> vector<1000x256xf32>
    %get3A_82 = arith.constant 0 : index
    %get3A_83 = arith.constant 0 : index
    %get3A_84 = vector.load %arg5[%get3A_82, %get3A_83] : memref<256x256xf32, #tpu.memory_space<vmem>>, vector<256x256xf32>
    %dot_general3A = arith.constant dense<0.000000e+00> : vector<1000x256xf32>
    %dot_general3A_85 = tpu.matmul %concatenate3A, %get3A_84, %dot_general3A {dimension_numbers = #tpu.dot_dimension_numbers<[1], [0], [0], [1], [0, 0, 1, 1], [], []>, transpose_lhs_hint = false} : vector<1000x256xf32>, vector<256x256xf32>, vector<1000x256xf32> -> vector<1000x256xf32>
    %get3A_86 = arith.constant 0 : index
    %get3A_87 = arith.constant 0 : index
    %get3A_88 = vector.load %arg6[%get3A_86, %get3A_87] : memref<1000x128xf32, #tpu.memory_space<vmem>>, vector<1000x128xf32>
    %slice3A = vector.extract_strided_slice %get3A_88 {offsets = [0, 0], sizes = [1000, 1], strides = [1, 1]} : vector<1000x128xf32> to vector<1000x1xf32>
    %mul3A_89 = vector.broadcast %slice3A : vector<1000x1xf32> to vector<1000x256xf32>
    %mul3A_90 = arith.mulf %dot_general3A_85, %mul3A_89 : vector<1000x256xf32>
    %slice3A_91 = vector.extract_strided_slice %mul3A_90 {offsets = [0, 0], sizes = [1000, 128], strides = [1, 1]} : vector<1000x256xf32> to vector<1000x128xf32>
    %swap3A = arith.constant 0 : index
    %swap3A_92 = arith.constant 0 : index
    %swap3A_93 = arith.constant 0 : index
    %swap3A_94 = vector.load %arg7[%swap3A, %swap3A_92, %swap3A_93] : memref<2x1000x128xf32, #tpu.memory_space<vmem>>, vector<1x1000x128xf32>
    %swap3A_95 = vector.shape_cast %swap3A_94 : vector<1x1000x128xf32> to vector<1000x128xf32>
    %swap3A_96 = vector.shape_cast %slice3A_91 : vector<1000x128xf32> to vector<1x1000x128xf32>
    tpu.vector_store %arg7[%swap3A, %swap3A_92, %swap3A_93], %swap3A_96 {strides = array<i32>} : memref<2x1000x128xf32, #tpu.memory_space<vmem>>, vector<1x1000x128xf32>,
    %slice3A_97 = vector.extract_strided_slice %mul3A_90 {offsets = [0, 128], sizes = [1000, 128], strides = [1, 1]} : vector<1000x256xf32> to vector<1000x128xf32>
    %swap3A_98 = arith.constant 1 : index
    %swap3A_99 = arith.constant 0 : index
    %swap3A_100 = arith.constant 0 : index
    %swap3A_101 = vector.load %arg7[%swap3A_98, %swap3A_99, %swap3A_100] : memref<2x1000x128xf32, #tpu.memory_space<vmem>>, vector<1x1000x128xf32>
    %swap3A_102 = vector.shape_cast %swap3A_101 : vector<1x1000x128xf32> to vector<1000x128xf32>
    %swap3A_103 = vector.shape_cast %slice3A_97 : vector<1000x128xf32> to vector<1x1000x128xf32>
    tpu.vector_store %arg7[%swap3A_98, %swap3A_99, %swap3A_100], %swap3A_103 {strides = array<i32>} : memref<2x1000x128xf32, #tpu.memory_space<vmem>>, vector<1x1000x128xf32>,
    return
  }
  func.func @transform_0(%arg0: i32) -> (i32, i32, i32) {
    %c0_i32 = arith.constant 0 : i32
    %c0_i32_0 = arith.constant 0 : i32
    %c0_i32_1 = arith.constant 0 : i32
    return %c0_i32, %arg0, %c0_i32_0 : i32, i32, i32
  }
  func.func @transform_1(%arg0: i32) -> (i32, i32, i32) {
    %c0_i32 = arith.constant 0 : i32
    %c0_i32_0 = arith.constant 0 : i32
    %c0_i32_1 = arith.constant 0 : i32
    %c0_i32_2 = arith.constant 0 : i32
    return %c0_i32, %c0_i32_0, %c0_i32_1 : i32, i32, i32
  }
  func.func @transform_2(%arg0: i32) -> (i32, i32) {
    %c0_i32 = arith.constant 0 : i32
    %c0_i32_0 = arith.constant 0 : i32
    %c0_i32_1 = arith.constant 0 : i32
    return %c0_i32, %c0_i32_0 : i32, i32
  }
  func.func @transform_3(%arg0: i32) -> (i32, i32) {
    %c0_i32 = arith.constant 0 : i32
    %c0_i32_0 = arith.constant 0 : i32
    %c0_i32_1 = arith.constant 0 : i32
    return %c0_i32, %c0_i32_0 : i32, i32
  }
  func.func @transform_4(%arg0: i32) -> (i32, i32) {
    %c0_i32 = arith.constant 0 : i32
    %c0_i32_0 = arith.constant 0 : i32
    %c0_i32_1 = arith.constant 0 : i32
    return %c0_i32, %c0_i32_0 : i32, i32
  }
  func.func @transform_5(%arg0: i32) -> (i32, i32) {
    %c0_i32 = arith.constant 0 : i32
    %c0_i32_0 = arith.constant 0 : i32
    return %arg0, %c0_i32 : i32, i32
  }
  func.func @transform_6(%arg0: i32) -> (i32, i32, i32) {
    %c0_i32 = arith.constant 0 : i32
    %c0_i32_0 = arith.constant 0 : i32
    %c0_i32_1 = arith.constant 0 : i32
    return %c0_i32, %arg0, %c0_i32_0 : i32, i32, i32
  }
}

module attributes {stable_mosaic.version = 14 : i64} {
  func.func @_head_body(%arg0: i32, %arg1: memref<2x1000x128xf32, #tpu.memory_space<vmem>>, %arg2: memref<2x8x128xf32, #tpu.memory_space<vmem>>, %arg3: memref<8x256xf32, #tpu.memory_space<vmem>>, %arg4: memref<8x256xf32, #tpu.memory_space<vmem>>, %arg5: memref<256x64xf32, #tpu.memory_space<vmem>>, %arg6: memref<8x64xf32, #tpu.memory_space<vmem>>, %arg7: memref<1000x64xf32, #tpu.memory_space<vmem>>) attributes {dimension_semantics = [#tpu.dimension_semantics<arbitrary>], iteration_bounds = array<i64: 10>, scalar_prefetch = 0 : i64, scratch_operands = 0 : i64, tpu.core_type = #tpu.core_type<tc>, window_params = [{transform_indices = @transform_0, window_bounds = array<i64: 2, 1000, 128>}, {pipeline_mode = #tpu.pipeline_mode<synchronous>, transform_indices = @transform_1, window_bounds = array<i64: 2, 8, 128>}, {pipeline_mode = #tpu.pipeline_mode<synchronous>, transform_indices = @transform_2, window_bounds = array<i64: 8, 256>}, {pipeline_mode = #tpu.pipeline_mode<synchronous>, transform_indices = @transform_3, window_bounds = array<i64: 8, 256>}, {pipeline_mode = #tpu.pipeline_mode<synchronous>, transform_indices = @transform_4, window_bounds = array<i64: 256, 64>}, {pipeline_mode = #tpu.pipeline_mode<synchronous>, transform_indices = @transform_5, window_bounds = array<i64: 8, 64>}, {transform_indices = @transform_6, window_bounds = array<i64: 1000, 64>}]} {
    %get3A = arith.constant 0 : index
    %get3A_0 = arith.constant 0 : index
    %get3A_1 = arith.constant 0 : index
    %get3A_2 = vector.load %arg2[%get3A, %get3A_0, %get3A_1] : memref<2x8x128xf32, #tpu.memory_space<vmem>>, vector<1x1x128xf32>
    %get3A_3 = vector.shape_cast %get3A_2 : vector<1x1x128xf32> to vector<1x128xf32>
    %mul3A = arith.constant 9.99999974E-5 : f32
    %mul3A_4 = vector.broadcast %mul3A : f32 to vector<1x128xf32>
    %mul3A_5 = arith.mulf %get3A_3, %mul3A_4 : vector<1x128xf32>
    %get3A_6 = arith.constant 0 : index
    %get3A_7 = arith.constant 1 : index
    %get3A_8 = arith.constant 0 : index
    %get3A_9 = vector.load %arg2[%get3A_6, %get3A_7, %get3A_8] : memref<2x8x128xf32, #tpu.memory_space<vmem>>, vector<1x1x128xf32>
    %get3A_10 = vector.shape_cast %get3A_9 : vector<1x1x128xf32> to vector<1x128xf32>
    %mul3A_11 = arith.constant 9.99999974E-5 : f32
    %mul3A_12 = vector.broadcast %mul3A_11 : f32 to vector<1x128xf32>
    %mul3A_13 = arith.mulf %get3A_10, %mul3A_12 : vector<1x128xf32>
    %mul3A_14 = arith.mulf %mul3A_5, %mul3A_5 : vector<1x128xf32>
    %sub3A = arith.subf %mul3A_13, %mul3A_14 : vector<1x128xf32>
    %add3A = arith.constant 9.99999974E-6 : f32
    %add3A_15 = vector.broadcast %add3A : f32 to vector<1x128xf32>
    %add3A_16 = arith.addf %sub3A, %add3A_15 : vector<1x128xf32>
    %rsqrt3A = math.rsqrt %add3A_16 : vector<1x128xf32>
    %get3A_17 = arith.constant 0 : index
    %get3A_18 = arith.constant 0 : index
    %get3A_19 = arith.constant 0 : index
    %get3A_20 = vector.load %arg1[%get3A_17, %get3A_18, %get3A_19] : memref<2x1000x128xf32, #tpu.memory_space<vmem>>, vector<1x1000x128xf32>
    %get3A_21 = vector.shape_cast %get3A_20 : vector<1x1000x128xf32> to vector<1000x128xf32>
    %sub3A_22 = vector.broadcast %mul3A_5 : vector<1x128xf32> to vector<1000x128xf32>
    %sub3A_23 = arith.subf %get3A_21, %sub3A_22 : vector<1000x128xf32>
    %mul3A_24 = vector.broadcast %rsqrt3A : vector<1x128xf32> to vector<1000x128xf32>
    %mul3A_25 = arith.mulf %sub3A_23, %mul3A_24 : vector<1000x128xf32>
    %get3A_26 = arith.constant 0 : index
    %get3A_27 = arith.constant 0 : index
    %get3A_28 = vector.load %arg3[%get3A_26, %get3A_27] : memref<8x256xf32, #tpu.memory_space<vmem>>, vector<1x128xf32>
    %mul3A_29 = vector.broadcast %get3A_28 : vector<1x128xf32> to vector<1000x128xf32>
    %mul3A_30 = arith.mulf %mul3A_25, %mul3A_29 : vector<1000x128xf32>
    %get3A_31 = arith.constant 0 : index
    %get3A_32 = arith.constant 0 : index
    %get3A_33 = vector.load %arg4[%get3A_31, %get3A_32] : memref<8x256xf32, #tpu.memory_space<vmem>>, vector<1x128xf32>
    %add3A_34 = vector.broadcast %get3A_33 : vector<1x128xf32> to vector<1000x128xf32>
    %add3A_35 = arith.addf %mul3A_30, %add3A_34 : vector<1000x128xf32>
    %max3A = arith.constant 0.000000e+00 : f32
    %max3A_36 = vector.broadcast %max3A : f32 to vector<1000x128xf32>
    %max3A_37 = arith.maximumf %add3A_35, %max3A_36 : vector<1000x128xf32>
    %get3A_38 = arith.constant 1 : index
    %get3A_39 = arith.constant 0 : index
    %get3A_40 = arith.constant 0 : index
    %get3A_41 = vector.load %arg2[%get3A_38, %get3A_39, %get3A_40] : memref<2x8x128xf32, #tpu.memory_space<vmem>>, vector<1x1x128xf32>
    %get3A_42 = vector.shape_cast %get3A_41 : vector<1x1x128xf32> to vector<1x128xf32>
    %mul3A_43 = arith.constant 9.99999974E-5 : f32
    %mul3A_44 = vector.broadcast %mul3A_43 : f32 to vector<1x128xf32>
    %mul3A_45 = arith.mulf %get3A_42, %mul3A_44 : vector<1x128xf32>
    %get3A_46 = arith.constant 1 : index
    %get3A_47 = arith.constant 1 : index
    %get3A_48 = arith.constant 0 : index
    %get3A_49 = vector.load %arg2[%get3A_46, %get3A_47, %get3A_48] : memref<2x8x128xf32, #tpu.memory_space<vmem>>, vector<1x1x128xf32>
    %get3A_50 = vector.shape_cast %get3A_49 : vector<1x1x128xf32> to vector<1x128xf32>
    %mul3A_51 = arith.constant 9.99999974E-5 : f32
    %mul3A_52 = vector.broadcast %mul3A_51 : f32 to vector<1x128xf32>
    %mul3A_53 = arith.mulf %get3A_50, %mul3A_52 : vector<1x128xf32>
    %mul3A_54 = arith.mulf %mul3A_45, %mul3A_45 : vector<1x128xf32>
    %sub3A_55 = arith.subf %mul3A_53, %mul3A_54 : vector<1x128xf32>
    %add3A_56 = arith.constant 9.99999974E-6 : f32
    %add3A_57 = vector.broadcast %add3A_56 : f32 to vector<1x128xf32>
    %add3A_58 = arith.addf %sub3A_55, %add3A_57 : vector<1x128xf32>
    %rsqrt3A_59 = math.rsqrt %add3A_58 : vector<1x128xf32>
    %get3A_60 = arith.constant 1 : index
    %get3A_61 = arith.constant 0 : index
    %get3A_62 = arith.constant 0 : index
    %get3A_63 = vector.load %arg1[%get3A_60, %get3A_61, %get3A_62] : memref<2x1000x128xf32, #tpu.memory_space<vmem>>, vector<1x1000x128xf32>
    %get3A_64 = vector.shape_cast %get3A_63 : vector<1x1000x128xf32> to vector<1000x128xf32>
    %sub3A_65 = vector.broadcast %mul3A_45 : vector<1x128xf32> to vector<1000x128xf32>
    %sub3A_66 = arith.subf %get3A_64, %sub3A_65 : vector<1000x128xf32>
    %mul3A_67 = vector.broadcast %rsqrt3A_59 : vector<1x128xf32> to vector<1000x128xf32>
    %mul3A_68 = arith.mulf %sub3A_66, %mul3A_67 : vector<1000x128xf32>
    %get3A_69 = arith.constant 0 : index
    %get3A_70 = arith.constant 128 : index
    %get3A_71 = vector.load %arg3[%get3A_69, %get3A_70] : memref<8x256xf32, #tpu.memory_space<vmem>>, vector<1x128xf32>
    %mul3A_72 = vector.broadcast %get3A_71 : vector<1x128xf32> to vector<1000x128xf32>
    %mul3A_73 = arith.mulf %mul3A_68, %mul3A_72 : vector<1000x128xf32>
    %get3A_74 = arith.constant 0 : index
    %get3A_75 = arith.constant 128 : index
    %get3A_76 = vector.load %arg4[%get3A_74, %get3A_75] : memref<8x256xf32, #tpu.memory_space<vmem>>, vector<1x128xf32>
    %add3A_77 = vector.broadcast %get3A_76 : vector<1x128xf32> to vector<1000x128xf32>
    %add3A_78 = arith.addf %mul3A_73, %add3A_77 : vector<1000x128xf32>
    %max3A_79 = arith.constant 0.000000e+00 : f32
    %max3A_80 = vector.broadcast %max3A_79 : f32 to vector<1000x128xf32>
    %max3A_81 = arith.maximumf %add3A_78, %max3A_80 : vector<1000x128xf32>
    %concatenate3A = tpu.concatenate %max3A_37, %max3A_81 in 1 : vector<1000x128xf32>, vector<1000x128xf32> -> vector<1000x256xf32>
    %get3A_82 = arith.constant 0 : index
    %get3A_83 = arith.constant 0 : index
    %get3A_84 = vector.load %arg5[%get3A_82, %get3A_83] : memref<256x64xf32, #tpu.memory_space<vmem>>, vector<256x64xf32>
    %dot_general3A = arith.constant dense<0.000000e+00> : vector<1000x64xf32>
    %dot_general3A_85 = tpu.matmul %concatenate3A, %get3A_84, %dot_general3A {dimension_numbers = #tpu.dot_dimension_numbers<[1], [0], [0], [1], [0, 0, 1, 1], [], []>, transpose_lhs_hint = false} : vector<1000x256xf32>, vector<256x64xf32>, vector<1000x64xf32> -> vector<1000x64xf32>
    %get3A_86 = arith.constant 0 : index
    %get3A_87 = arith.constant 0 : index
    %get3A_88 = vector.load %arg6[%get3A_86, %get3A_87] : memref<8x64xf32, #tpu.memory_space<vmem>>, vector<1x64xf32>
    %add3A_89 = vector.broadcast %get3A_88 : vector<1x64xf32> to vector<1000x64xf32>
    %add3A_90 = arith.addf %dot_general3A_85, %add3A_89 : vector<1000x64xf32>
    %swap3A = arith.constant 0 : index
    %swap3A_91 = arith.constant 0 : index
    %swap3A_92 = vector.load %arg7[%swap3A, %swap3A_91] : memref<1000x64xf32, #tpu.memory_space<vmem>>, vector<1000x64xf32>
    tpu.vector_store %arg7[%swap3A, %swap3A_91], %add3A_90 {strides = array<i32>} : memref<1000x64xf32, #tpu.memory_space<vmem>>, vector<1000x64xf32>,
    return
  }
  func.func @transform_0(%arg0: i32) -> (i32, i32, i32) {
    %c0_i32 = arith.constant 0 : i32
    %c0_i32_0 = arith.constant 0 : i32
    %c0_i32_1 = arith.constant 0 : i32
    return %c0_i32, %arg0, %c0_i32_0 : i32, i32, i32
  }
  func.func @transform_1(%arg0: i32) -> (i32, i32, i32) {
    %c0_i32 = arith.constant 0 : i32
    %c0_i32_0 = arith.constant 0 : i32
    %c0_i32_1 = arith.constant 0 : i32
    %c0_i32_2 = arith.constant 0 : i32
    return %c0_i32, %c0_i32_0, %c0_i32_1 : i32, i32, i32
  }
  func.func @transform_2(%arg0: i32) -> (i32, i32) {
    %c0_i32 = arith.constant 0 : i32
    %c0_i32_0 = arith.constant 0 : i32
    %c0_i32_1 = arith.constant 0 : i32
    return %c0_i32, %c0_i32_0 : i32, i32
  }
  func.func @transform_3(%arg0: i32) -> (i32, i32) {
    %c0_i32 = arith.constant 0 : i32
    %c0_i32_0 = arith.constant 0 : i32
    %c0_i32_1 = arith.constant 0 : i32
    return %c0_i32, %c0_i32_0 : i32, i32
  }
  func.func @transform_4(%arg0: i32) -> (i32, i32) {
    %c0_i32 = arith.constant 0 : i32
    %c0_i32_0 = arith.constant 0 : i32
    %c0_i32_1 = arith.constant 0 : i32
    return %c0_i32, %c0_i32_0 : i32, i32
  }
  func.func @transform_5(%arg0: i32) -> (i32, i32) {
    %c0_i32 = arith.constant 0 : i32
    %c0_i32_0 = arith.constant 0 : i32
    %c0_i32_1 = arith.constant 0 : i32
    return %c0_i32, %c0_i32_0 : i32, i32
  }
  func.func @transform_6(%arg0: i32) -> (i32, i32) {
    %c0_i32 = arith.constant 0 : i32
    %c0_i32_0 = arith.constant 0 : i32
    return %arg0, %c0_i32 : i32, i32
  }
}

</mosaic_0001>

<sc_bundles>
// kernel: kernel.13.cloned.1.call-start
scs
__scs_entry_jumppad:
0x0: {  	(pc) =	sbr.rel $0x88, $3  }
0x1: {  	(tag) =	ssettag $0x0;
	lr =	simm.s32 $0x1  }
0x2: {  	[smem:$0x3F91] =	sst lr;
	_ =	strace $0xD0000000  }
0x3: {  	_ = 	snop  }
0x4: {  	_ = 	snop  }
0x5: {  	_ = 	snop  }
0x6: {  	_ = 	snop  }
0x7: {  	_ = 	snop  }
__scs_overlays_trampoline_lowered:
0x8: {  	[smem:$0x3FA0] =	sst s0  }
0x9: {  	[smem:$0x3FA1] =	sst s1  }
0xa: {  	[smem:$0x3FA2] =	sst s2  }
0xb: {  	[smem:$0x3FA3] =	sst s3  }
0xc: {  	[smem:$0x3FA4] =	sst s4  }
0xd: {  	[smem:$0x3FA5] =	sst s5  }
0xe: {  	[smem:$0x3FA6] =	sst s6  }
0xf: {  	[smem:$0x3FA7] =	sst s7  }
0x10: {  	[smem:$0x3FA8] =	sst s8  }
0x11: {  	[smem:$0x3FA9] =	sst s9;
	s0 =	simm.s32 @!p0 $0x0  }
0x12: {  	s1 =	sld [smem:$0x3F8F];
	s0 =	simm.s32 @p0 $0x1  }
0x13: {  	[smem:$0x3FAA] =	sst s0;
	s0 =	simm.s32 @!p1 $0x0  }
0x14: {  	s2 =	sld [smem:$0x3F8E];
	s0 =	simm.s32 @p1 $0x1  }
0x15: {  	[smem:$0x3FAB] =	sst s0;
	s0 =	simm.s32 @!p2 $0x0  }
0x16: {  	s3 =	sld [smem:$0x3FDB];
	s0 =	simm.s32 @p2 $0x1  }
0x17: {  	s4 =	simm.s32 $0x1BF5;
	[smem:$0x3FAD] =	sst s0  }
0x18: {  	s0 =	sld [smem:$0x3F90];
	_ =	swait.ge [sflag:s4], $0x0  }
0x19: {  	s7 =	sld [smem:$0x3F91]  }
0x1a: {  	s8 =	sadd.s32 $0xFFFFE003, lr  }
0x1b: {  	s9 =	sadd.s32 $0xFFFFFEF7, lr;
	s5 =	simm.s32 $0xFFFFFFFF;
	p2 =	slt.u32 s8, $0xFFFFF086  }
0x1c: {  	p1 =	slt.u32 s9, $0xF7A;
	s5 =	simm.s32 @!p2 $0x0  }
0x1d: {  	s5 =	simm.s32 @p1 $0x1;
	p0 =	seq.s32 s7, s2  }
0x1e: {  	s7 =	smul.u32 @!p0 $0xF7A, s2;
	p2 =	seq.s32 @!p0 s5, $0x0  }
0x1f: {  	s9 =	smul.u32 $0xF7A, s1;
	s8 =	simm.s32 @!p0 $0x1BF5;
	p2 =	por !p2, p0  }
0x20: {  	[sflag:s8] =	ssyncset.s32 @!p0 $0xFFFFF086;
	s6 =	sadd.s32 @!p0 s3, s7;
	s7 =	simm.s32 @!p0 $0x108  }
0x21: {  	s3 =	sadd.s32 s3, s9;
	s6 =	sadd.s32 @!p0 $0x88, s6;
	s7 =	simm.s32 @p2 $0x1082  }
0x22: {  	[simem:s7], [sflag:s8] =	dma.local @!p0 [hbm:s6], $0xF7A  }
0x23: {  	s9 =	sor.u32 $0xD0000000, s2;
	s6 =	simm.s32 $0x108;
	_ =	swait.ge @!p0 [sflag:s8], $0x0  }
0x24: {  	s3 =	sadd.s32 $0x88, s3;
	s6 =	simm.s32 @!p1 $0x1082;
	[sflag:s4] =	ssyncset.s32 $0xFFFFF086  }
0x25: {  	[simem:s6], [sflag:s4] =	dma.local [hbm:s3], $0xF7A  }
0x26: {  	[smem:$0x3F91] =	sst s1;
	(tag) =	ssettag s2;
	_ =	strace s9  }
0x27: {  	s1 =	sld [smem:$0x3FA1]  }
0x28: {  	s2 =	sld [smem:$0x3FA2]  }
0x29: {  	s4 =	sld [smem:$0x3FA4]  }
0x2a: {  	p0 =	seq.s32 s5, $0x0;
	s5 =	sld [smem:$0x3FA5]  }
0x2b: {  	s6 =	sld [smem:$0x3FA6]  }
0x2c: {  	s7 =	sld [smem:$0x3FA7]  }
0x2d: {  	s3 =	simm.s32 $0x108;
	s8 =	sld [smem:$0x3FA8]  }
0x2e: {  	s3 =	simm.s32 @!p0 $0x1082;
	s9 =	sld [smem:$0x3FA9]  }
0x2f: {  	lr =	sadd.s32 s0, s3;
	s0 =	sld [smem:$0x3FA0]  }
0x30: {  	s3 =	sld [smem:$0x3FA3]  }
0x31: {  	[smem:$0x3FAC] =	sst s10  }
0x32: {  	s10 =	sld [smem:$0x3FAA];
	_ =	sdelay $0x3  }
0x33: {  	p0 =	seq.s32 s10, $0x1;
	s10 =	sld [smem:$0x3FAC];
	_ =	sdelay $0x3  }
0x34: {  	[smem:$0x3FAC] =	sst s10  }
0x35: {  	s10 =	sld [smem:$0x3FAB];
	_ =	sdelay $0x3  }
0x36: {  	p1 =	seq.s32 s10, $0x1;
	s10 =	sld [smem:$0x3FAC];
	_ =	sdelay $0x3  }
0x37: {  	[smem:$0x3FAC] =	sst s10  }
0x38: {  	s10 =	sld [smem:$0x3FAD]  }
0x39: {  	_ = 	snop;
	(pc) =	sbr.ind lr, $3  }
0x3a: {  	_ = 	snop  }
0x3b: {  	_ = 	snop  }
0x3c: {  	p2 =	seq.s32 s10, $0x1;
	s10 =	sld [smem:$0x3FAC]  }
0x3d: {  	_ =	shalt  }
0x3e: {  	_ =	shalt  }
0x3f: {  	_ =	shalt  }
0x40: {  	_ =	shalt  }
0x41: {  	_ =	shalt  }
0x42: {  	_ =	shalt  }
0x43: {  	_ =	shalt  }
0x44: {  	_ =	shalt  }
0x45: {  	_ =	shalt  }
0x46: {  	_ =	shalt  }
0x47: {  	_ =	shalt  }
0x48: {  	_ =	shalt  }
0x49: {  	_ =	shalt  }
0x4a: {  	_ =	shalt  }
0x4b: {  	_ =	shalt  }
0x4c: {  	_ =	shalt  }
0x4d: {  	_ =	shalt  }
0x4e: {  	_ =	shalt  }
0x4f: {  	_ =	shalt  }
0x50: {  	_ =	shalt  }
0x51: {  	_ =	shalt  }
0x52: {  	_ =	shalt  }
0x53: {  	_ =	shalt  }
0x54: {  	_ =	shalt  }
0x55: {  	_ =	shalt  }
0x56: {  	_ =	shalt  }
0x57: {  	_ =	shalt  }
0x58: {  	_ =	shalt  }
0x59: {  	_ =	shalt  }
0x5a: {  	_ =	shalt  }
0x5b: {  	_ =	shalt  }
0x5c: {  	_ =	shalt  }
0x5d: {  	_ =	shalt  }
0x5e: {  	_ =	shalt  }
0x5f: {  	_ =	shalt  }
0x60: {  	_ =	shalt  }
0x61: {  	_ =	shalt  }
0x62: {  	_ =	shalt  }
0x63: {  	_ =	shalt  }
0x64: {  	_ =	shalt  }
0x65: {  	_ =	shalt  }
0x66: {  	_ =	shalt  }
0x67: {  	_ =	shalt  }
0x68: {  	_ =	shalt  }
0x69: {  	_ =	shalt  }
0x6a: {  	_ =	shalt  }
0x6b: {  	_ =	shalt  }
0x6c: {  	_ =	shalt  }
0x6d: {  	_ =	shalt  }
0x6e: {  	_ =	shalt  }
0x6f: {  	_ =	shalt  }
0x70: {  	_ =	shalt  }
0x71: {  	_ =	shalt  }
0x72: {  	_ =	shalt  }
0x73: {  	_ =	shalt  }
0x74: {  	_ =	shalt  }
0x75: {  	_ =	shalt  }
0x76: {  	_ =	shalt  }
0x77: {  	_ =	shalt  }
0x78: {  	_ =	shalt  }
0x79: {  	_ =	shalt  }
0x7a: {  	_ =	shalt  }
0x7b: {  	_ =	shalt  }
0x7c: {  	_ =	shalt  }
0x7d: {  	_ =	shalt  }
0x7e: {  	_ =	shalt  }
0x7f: {  	_ =	shalt  }
0x80: {  	_ =	shalt  }
0x81: {  	_ =	shalt  }
0x82: {  	_ =	shalt  }
0x83: {  	_ =	shalt  }
0x84: {  	_ =	shalt  }
0x85: {  	_ =	shalt  }
0x86: {  	_ =	shalt  }
0x87: {  	_ =	shalt  }
.Lfunc_end0:
.L_simem_size_0:
called_computation_lowered:
.L_overlay_start_0:
0x88: {  	s2 =	sld [smem:$0x3FD9]  }
0x89: {  	s3 =	sld [smem:$0x3FFE];
	_ =	sdelay $0x1  }
0x8a: {  	s1 =	srdreg.scid  }
0x8b: {  	s0 =	sand.u32 $0x1, s1  }
0x8c: {  	s17 =	sshll.u32 s0, $0xA;
	s2 =	sadd.s32 s3, s2  }
0x8d: {  	s2 =	sadd.s32 s2, s17  }
0x8e: {  	[smem:$0x3FB8] =	sst s2  }
0x8f: {  	_ = 	snop  }
0x90: {  	s2 =	sld [smem:$0x3FD0];
	(tm) =	ssettm $0x1  }
0x91: {  	s18 =	sld [smem:$0x3FFB];
	_ =	sdelay $0x3  }
0x92: {  	_ =	strace s18  }
0x93: {  	s3 =	sld [smem:$0x3FFC];
	_ =	sdelay $0x3  }
0x94: {  	_ =	strace s3  }
0x95: {  	s3 =	sld [smem:$0x3FFD];
	_ =	sdelay $0x3  }
0x96: {  	_ =	strace s3  }
0x97: {  	_ =	strace $0x8FFFFFFF  }
0x98: {  	s19 =	sld [smem:$0x3FDB];
	_ =	sdelay $0x1  }
0x99: {  	s4 =	simm.s32 $_scs_section_size  }
0x9a: {  	s5 =	simm.s32 $_size__tile_overlayer_lowered;
	s6 =	simm.s32 $_tile_overlayer_lowered  }
0x9b: {  	s22 =	simm.s32 $0x1BFF;
	s21 =	sshll.u32 s6, $0x1;
	s3 =	sadd.s32 s4, s19  }
0x9c: {  	s7 =	simm.s32 $0x0;
	s20 =	sshll.u32 s5, $0x1;
	s5 =	sadd.s32 s21, s3  }
0x9d: {  	[timem:s7], [sflag:s22] =	dma.local [hbm:s5], s20  }
0x9e: {  	_ =	swait.ge [sflag:s22], s20  }
0x9f: {  	s4 =	ssub.s32 $0x0, s20;
	[sflag:s22] =	ssyncset.done $0x0  }
0xa0: {  	[sflag:s22] =	ssyncadd.s32 s4;
	_ =	sdelay $0x1  }
0xa1: {  	s23 =	simm.s32 $0x1B8B  }
0xa2: {  	_ =	swait.ge [sflag:s23], $0x1  }
0xa3: {  	[sflag:s23] =	ssyncset.done $0x0  }
0xa4: {  	s25 =	simm.s32 $0x1B8E;
	s24 =	sld [smem:$0x3FFE];
	[sflag:s23] =	ssyncadd.s32 $0xFFFFFFFF  }
0xa5: {  	s26 =	simm.s32 $execute0_lowered;
	[smem:$0x3FD2] =	sst s25  }
0xa6: {  	s5 =	sshll.u32 s26, $0x1;
	_ =	strace $0x80000046;
	[dreg:$0x1] =	wrdreg $0xFFFFFFFF  }
0xa7: {  	s28 =	simm.s32 $_size_execute0_lowered;
	s3 =	sadd.s32 s3, s5;
	[dreg:$0x0] =	wrdreg $0x0  }
0xa8: {  	s5 =	sshll.u32 s28, $0x1;
	[dreg:$0x2] =	wrdreg s3  }
0xa9: {  	[dreg:$0x3] =	wrdreg s5  }
0xaa: {  	[dreg:$0x4] =	wrdreg $0xC0  }
0xab: {  	_ =	task [dreg:s7], $0x5FFFF  }
0xac: {  	[dreg:$0x1] =	wrdreg $0xFFFFFFFF  }
0xad: {  	[dreg:$0x0] =	wrdreg $0x60  }
0xae: {  	[dreg:$0x2] =	wrdreg s24  }
0xaf: {  	[dreg:$0x3] =	wrdreg s2  }
0xb0: {  	[dreg:$0x4] =	wrdreg $0x29000  }
0xb1: {  	[dreg:$0x5] =	wrdreg $0x9  }
0xb2: {  	_ =	task.clear_ibuf [dreg:s7], $0x6FFFF;
	_ =	strace $0x90000046  }
0xb3: {  	s29 =	simm.s32 $0x9;
	_ =	strace $0x80000048  }
0xb4: {  	_ =	swait.ge [sflag:s29], $0x1  }
0xb5: {  	[sflag:s29] =	ssyncadd.s32 $0xFFFFFFFF  }
0xb6: {  	_ =	strace $0x90000048  }
0xb7: {  	_ =	sfence  }
0xb8: {  	s30 =	sld [smem:$0x0];
	_ =	sdelay $0x2  }
0xb9: {  	s31 =	sshll.u32 s1, $0xD;
	s1 =	sshrl.u32 s1, $0x2  }
0xba: {  	s3 =	sand.u32 $0x4000, s31;
	s1 =	sadd.s32 s1, s30  }
0xbb: {  	s0 =	sor.u32 s3, s0;
	s1 =	sshll.u32 s1, $0x11  }
0xbc: {  	s0 =	sor.u32 s1, s0  }
0xbd: {  	s0 =	sadd.s32 $0x8F2B, s0  }
0xbe: {  	[sflag:s0] =	ssyncadd.remote.s32 $0x1  }
0xbf: {  	_ =	sfence.sel $0xFFFF  }
0xc0: {  	[dreg:$0x0] =	wrdreg $0xFFFFFFFF;
	(pc) =	sbr.abs _section_cstart, $3  }
0xc1: {  	[dreg:$0x1] =	wrdreg $0xFFFFFFFF  }
0xc2: {  	_ =	task.clear_ibuf [dreg:s7], $0x2FFFF;
	_ =	strace $0x9FFFFFFF  }
0xc3: {  	(tm) =	ssettm $0x7FFFFFFF  }
tec
execute0_lowered:
.L_overlay_start_1:
0x0: {  	(tag) =	ssettag $0x1  }
0x1: {  	s5 =	rddreg [dreg:$0x0]  }
0x2: {  	s0 =	srdreg.scid;
	s18 =	rddreg [dreg:$0x1]  }
0x3: {  	s1 =	stileid.u32;
	s2 =	rddreg [dreg:$0x2];
	s3 =	simm.s32 $0x0  }
0x4: {  	s22 =	simm.s32 $0x50;
	s23 =	simm.s32 $0x1;
	s4 =	smul.u32 $0x2710, s1  }
0x5: {  	s8 =	sand.u32 $0x1, s0;
	s0 =	rddreg [dreg:$0x3];
	s6 =	smul.u32 $0x4E000, s1  }
0x6: {  	s24 =	simm.s32 $0x0;
	[smem:$0x7FF] =	sst s3;
	s20 =	smul.u32 $0x2700, s1  }
0x7: {  	s15 =	sadd.s32 $0x5BE00, s5;
	p0 =	sne.s32 s1, $0x0;
	s14 =	smul.u32 $0x27100, s8  }
0x8: {  	_ =	strace $0x80000047;
	s7 =	ssub.s32 $0x2, s8;
	s13 =	smul.u32 $0x138800, s8  }
0x9: {  	s30 =	sshrl.u32 s7, $0x1;
	s6 =	sshrl.u32 s6, $0x2;
	s4 =	sadd.s32 s4, s14  }
0xa: {  	s16 =	ssub.s32 s7, s30;
	s21 =	sshrl.u32 s13, $0x3;
	s13 =	sadd.s32 $0x138000, s2  }
0xb: {  	s14 =	sadd.s32 s20, s14;
	s20 =	simm.s32 $0x2;
	s19 =	sshrl.u32 s4, $0x3  }
0xc: {  	s4 =	sadd.s32 $0xDC00, s5;
	s31 =	sadd.s32 s15, s21;
	s14 =	sadd.s32 s15, s14  }
0xd: {  	s16 =	smax.u32 s16, $0x1;
	s21 =	simm.s32 $0x80;
	s17 =	sadd.s32 s19, s5  }
0xe: {  	s5 =	sadd.s32 s6, s2;
	s15 =	sadd.s32 $0x27000, s31;
	s18 =	sadd.s32 s19, s18  }
0xf: {  	s19 =	simm.s32 $0x100;
	s6 =	sadd.s32 $0x2800, s5;
	s7 =	sadd.s32 $0x5000, s5  }
0x10: {  	s8 =	sadd.s32 $0x7800, s5;
	s9 =	sadd.s32 $0xA000, s5;
	s10 =	sadd.s32 $0xC800, s5  }
0x11: {  	v0 =	vimm.f32 $0.0e+00;
	s11 =	sadd.s32 $0xF000, s5;
	s12 =	sadd.s32 $0x11800, s5;
	s17 =	sadd.s32 $0x3E00, s17  }
.LBB2_1:
0x12: {  	s25 =	simm.s32 $0x0;
	s26 =	simm.s32 $0x200  }
.LBB2_2:
0x13: {  	p1 =	sne.s32 s26, $0x9E00;
	[tilespmem:s25+$0x170] =	vst v0  }
0x14: {  	[tilespmem:s25+$0x100] =	vst v0  }
0x15: {  	[tilespmem:s25+$0x110] =	vst v0  }
.Ltmp0:
0x16: {  	[tilespmem:s25+$0x120] =	vst v0;
	(pc) =	sbr.rel @p1 .LBB2_2-.Ltmp0, $4  }
0x17: {  	[tilespmem:s25+$0x130] =	vst v0  }
0x18: {  	[tilespmem:s25+$0x140] =	vst v0  }
0x19: {  	[tilespmem:s25+$0x150] =	vst v0  }
0x1a: {  	[tilespmem:s25+$0x160] =	vst v0;
	s25 =	sshra.s32 s26, $0x2;
	s26 =	sadd.s32 $0x200, s26  }
0x1b: {  	[tilespmem:s25+$0x170] =	vst v0  }
0x1c: {  	[tilespmem:s25+$0x100] =	vst v0  }
0x1d: {  	[tilespmem:s25+$0x110] =	vst v0  }
0x1e: {  	[tilespmem:s25+$0x120] =	vst v0  }
0x1f: {  	[tilespmem:s25+$0x130] =	vst v0  }
0x20: {  	[tilespmem:s25+$0x140] =	vst v0  }
0x21: {  	[tilespmem:s25+$0x150] =	vst v0  }
0x22: {  	[tilespmem:s25+$0x160] =	vst v0  }
0x23: {  	[spmem:s5] =	stream.linear.scatter [tilespmem:s19], [sflag:$0x2], $0x2800, $0x38;
	[tilespmem:$0x161C0] =	vst v63  }
0x24: {  	_ =	swait.ge [sflag:s20], $0x2800  }
0x25: {  	[sflag:s20] =	ssyncset.done $0x0  }
0x26: {  	[sflag:s20] =	ssyncadd.s32 $0xFFFFD800  }
0x27: {  	[spmem:s6] =	stream.linear.scatter [tilespmem:s19], [sflag:$0x2], $0x2800, $0x38;
	[tilespmem:$0x161C0] =	vst v63  }
0x28: {  	_ =	swait.ge [sflag:s20], $0x2800  }
0x29: {  	[sflag:s20] =	ssyncset.done $0x0  }
0x2a: {  	[sflag:s20] =	ssyncadd.s32 $0xFFFFD800  }
0x2b: {  	[spmem:s7] =	stream.linear.scatter [tilespmem:s19], [sflag:$0x2], $0x2800, $0x38;
	[tilespmem:$0x161C0] =	vst v63  }
0x2c: {  	_ =	swait.ge [sflag:s20], $0x2800  }
0x2d: {  	[sflag:s20] =	ssyncset.done $0x0  }
0x2e: {  	[sflag:s20] =	ssyncadd.s32 $0xFFFFD800  }
0x2f: {  	[spmem:s8] =	stream.linear.scatter [tilespmem:s19], [sflag:$0x2], $0x2800, $0x38;
	[tilespmem:$0x161C0] =	vst v63  }
0x30: {  	_ =	swait.ge [sflag:s20], $0x2800  }
0x31: {  	[sflag:s20] =	ssyncset.done $0x0  }
0x32: {  	[sflag:s20] =	ssyncadd.s32 $0xFFFFD800  }
0x33: {  	[spmem:s9] =	stream.linear.scatter [tilespmem:s19], [sflag:$0x2], $0x2800, $0x38;
	[tilespmem:$0x161C0] =	vst v63  }
0x34: {  	_ =	swait.ge [sflag:s20], $0x2800  }
0x35: {  	[sflag:s20] =	ssyncset.done $0x0  }
0x36: {  	[sflag:s20] =	ssyncadd.s32 $0xFFFFD800  }
0x37: {  	[spmem:s10] =	stream.linear.scatter [tilespmem:s19], [sflag:$0x2], $0x2800, $0x38;
	[tilespmem:$0x161C0] =	vst v63  }
0x38: {  	_ =	swait.ge [sflag:s20], $0x2800  }
0x39: {  	[sflag:s20] =	ssyncset.done $0x0  }
0x3a: {  	[sflag:s20] =	ssyncadd.s32 $0xFFFFD800  }
0x3b: {  	[spmem:s11] =	stream.linear.scatter [tilespmem:s19], [sflag:$0x2], $0x2800, $0x38;
	[tilespmem:$0x161C0] =	vst v63  }
0x3c: {  	_ =	swait.ge [sflag:s20], $0x2800  }
0x3d: {  	[sflag:s20] =	ssyncset.done $0x0  }
0x3e: {  	[sflag:s20] =	ssyncadd.s32 $0xFFFFD800  }
0x3f: {  	[spmem:s12] =	stream.linear.scatter [tilespmem:s19], [sflag:$0x2], $0x2000, $0x38;
	[tilespmem:$0x161C0] =	vst v63  }
0x40: {  	_ =	swait.ge [sflag:s20], $0x2000  }
0x41: {  	[sflag:s20] =	ssyncset.done $0x0  }
0x42: {  	s25 =	simm.s32 @!p0 $0x100;
	[sflag:s20] =	ssyncadd.s32 $0xFFFFE000  }
0x43: {  	[spmem:s13] =	stream.linear.scatter @!p0 [tilespmem:s25], [sflag:$0x2], $0xC00, $0x38;
	[tilespmem:$0x161C0] =	vst v63  }
0x44: {  	s25 =	simm.s32 @!p0 $0x2  }
0x45: {  	_ =	swait.ge @!p0 [sflag:s25], $0xC00  }
0x46: {  	[sflag:s25] =	ssyncset.done @!p0 $0x0  }
0x47: {  	[sflag:s25] =	ssyncadd.s32 @!p0 $0xFFFFF400  }
0x48: {  	s30 =	sadd.s32 $0x0, s18;
	[bflag:$0x0] =	sbarrier.arrive $0xFFFF  }
0x49: {  	[tilespmem:s3], [sflag:$0x2] =	stream.linear.gather [hbm4b:s30+s3], $0x50, $0x38;
	[tilespmem:$0x161C0] =	vst v63  }
0x4a: {  	_ =	swait.ge [sflag:s20], $0x50  }
0x4b: {  	[sflag:s20] =	ssyncset.done $0x0  }
0x4c: {  	s31 =	sadd.s32 $0x0, s17;
	[sflag:s20] =	ssyncadd.s32 $0xFFFFFFB0  }
0x4d: {  	[tilespmem:s21], [sflag:$0x2] =	stream.linear.gather [hbm4b:s31+s3], $0x50, $0x38;
	[tilespmem:$0x161C0] =	vst v63  }
0x4e: {  	_ =	swait.ge [sflag:s20], $0x50  }
0x4f: {  	[sflag:s20] =	ssyncset.done $0x0  }
0x50: {  	[sflag:s20] =	ssyncadd.s32 $0xFFFFFFB0  }
0x51: {  	[tilespmem:s19], [sflag:$0x1] =	stream.indirect.gather [hbm4b:s4+s22], $0x80, s3, s22, $0xb8;
	[tilespmem:$0x161C0] =	vst v63  }
0x52: {  	_ =	swait.ge [sflag:s23], $0x2800  }
0x53: {  	[sflag:s23] =	ssyncset.done $0x0  }
0x54: {  	[sflag:s23] =	ssyncadd.s32 $0xFFFFD800  }
0x55: {  	[spmem:s2] =	stream.indirect.scatter.add.f32 [tilespmem:s19], [sflag:$0x2], $0x80, s21, s22, $0xb8;
	[tilespmem:$0x161C0] =	vst v63  }
0x56: {  	_ =	swait.ge [sflag:s20], $0x2800  }
0x57: {  	s26 =	simm.s32 $0x14;
	s25 =	simm.s32 $0xA;
	[sflag:s20] =	ssyncset.done $0x0  }
.LBB2_4:
0x58: {  	s28 =	sadd.s32 s25, s18  }
0x59: {  	[sflag:s20] =	ssyncadd.s32 $0xFFFFD800;
	s29 =	smov.u32 s26;
	s30 =	sadd.s32 $0xA, s26  }
0x5a: {  	[tilespmem:s3], [sflag:$0x2] =	stream.linear.gather [hbm4b:s28+s3], $0x50, $0x38;
	[tilespmem:$0x161C0] =	vst v63  }
0x5b: {  	p1 =	sne.s32 s26, $0x4D8;
	_ =	swait.ge [sflag:s20], $0x50  }
0x5c: {  	[sflag:s20] =	ssyncset.done $0x0  }
0x5d: {  	s26 =	sadd.s32 s25, s17;
	s25 =	smov.u32 s29;
	[sflag:s20] =	ssyncadd.s32 $0xFFFFFFB0  }
0x5e: {  	[tilespmem:s21], [sflag:$0x2] =	stream.linear.gather [hbm4b:s26+s3], $0x50, $0x38;
	[tilespmem:$0x161C0] =	vst v63  }
0x5f: {  	_ =	swait.ge [sflag:s20], $0x50  }
0x60: {  	[sflag:s20] =	ssyncset.done $0x0  }
0x61: {  	[sflag:s20] =	ssyncadd.s32 $0xFFFFFFB0  }
0x62: {  	[tilespmem:s19], [sflag:$0x1] =	stream.indirect.gather [hbm4b:s4+s22], $0x80, s3, s22, $0xb8;
	[tilespmem:$0x161C0] =	vst v63  }
0x63: {  	_ =	swait.ge [sflag:s23], $0x2800  }
.Ltmp1:
0x64: {  	[sflag:s23] =	ssyncset.done $0x0;
	(pc) =	sbr.rel @p1 .LBB2_4-.Ltmp1, $4  }
0x65: {  	[sflag:s23] =	ssyncadd.s32 $0xFFFFD800  }
0x66: {  	[spmem:s2] =	stream.indirect.scatter.add.f32 [tilespmem:s19], [sflag:$0x2], $0x80, s21, s22, $0xb8;
	[tilespmem:$0x161C0] =	vst v63  }
0x67: {  	_ =	swait.ge [sflag:s20], $0x2800  }
0x68: {  	s26 =	smov.u32 s30;
	[sflag:s20] =	ssyncset.done $0x0  }
0x69: {  	s26 =	sadd.s32 s25, s18;
	[sflag:s20] =	ssyncadd.s32 $0xFFFFD800  }
0x6a: {  	[tilespmem:s3], [sflag:$0x2] =	stream.linear.gather [hbm4b:s26+s3], $0x50, $0x38;
	[tilespmem:$0x161C0] =	vst v63  }
0x6b: {  	_ =	swait.ge [sflag:s20], $0x50  }
0x6c: {  	[sflag:s20] =	ssyncset.done $0x0  }
0x6d: {  	s29 =	sadd.s32 s25, s17;
	[sflag:s20] =	ssyncadd.s32 $0xFFFFFFB0  }
0x6e: {  	[tilespmem:s21], [sflag:$0x2] =	stream.linear.gather [hbm4b:s29+s3], $0x50, $0x38;
	[tilespmem:$0x161C0] =	vst v63  }
0x6f: {  	_ =	swait.ge [sflag:s20], $0x50  }
0x70: {  	[sflag:s20] =	ssyncset.done $0x0  }
0x71: {  	[sflag:s20] =	ssyncadd.s32 $0xFFFFFFB0  }
0x72: {  	[tilespmem:s19], [sflag:$0x1] =	stream.indirect.gather [hbm4b:s4+s22], $0x80, s3, s22, $0xb8;
	[tilespmem:$0x161C0] =	vst v63  }
0x73: {  	_ =	swait.ge [sflag:s23], $0x2800  }
0x74: {  	[sflag:s23] =	ssyncset.done $0x0  }
0x75: {  	[sflag:s23] =	ssyncadd.s32 $0xFFFFD800  }
0x76: {  	[spmem:s2] =	stream.indirect.scatter.add.f32 [tilespmem:s19], [sflag:$0x2], $0x80, s21, s22, $0xb8;
	[tilespmem:$0x161C0] =	vst v63  }
0x77: {  	_ =	swait.ge [sflag:s20], $0x2800  }
0x78: {  	[sflag:s20] =	ssyncset.done $0x0  }
0x79: {  	s30 =	sshll.u32 s1, $0x6;
	[sflag:s20] =	ssyncadd.s32 $0xFFFFD800  }
0x7a: {  	s31 =	sshrl.u32 s5, $0x3;
	s25 =	sor.u32 $0x1C02, s30;
	[bflag:$0x0] =	sbarrier.arrive $0xFFFF  }
0x7b: {  	[hbm:s14], [sflag:s25] =	dma.local [spmem:s31], $0x2700  }
0x7c: {  	_ =	swait.ge [sflag:s20], $0x2700  }
0x7d: {  	s24 =	sadd.s32 $0x1, s24;
	[sflag:s20] =	ssyncset.done $0x0  }
0x7e: {  	s26 =	sshrl.u32 @!p0 s13, $0x3;
	p1 =	sne.s32 s24, s16;
	[sflag:s20] =	ssyncadd.s32 $0xFFFFD900  }
0x7f: {  	[hbm:s15], [sflag:s25] =	dma.local @!p0 [spmem:s26], $0x100  }
.Ltmp2:
0x80: {  	_ = 	snop;
	(pc) =	sbr.rel @p1 .LBB2_1-.Ltmp2, $4  }
0x81: {  	s25 =	simm.s32 @!p0 $0x2  }
0x82: {  	_ =	swait.ge @!p0 [sflag:s25], $0x100  }
0x83: {  	[sflag:s25] =	ssyncset.done @!p0 $0x0  }
0x84: {  	[sflag:s25] =	ssyncadd.s32 @!p0 $0xFFFFFF00  }
0x85: {  	_ =	sfence.sel $0x180000  }
0x86: {  	[bflag:$0x0] =	sbarrier.arrive $0xFFFF  }
0x87: {  	_ =	strace $0x90000047  }
0x88: {  	s0 =	sadd.s32 @!p0 $0x100000, s0;
	[bflag:$0x2] =	sbarrier.arrive $0xFFFF  }
0x89: {  	[sflag:s0] =	ssyncadd.tile.s32 @!p0 $0x1;
	_ =	shalt  }
.Lfunc_end2:
_tile_overlayer_lowered:
.L_overlay_start_2:
0x8a: {  	(tag) =	ssettag $0x2  }
0x8b: {  	s0 =	rddreg [dreg:$0x0];
	s2 =	stileid.u32  }
0x8c: {  	s1 =	rddreg [dreg:$0x1];
	p0 =	sne.s32 s2, $0x0  }
0x8d: {  	s3 =	rddreg [dreg:$0x2];
	[bflag:$0x3] =	sbarrier.arrive $0xFFFF;
	s2 =	simm.s32 @!p0 $0x1C02  }
0x8e: {  	[timem:s3], [sflag:s2] =	dma.local @!p0 [hbm:s0], s1  }
0x8f: {  	s0 =	simm.s32 @!p0 $0x2  }
0x90: {  	_ =	swait.ge @!p0 [sflag:s0], s1  }
0x91: {  	s1 =	ssub.s32 @!p0 $0x0, s1;
	[sflag:s0] =	ssyncset.done @!p0 $0x0  }
0x92: {  	[sflag:s0] =	ssyncadd.s32 @!p0 s1  }
0x93: {  	[bflag:$0x3] =	sbarrier.arrive $0xFFFF  }
0x94: {  	_ =	shalt  }

// kernel: kernel.16.cloned.1.call-start
scs
__scs_entry_jumppad:
0x0: {  	(pc) =	sbr.rel $0x88, $3  }
0x1: {  	(tag) =	ssettag $0x0;
	lr =	simm.s32 $0x1  }
0x2: {  	[smem:$0x3F91] =	sst lr;
	_ =	strace $0xD0000000  }
0x3: {  	_ = 	snop  }
0x4: {  	_ = 	snop  }
0x5: {  	_ = 	snop  }
0x6: {  	_ = 	snop  }
0x7: {  	_ = 	snop  }
__scs_overlays_trampoline_lowered:
0x8: {  	[smem:$0x3FA0] =	sst s0  }
0x9: {  	[smem:$0x3FA1] =	sst s1  }
0xa: {  	[smem:$0x3FA2] =	sst s2  }
0xb: {  	[smem:$0x3FA3] =	sst s3  }
0xc: {  	[smem:$0x3FA4] =	sst s4  }
0xd: {  	[smem:$0x3FA5] =	sst s5  }
0xe: {  	[smem:$0x3FA6] =	sst s6  }
0xf: {  	[smem:$0x3FA7] =	sst s7  }
0x10: {  	[smem:$0x3FA8] =	sst s8  }
0x11: {  	[smem:$0x3FA9] =	sst s9;
	s0 =	simm.s32 @!p0 $0x0  }
0x12: {  	s1 =	sld [smem:$0x3F8F];
	s0 =	simm.s32 @p0 $0x1  }
0x13: {  	[smem:$0x3FAA] =	sst s0;
	s0 =	simm.s32 @!p1 $0x0  }
0x14: {  	s2 =	sld [smem:$0x3F8E];
	s0 =	simm.s32 @p1 $0x1  }
0x15: {  	[smem:$0x3FAB] =	sst s0;
	s0 =	simm.s32 @!p2 $0x0  }
0x16: {  	s3 =	sld [smem:$0x3FDB];
	s0 =	simm.s32 @p2 $0x1  }
0x17: {  	s4 =	simm.s32 $0x1BF5;
	[smem:$0x3FAD] =	sst s0  }
0x18: {  	s0 =	sld [smem:$0x3F90];
	_ =	swait.ge [sflag:s4], $0x0  }
0x19: {  	s7 =	sld [smem:$0x3F91]  }
0x1a: {  	s8 =	sadd.s32 $0xFFFFE003, lr  }
0x1b: {  	s9 =	sadd.s32 $0xFFFFFEF7, lr;
	s5 =	simm.s32 $0xFFFFFFFF;
	p2 =	slt.u32 s8, $0xFFFFF086  }
0x1c: {  	p1 =	slt.u32 s9, $0xF7A;
	s5 =	simm.s32 @!p2 $0x0  }
0x1d: {  	s5 =	simm.s32 @p1 $0x1;
	p0 =	seq.s32 s7, s2  }
0x1e: {  	s7 =	smul.u32 @!p0 $0xF7A, s2;
	p2 =	seq.s32 @!p0 s5, $0x0  }
0x1f: {  	s9 =	smul.u32 $0xF7A, s1;
	s8 =	simm.s32 @!p0 $0x1BF5;
	p2 =	por !p2, p0  }
0x20: {  	[sflag:s8] =	ssyncset.s32 @!p0 $0xFFFFF086;
	s6 =	sadd.s32 @!p0 s3, s7;
	s7 =	simm.s32 @!p0 $0x108  }
0x21: {  	s3 =	sadd.s32 s3, s9;
	s6 =	sadd.s32 @!p0 $0x88, s6;
	s7 =	simm.s32 @p2 $0x1082  }
0x22: {  	[simem:s7], [sflag:s8] =	dma.local @!p0 [hbm:s6], $0xF7A  }
0x23: {  	s9 =	sor.u32 $0xD0000000, s2;
	s6 =	simm.s32 $0x108;
	_ =	swait.ge @!p0 [sflag:s8], $0x0  }
0x24: {  	s3 =	sadd.s32 $0x88, s3;
	s6 =	simm.s32 @!p1 $0x1082;
	[sflag:s4] =	ssyncset.s32 $0xFFFFF086  }
0x25: {  	[simem:s6], [sflag:s4] =	dma.local [hbm:s3], $0xF7A  }
0x26: {  	[smem:$0x3F91] =	sst s1;
	(tag) =	ssettag s2;
	_ =	strace s9  }
0x27: {  	s1 =	sld [smem:$0x3FA1]  }
0x28: {  	s2 =	sld [smem:$0x3FA2]  }
0x29: {  	s4 =	sld [smem:$0x3FA4]  }
0x2a: {  	p0 =	seq.s32 s5, $0x0;
	s5 =	sld [smem:$0x3FA5]  }
0x2b: {  	s6 =	sld [smem:$0x3FA6]  }
0x2c: {  	s7 =	sld [smem:$0x3FA7]  }
0x2d: {  	s3 =	simm.s32 $0x108;
	s8 =	sld [smem:$0x3FA8]  }
0x2e: {  	s3 =	simm.s32 @!p0 $0x1082;
	s9 =	sld [smem:$0x3FA9]  }
0x2f: {  	lr =	sadd.s32 s0, s3;
	s0 =	sld [smem:$0x3FA0]  }
0x30: {  	s3 =	sld [smem:$0x3FA3]  }
0x31: {  	[smem:$0x3FAC] =	sst s10  }
0x32: {  	s10 =	sld [smem:$0x3FAA];
	_ =	sdelay $0x3  }
0x33: {  	p0 =	seq.s32 s10, $0x1;
	s10 =	sld [smem:$0x3FAC];
	_ =	sdelay $0x3  }
0x34: {  	[smem:$0x3FAC] =	sst s10  }
0x35: {  	s10 =	sld [smem:$0x3FAB];
	_ =	sdelay $0x3  }
0x36: {  	p1 =	seq.s32 s10, $0x1;
	s10 =	sld [smem:$0x3FAC];
	_ =	sdelay $0x3  }
0x37: {  	[smem:$0x3FAC] =	sst s10  }
0x38: {  	s10 =	sld [smem:$0x3FAD]  }
0x39: {  	_ = 	snop;
	(pc) =	sbr.ind lr, $3  }
0x3a: {  	_ = 	snop  }
0x3b: {  	_ = 	snop  }
0x3c: {  	p2 =	seq.s32 s10, $0x1;
	s10 =	sld [smem:$0x3FAC]  }
0x3d: {  	_ =	shalt  }
0x3e: {  	_ =	shalt  }
0x3f: {  	_ =	shalt  }
0x40: {  	_ =	shalt  }
0x41: {  	_ =	shalt  }
0x42: {  	_ =	shalt  }
0x43: {  	_ =	shalt  }
0x44: {  	_ =	shalt  }
0x45: {  	_ =	shalt  }
0x46: {  	_ =	shalt  }
0x47: {  	_ =	shalt  }
0x48: {  	_ =	shalt  }
0x49: {  	_ =	shalt  }
0x4a: {  	_ =	shalt  }
0x4b: {  	_ =	shalt  }
0x4c: {  	_ =	shalt  }
0x4d: {  	_ =	shalt  }
0x4e: {  	_ =	shalt  }
0x4f: {  	_ =	shalt  }
0x50: {  	_ =	shalt  }
0x51: {  	_ =	shalt  }
0x52: {  	_ =	shalt  }
0x53: {  	_ =	shalt  }
0x54: {  	_ =	shalt  }
0x55: {  	_ =	shalt  }
0x56: {  	_ =	shalt  }
0x57: {  	_ =	shalt  }
0x58: {  	_ =	shalt  }
0x59: {  	_ =	shalt  }
0x5a: {  	_ =	shalt  }
0x5b: {  	_ =	shalt  }
0x5c: {  	_ =	shalt  }
0x5d: {  	_ =	shalt  }
0x5e: {  	_ =	shalt  }
0x5f: {  	_ =	shalt  }
0x60: {  	_ =	shalt  }
0x61: {  	_ =	shalt  }
0x62: {  	_ =	shalt  }
0x63: {  	_ =	shalt  }
0x64: {  	_ =	shalt  }
0x65: {  	_ =	shalt  }
0x66: {  	_ =	shalt  }
0x67: {  	_ =	shalt  }
0x68: {  	_ =	shalt  }
0x69: {  	_ =	shalt  }
0x6a: {  	_ =	shalt  }
0x6b: {  	_ =	shalt  }
0x6c: {  	_ =	shalt  }
0x6d: {  	_ =	shalt  }
0x6e: {  	_ =	shalt  }
0x6f: {  	_ =	shalt  }
0x70: {  	_ =	shalt  }
0x71: {  	_ =	shalt  }
0x72: {  	_ =	shalt  }
0x73: {  	_ =	shalt  }
0x74: {  	_ =	shalt  }
0x75: {  	_ =	shalt  }
0x76: {  	_ =	shalt  }
0x77: {  	_ =	shalt  }
0x78: {  	_ =	shalt  }
0x79: {  	_ =	shalt  }
0x7a: {  	_ =	shalt  }
0x7b: {  	_ =	shalt  }
0x7c: {  	_ =	shalt  }
0x7d: {  	_ =	shalt  }
0x7e: {  	_ =	shalt  }
0x7f: {  	_ =	shalt  }
0x80: {  	_ =	shalt  }
0x81: {  	_ =	shalt  }
0x82: {  	_ =	shalt  }
0x83: {  	_ =	shalt  }
0x84: {  	_ =	shalt  }
0x85: {  	_ =	shalt  }
0x86: {  	_ =	shalt  }
0x87: {  	_ =	shalt  }
.Lfunc_end0:
.L_simem_size_0:
called_computation.1_lowered:
.L_overlay_start_0:
0x88: {  	s2 =	sld [smem:$0x3FD9]  }
0x89: {  	s3 =	sld [smem:$0x3FFE];
	_ =	sdelay $0x1  }
0x8a: {  	s1 =	srdreg.scid  }
0x8b: {  	s0 =	sand.u32 $0x1, s1  }
0x8c: {  	s17 =	sshll.u32 s0, $0xA;
	s2 =	sadd.s32 s3, s2  }
0x8d: {  	s2 =	sadd.s32 s2, s17  }
0x8e: {  	[smem:$0x3FB8] =	sst s2  }
0x8f: {  	_ = 	snop  }
0x90: {  	s2 =	sld [smem:$0x3FD0];
	(tm) =	ssettm $0x1  }
0x91: {  	s18 =	sld [smem:$0x3FFB];
	_ =	sdelay $0x3  }
0x92: {  	_ =	strace s18  }
0x93: {  	s3 =	sld [smem:$0x3FFC];
	_ =	sdelay $0x3  }
0x94: {  	_ =	strace s3  }
0x95: {  	s3 =	sld [smem:$0x3FFD];
	_ =	sdelay $0x3  }
0x96: {  	_ =	strace s3  }
0x97: {  	_ =	strace $0x8FFFFFFF  }
0x98: {  	s19 =	sld [smem:$0x3FDB];
	_ =	sdelay $0x1  }
0x99: {  	s4 =	simm.s32 $_scs_section_size  }
0x9a: {  	s5 =	simm.s32 $_size__tile_overlayer_lowered;
	s6 =	simm.s32 $_tile_overlayer_lowered  }
0x9b: {  	s22 =	simm.s32 $0x1BFF;
	s21 =	sshll.u32 s6, $0x1;
	s3 =	sadd.s32 s4, s19  }
0x9c: {  	s7 =	simm.s32 $0x0;
	s20 =	sshll.u32 s5, $0x1;
	s5 =	sadd.s32 s21, s3  }
0x9d: {  	[timem:s7], [sflag:s22] =	dma.local [hbm:s5], s20  }
0x9e: {  	_ =	swait.ge [sflag:s22], s20  }
0x9f: {  	s4 =	ssub.s32 $0x0, s20;
	[sflag:s22] =	ssyncset.done $0x0  }
0xa0: {  	[sflag:s22] =	ssyncadd.s32 s4;
	_ =	sdelay $0x1  }
0xa1: {  	s23 =	simm.s32 $0x1B8B  }
0xa2: {  	_ =	swait.ge [sflag:s23], $0x1  }
0xa3: {  	[sflag:s23] =	ssyncset.done $0x0  }
0xa4: {  	s25 =	simm.s32 $0x1B8E;
	s24 =	sld [smem:$0x3FFE];
	[sflag:s23] =	ssyncadd.s32 $0xFFFFFFFF  }
0xa5: {  	s26 =	simm.s32 $execute0_lowered;
	[smem:$0x3FD2] =	sst s25  }
0xa6: {  	s5 =	sshll.u32 s26, $0x1;
	_ =	strace $0x80000049;
	[dreg:$0x1] =	wrdreg $0xFFFFFFFF  }
0xa7: {  	s28 =	simm.s32 $_size_execute0_lowered;
	s3 =	sadd.s32 s3, s5;
	[dreg:$0x0] =	wrdreg $0x0  }
0xa8: {  	s5 =	sshll.u32 s28, $0x1;
	[dreg:$0x2] =	wrdreg s3  }
0xa9: {  	[dreg:$0x3] =	wrdreg s5  }
0xaa: {  	[dreg:$0x4] =	wrdreg $0xC0  }
0xab: {  	_ =	task [dreg:s7], $0x5FFFF  }
0xac: {  	[dreg:$0x1] =	wrdreg $0xFFFFFFFF  }
0xad: {  	[dreg:$0x0] =	wrdreg $0x60  }
0xae: {  	[dreg:$0x2] =	wrdreg s24  }
0xaf: {  	[dreg:$0x3] =	wrdreg s2  }
0xb0: {  	[dreg:$0x4] =	wrdreg $0x29000  }
0xb1: {  	[dreg:$0x5] =	wrdreg $0x9  }
0xb2: {  	_ =	task.clear_ibuf [dreg:s7], $0x6FFFF;
	_ =	strace $0x90000049  }
0xb3: {  	s29 =	simm.s32 $0x9;
	_ =	strace $0x8000004B  }
0xb4: {  	_ =	swait.ge [sflag:s29], $0x1  }
0xb5: {  	[sflag:s29] =	ssyncadd.s32 $0xFFFFFFFF  }
0xb6: {  	_ =	strace $0x9000004B  }
0xb7: {  	_ =	sfence  }
0xb8: {  	s30 =	sld [smem:$0x0];
	_ =	sdelay $0x2  }
0xb9: {  	s31 =	sshll.u32 s1, $0xD;
	s1 =	sshrl.u32 s1, $0x2  }
0xba: {  	s3 =	sand.u32 $0x4000, s31;
	s1 =	sadd.s32 s1, s30  }
0xbb: {  	s0 =	sor.u32 s3, s0;
	s1 =	sshll.u32 s1, $0x11  }
0xbc: {  	s0 =	sor.u32 s1, s0  }
0xbd: {  	s0 =	sadd.s32 $0x8F2B, s0  }
0xbe: {  	[sflag:s0] =	ssyncadd.remote.s32 $0x1  }
0xbf: {  	_ =	sfence.sel $0xFFFF  }
0xc0: {  	[dreg:$0x0] =	wrdreg $0xFFFFFFFF;
	(pc) =	sbr.abs _section_cstart, $3  }
0xc1: {  	[dreg:$0x1] =	wrdreg $0xFFFFFFFF  }
0xc2: {  	_ =	task.clear_ibuf [dreg:s7], $0x2FFFF;
	_ =	strace $0x9FFFFFFF  }
0xc3: {  	(tm) =	ssettm $0x7FFFFFFF  }
tec
execute0_lowered:
.L_overlay_start_1:
0x0: {  	(tag) =	ssettag $0x1  }
0x1: {  	s5 =	rddreg [dreg:$0x0]  }
0x2: {  	s18 =	rddreg [dreg:$0x1]  }
0x3: {  	s1 =	rddreg [dreg:$0x2]  }
0x4: {  	s0 =	rddreg [dreg:$0x3];
	s3 =	stileid.u32  }
0x5: {  	s2 =	simm.s32 $0x0;
	s7 =	srdreg.scid;
	s6 =	smul.u32 $0x9C4, s3  }
0x6: {  	s23 =	simm.s32 $0x1;
	s24 =	simm.s32 $0x0;
	s8 =	smul.u32 $0x4E000, s3  }
0x7: {  	[smem:$0x7FF] =	sst s2;
	s4 =	sadd.s32 $0xDC00, s5;
	s14 =	smul.u32 $0x2700, s3  }
0x8: {  	s11 =	sand.u32 $0x1, s7;
	s15 =	sadd.s32 $0x5BE00, s5;
	s22 =	smul.u32 $0x4E20, s3  }
0x9: {  	s13 =	sadd.s32 $0x138000, s1;
	p0 =	sne.s32 s3, $0x0;
	s19 =	smul.u32 $0x4E200, s11  }
0xa: {  	_ =	strace $0x8000004A;
	s28 =	ssub.s32 $0x2, s11;
	s20 =	smul.u32 $0x27100, s11  }
0xb: {  	s21 =	smul.u32 $0x138800, s11;
	s29 =	sshrl.u32 s8, $0x2;
	s30 =	sshrl.u32 s28, $0x1  }
0xc: {  	s17 =	sadd.s32 s6, s5;
	s5 =	sadd.s32 s29, s1;
	s16 =	ssub.s32 s28, s30  }
0xd: {  	s14 =	sadd.s32 s14, s20;
	s31 =	sshrl.u32 s21, $0x3;
	s19 =	sadd.s32 s22, s19  }
0xe: {  	s17 =	sadd.s32 $0x3E00, s17;
	s20 =	simm.s32 $0x2;
	s21 =	simm.s32 $0x80  }
0xf: {  	s22 =	simm.s32 $0x50;
	s6 =	sadd.s32 $0x2800, s5;
	s7 =	sadd.s32 $0x5000, s5  }
0x10: {  	s8 =	sadd.s32 $0x7800, s5;
	s9 =	sadd.s32 $0xA000, s5;
	s10 =	sadd.s32 $0xC800, s5  }
0x11: {  	s11 =	sadd.s32 $0xF000, s5;
	s12 =	sadd.s32 $0x11800, s5;
	s14 =	sadd.s32 s15, s14  }
0x12: {  	s15 =	sadd.s32 s15, s31;
	s16 =	smax.u32 s16, $0x1;
	s19 =	sshrl.u32 s19, $0x3  }
0x13: {  	v0 =	vimm.f32 $0.0e+00;
	s15 =	sadd.s32 $0x27000, s15;
	s18 =	sadd.s32 s19, s18;
	s19 =	simm.s32 $0x100  }
.LBB2_1:
0x14: {  	s25 =	simm.s32 $0x0;
	s26 =	simm.s32 $0x200  }
.LBB2_2:
0x15: {  	p1 =	sne.s32 s26, $0x9E00;
	[tilespmem:s25+$0x170] =	vst v0  }
0x16: {  	[tilespmem:s25+$0x100] =	vst v0  }
0x17: {  	[tilespmem:s25+$0x110] =	vst v0  }
.Ltmp0:
0x18: {  	[tilespmem:s25+$0x120] =	vst v0;
	(pc) =	sbr.rel @p1 .LBB2_2-.Ltmp0, $4  }
0x19: {  	[tilespmem:s25+$0x130] =	vst v0  }
0x1a: {  	[tilespmem:s25+$0x140] =	vst v0  }
0x1b: {  	[tilespmem:s25+$0x150] =	vst v0  }
0x1c: {  	[tilespmem:s25+$0x160] =	vst v0;
	s25 =	sshra.s32 s26, $0x2;
	s26 =	sadd.s32 $0x200, s26  }
0x1d: {  	[tilespmem:s25+$0x170] =	vst v0  }
0x1e: {  	[tilespmem:s25+$0x100] =	vst v0  }
0x1f: {  	[tilespmem:s25+$0x110] =	vst v0  }
0x20: {  	[tilespmem:s25+$0x120] =	vst v0  }
0x21: {  	[tilespmem:s25+$0x130] =	vst v0  }
0x22: {  	[tilespmem:s25+$0x140] =	vst v0  }
0x23: {  	[tilespmem:s25+$0x150] =	vst v0  }
0x24: {  	[tilespmem:s25+$0x160] =	vst v0  }
0x25: {  	[spmem:s5] =	stream.linear.scatter [tilespmem:s19], [sflag:$0x2], $0x2800, $0x38;
	[tilespmem:$0x161C0] =	vst v63  }
0x26: {  	_ =	swait.ge [sflag:s20], $0x2800  }
0x27: {  	[sflag:s20] =	ssyncset.done $0x0  }
0x28: {  	[sflag:s20] =	ssyncadd.s32 $0xFFFFD800  }
0x29: {  	[spmem:s6] =	stream.linear.scatter [tilespmem:s19], [sflag:$0x2], $0x2800, $0x38;
	[tilespmem:$0x161C0] =	vst v63  }
0x2a: {  	_ =	swait.ge [sflag:s20], $0x2800  }
0x2b: {  	[sflag:s20] =	ssyncset.done $0x0  }
0x2c: {  	[sflag:s20] =	ssyncadd.s32 $0xFFFFD800  }
0x2d: {  	[spmem:s7] =	stream.linear.scatter [tilespmem:s19], [sflag:$0x2], $0x2800, $0x38;
	[tilespmem:$0x161C0] =	vst v63  }
0x2e: {  	_ =	swait.ge [sflag:s20], $0x2800  }
0x2f: {  	[sflag:s20] =	ssyncset.done $0x0  }
0x30: {  	[sflag:s20] =	ssyncadd.s32 $0xFFFFD800  }
0x31: {  	[spmem:s8] =	stream.linear.scatter [tilespmem:s19], [sflag:$0x2], $0x2800, $0x38;
	[tilespmem:$0x161C0] =	vst v63  }
0x32: {  	_ =	swait.ge [sflag:s20], $0x2800  }
0x33: {  	[sflag:s20] =	ssyncset.done $0x0  }
0x34: {  	[sflag:s20] =	ssyncadd.s32 $0xFFFFD800  }
0x35: {  	[spmem:s9] =	stream.linear.scatter [tilespmem:s19], [sflag:$0x2], $0x2800, $0x38;
	[tilespmem:$0x161C0] =	vst v63  }
0x36: {  	_ =	swait.ge [sflag:s20], $0x2800  }
0x37: {  	[sflag:s20] =	ssyncset.done $0x0  }
0x38: {  	[sflag:s20] =	ssyncadd.s32 $0xFFFFD800  }
0x39: {  	[spmem:s10] =	stream.linear.scatter [tilespmem:s19], [sflag:$0x2], $0x2800, $0x38;
	[tilespmem:$0x161C0] =	vst v63  }
0x3a: {  	_ =	swait.ge [sflag:s20], $0x2800  }
0x3b: {  	[sflag:s20] =	ssyncset.done $0x0  }
0x3c: {  	[sflag:s20] =	ssyncadd.s32 $0xFFFFD800  }
0x3d: {  	[spmem:s11] =	stream.linear.scatter [tilespmem:s19], [sflag:$0x2], $0x2800, $0x38;
	[tilespmem:$0x161C0] =	vst v63  }
0x3e: {  	_ =	swait.ge [sflag:s20], $0x2800  }
0x3f: {  	[sflag:s20] =	ssyncset.done $0x0  }
0x40: {  	[sflag:s20] =	ssyncadd.s32 $0xFFFFD800  }
0x41: {  	[spmem:s12] =	stream.linear.scatter [tilespmem:s19], [sflag:$0x2], $0x2000, $0x38;
	[tilespmem:$0x161C0] =	vst v63  }
0x42: {  	_ =	swait.ge [sflag:s20], $0x2000  }
0x43: {  	[sflag:s20] =	ssyncset.done $0x0  }
0x44: {  	s25 =	simm.s32 @!p0 $0x100;
	[sflag:s20] =	ssyncadd.s32 $0xFFFFE000  }
0x45: {  	[spmem:s13] =	stream.linear.scatter @!p0 [tilespmem:s25], [sflag:$0x2], $0xC00, $0x38;
	[tilespmem:$0x161C0] =	vst v63  }
0x46: {  	s25 =	simm.s32 @!p0 $0x2  }
0x47: {  	_ =	swait.ge @!p0 [sflag:s25], $0xC00  }
0x48: {  	[sflag:s25] =	ssyncset.done @!p0 $0x0  }
0x49: {  	[sflag:s25] =	ssyncadd.s32 @!p0 $0xFFFFF400  }
0x4a: {  	s30 =	sadd.s32 $0x0, s18;
	[bflag:$0x0] =	sbarrier.arrive $0xFFFF  }
0x4b: {  	[tilespmem:s2], [sflag:$0x2] =	stream.linear.gather [hbm4b:s30+s2], $0x50, $0x38;
	[tilespmem:$0x161C0] =	vst v63  }
0x4c: {  	_ =	swait.ge [sflag:s20], $0x50  }
0x4d: {  	[sflag:s20] =	ssyncset.done $0x0  }
0x4e: {  	s31 =	sadd.s32 $0x0, s17;
	[sflag:s20] =	ssyncadd.s32 $0xFFFFFFB0  }
0x4f: {  	[tilespmem:s21], [sflag:$0x2] =	stream.linear.gather [hbm4b:s31+s2], $0x50, $0x38;
	[tilespmem:$0x161C0] =	vst v63  }
0x50: {  	_ =	swait.ge [sflag:s20], $0x50  }
0x51: {  	[sflag:s20] =	ssyncset.done $0x0  }
0x52: {  	[sflag:s20] =	ssyncadd.s32 $0xFFFFFFB0  }
0x53: {  	[tilespmem:s19], [sflag:$0x1] =	stream.indirect.gather [hbm4b:s4+s22], $0x80, s2, s22, $0xb8;
	[tilespmem:$0x161C0] =	vst v63  }
0x54: {  	_ =	swait.ge [sflag:s23], $0x2800  }
0x55: {  	[sflag:s23] =	ssyncset.done $0x0  }
0x56: {  	[sflag:s23] =	ssyncadd.s32 $0xFFFFD800  }
0x57: {  	[spmem:s1] =	stream.indirect.scatter.add.f32 [tilespmem:s19], [sflag:$0x2], $0x80, s21, s22, $0xb8;
	[tilespmem:$0x161C0] =	vst v63  }
0x58: {  	_ =	swait.ge [sflag:s20], $0x2800  }
0x59: {  	s26 =	simm.s32 $0x14;
	s25 =	simm.s32 $0xA;
	[sflag:s20] =	ssyncset.done $0x0  }
.LBB2_4:
0x5a: {  	s28 =	sadd.s32 s25, s18  }
0x5b: {  	[sflag:s20] =	ssyncadd.s32 $0xFFFFD800;
	s29 =	smov.u32 s26;
	s30 =	sadd.s32 $0xA, s26  }
0x5c: {  	[tilespmem:s2], [sflag:$0x2] =	stream.linear.gather [hbm4b:s28+s2], $0x50, $0x38;
	[tilespmem:$0x161C0] =	vst v63  }
0x5d: {  	p1 =	sne.s32 s26, $0x9BA;
	_ =	swait.ge [sflag:s20], $0x50  }
0x5e: {  	[sflag:s20] =	ssyncset.done $0x0  }
0x5f: {  	s26 =	sadd.s32 s25, s17;
	s25 =	smov.u32 s29;
	[sflag:s20] =	ssyncadd.s32 $0xFFFFFFB0  }
0x60: {  	[tilespmem:s21], [sflag:$0x2] =	stream.linear.gather [hbm4b:s26+s2], $0x50, $0x38;
	[tilespmem:$0x161C0] =	vst v63  }
0x61: {  	_ =	swait.ge [sflag:s20], $0x50  }
0x62: {  	[sflag:s20] =	ssyncset.done $0x0  }
0x63: {  	[sflag:s20] =	ssyncadd.s32 $0xFFFFFFB0  }
0x64: {  	[tilespmem:s19], [sflag:$0x1] =	stream.indirect.gather [hbm4b:s4+s22], $0x80, s2, s22, $0xb8;
	[tilespmem:$0x161C0] =	vst v63  }
0x65: {  	_ =	swait.ge [sflag:s23], $0x2800  }
.Ltmp1:
0x66: {  	[sflag:s23] =	ssyncset.done $0x0;
	(pc) =	sbr.rel @p1 .LBB2_4-.Ltmp1, $4  }
0x67: {  	[sflag:s23] =	ssyncadd.s32 $0xFFFFD800  }
0x68: {  	[spmem:s1] =	stream.indirect.scatter.add.f32 [tilespmem:s19], [sflag:$0x2], $0x80, s21, s22, $0xb8;
	[tilespmem:$0x161C0] =	vst v63  }
0x69: {  	_ =	swait.ge [sflag:s20], $0x2800  }
0x6a: {  	s26 =	smov.u32 s30;
	[sflag:s20] =	ssyncset.done $0x0  }
0x6b: {  	s26 =	sadd.s32 s25, s18;
	[sflag:s20] =	ssyncadd.s32 $0xFFFFD800  }
0x6c: {  	[tilespmem:s2], [sflag:$0x2] =	stream.linear.gather [hbm4b:s26+s2], $0x50, $0x38;
	[tilespmem:$0x161C0] =	vst v63  }
0x6d: {  	_ =	swait.ge [sflag:s20], $0x50  }
0x6e: {  	[sflag:s20] =	ssyncset.done $0x0  }
0x6f: {  	s29 =	sadd.s32 s25, s17;
	[sflag:s20] =	ssyncadd.s32 $0xFFFFFFB0  }
0x70: {  	[tilespmem:s21], [sflag:$0x2] =	stream.linear.gather [hbm4b:s29+s2], $0x50, $0x38;
	[tilespmem:$0x161C0] =	vst v63  }
0x71: {  	_ =	swait.ge [sflag:s20], $0x50  }
0x72: {  	[sflag:s20] =	ssyncset.done $0x0  }
0x73: {  	[sflag:s20] =	ssyncadd.s32 $0xFFFFFFB0  }
0x74: {  	[tilespmem:s19], [sflag:$0x1] =	stream.indirect.gather [hbm4b:s4+s22], $0x80, s2, s22, $0xb8;
	[tilespmem:$0x161C0] =	vst v63  }
0x75: {  	_ =	swait.ge [sflag:s23], $0x2800  }
0x76: {  	[sflag:s23] =	ssyncset.done $0x0  }
0x77: {  	[sflag:s23] =	ssyncadd.s32 $0xFFFFD800  }
0x78: {  	[spmem:s1] =	stream.indirect.scatter.add.f32 [tilespmem:s19], [sflag:$0x2], $0x80, s21, s22, $0xb8;
	[tilespmem:$0x161C0] =	vst v63  }
0x79: {  	_ =	swait.ge [sflag:s20], $0x2800  }
0x7a: {  	[sflag:s20] =	ssyncset.done $0x0  }
0x7b: {  	s30 =	sshll.u32 s3, $0x6;
	[sflag:s20] =	ssyncadd.s32 $0xFFFFD800  }
0x7c: {  	s31 =	sshrl.u32 s5, $0x3;
	s25 =	sor.u32 $0x1C02, s30;
	[bflag:$0x0] =	sbarrier.arrive $0xFFFF  }
0x7d: {  	[hbm:s14], [sflag:s25] =	dma.local [spmem:s31], $0x2700  }
0x7e: {  	_ =	swait.ge [sflag:s20], $0x2700  }
0x7f: {  	s24 =	sadd.s32 $0x1, s24;
	[sflag:s20] =	ssyncset.done $0x0  }
0x80: {  	s26 =	sshrl.u32 @!p0 s13, $0x3;
	p1 =	sne.s32 s24, s16;
	[sflag:s20] =	ssyncadd.s32 $0xFFFFD900  }
0x81: {  	[hbm:s15], [sflag:s25] =	dma.local @!p0 [spmem:s26], $0x100  }
.Ltmp2:
0x82: {  	_ = 	snop;
	(pc) =	sbr.rel @p1 .LBB2_1-.Ltmp2, $4  }
0x83: {  	s25 =	simm.s32 @!p0 $0x2  }
0x84: {  	_ =	swait.ge @!p0 [sflag:s25], $0x100  }
0x85: {  	[sflag:s25] =	ssyncset.done @!p0 $0x0  }
0x86: {  	[sflag:s25] =	ssyncadd.s32 @!p0 $0xFFFFFF00  }
0x87: {  	_ =	sfence.sel $0x180000  }
0x88: {  	[bflag:$0x0] =	sbarrier.arrive $0xFFFF  }
0x89: {  	_ =	strace $0x9000004A  }
0x8a: {  	s0 =	sadd.s32 @!p0 $0x100000, s0;
	[bflag:$0x2] =	sbarrier.arrive $0xFFFF  }
0x8b: {  	[sflag:s0] =	ssyncadd.tile.s32 @!p0 $0x1;
	_ =	shalt  }
.Lfunc_end2:
_tile_overlayer_lowered:
.L_overlay_start_2:
0x8c: {  	(tag) =	ssettag $0x2  }
0x8d: {  	s0 =	rddreg [dreg:$0x0];
	s2 =	stileid.u32  }
0x8e: {  	s1 =	rddreg [dreg:$0x1];
	p0 =	sne.s32 s2, $0x0  }
0x8f: {  	s3 =	rddreg [dreg:$0x2];
	[bflag:$0x3] =	sbarrier.arrive $0xFFFF;
	s2 =	simm.s32 @!p0 $0x1C02  }
0x90: {  	[timem:s3], [sflag:s2] =	dma.local @!p0 [hbm:s0], s1  }
0x91: {  	s0 =	simm.s32 @!p0 $0x2  }
0x92: {  	_ =	swait.ge @!p0 [sflag:s0], s1  }
0x93: {  	s1 =	ssub.s32 @!p0 $0x0, s1;
	[sflag:s0] =	ssyncset.done @!p0 $0x0  }
0x94: {  	[sflag:s0] =	ssyncadd.s32 @!p0 s1  }
0x95: {  	[bflag:$0x3] =	sbarrier.arrive $0xFFFF  }
0x96: {  	_ =	shalt  }

// kernel: kernel.19.cloned.1.call-start
scs
__scs_entry_jumppad:
0x0: {  	(pc) =	sbr.rel $0x88, $3  }
0x1: {  	(tag) =	ssettag $0x0;
	lr =	simm.s32 $0x1  }
0x2: {  	[smem:$0x3F91] =	sst lr;
	_ =	strace $0xD0000000  }
0x3: {  	_ = 	snop  }
0x4: {  	_ = 	snop  }
0x5: {  	_ = 	snop  }
0x6: {  	_ = 	snop  }
0x7: {  	_ = 	snop  }
__scs_overlays_trampoline_lowered:
0x8: {  	[smem:$0x3FA0] =	sst s0  }
0x9: {  	[smem:$0x3FA1] =	sst s1  }
0xa: {  	[smem:$0x3FA2] =	sst s2  }
0xb: {  	[smem:$0x3FA3] =	sst s3  }
0xc: {  	[smem:$0x3FA4] =	sst s4  }
0xd: {  	[smem:$0x3FA5] =	sst s5  }
0xe: {  	[smem:$0x3FA6] =	sst s6  }
0xf: {  	[smem:$0x3FA7] =	sst s7  }
0x10: {  	[smem:$0x3FA8] =	sst s8  }
0x11: {  	[smem:$0x3FA9] =	sst s9;
	s0 =	simm.s32 @!p0 $0x0  }
0x12: {  	s1 =	sld [smem:$0x3F8F];
	s0 =	simm.s32 @p0 $0x1  }
0x13: {  	[smem:$0x3FAA] =	sst s0;
	s0 =	simm.s32 @!p1 $0x0  }
0x14: {  	s2 =	sld [smem:$0x3F8E];
	s0 =	simm.s32 @p1 $0x1  }
0x15: {  	[smem:$0x3FAB] =	sst s0;
	s0 =	simm.s32 @!p2 $0x0  }
0x16: {  	s3 =	sld [smem:$0x3FDB];
	s0 =	simm.s32 @p2 $0x1  }
0x17: {  	s4 =	simm.s32 $0x1BF5;
	[smem:$0x3FAD] =	sst s0  }
0x18: {  	s0 =	sld [smem:$0x3F90];
	_ =	swait.ge [sflag:s4], $0x0  }
0x19: {  	s7 =	sld [smem:$0x3F91]  }
0x1a: {  	s8 =	sadd.s32 $0xFFFFE003, lr  }
0x1b: {  	s9 =	sadd.s32 $0xFFFFFEF7, lr;
	s5 =	simm.s32 $0xFFFFFFFF;
	p2 =	slt.u32 s8, $0xFFFFF086  }
0x1c: {  	p1 =	slt.u32 s9, $0xF7A;
	s5 =	simm.s32 @!p2 $0x0  }
0x1d: {  	s5 =	simm.s32 @p1 $0x1;
	p0 =	seq.s32 s7, s2  }
0x1e: {  	s7 =	smul.u32 @!p0 $0xF7A, s2;
	p2 =	seq.s32 @!p0 s5, $0x0  }
0x1f: {  	s9 =	smul.u32 $0xF7A, s1;
	s8 =	simm.s32 @!p0 $0x1BF5;
	p2 =	por !p2, p0  }
0x20: {  	[sflag:s8] =	ssyncset.s32 @!p0 $0xFFFFF086;
	s6 =	sadd.s32 @!p0 s3, s7;
	s7 =	simm.s32 @!p0 $0x108  }
0x21: {  	s3 =	sadd.s32 s3, s9;
	s6 =	sadd.s32 @!p0 $0x88, s6;
	s7 =	simm.s32 @p2 $0x1082  }
0x22: {  	[simem:s7], [sflag:s8] =	dma.local @!p0 [hbm:s6], $0xF7A  }
0x23: {  	s9 =	sor.u32 $0xD0000000, s2;
	s6 =	simm.s32 $0x108;
	_ =	swait.ge @!p0 [sflag:s8], $0x0  }
0x24: {  	s3 =	sadd.s32 $0x88, s3;
	s6 =	simm.s32 @!p1 $0x1082;
	[sflag:s4] =	ssyncset.s32 $0xFFFFF086  }
0x25: {  	[simem:s6], [sflag:s4] =	dma.local [hbm:s3], $0xF7A  }
0x26: {  	[smem:$0x3F91] =	sst s1;
	(tag) =	ssettag s2;
	_ =	strace s9  }
0x27: {  	s1 =	sld [smem:$0x3FA1]  }
0x28: {  	s2 =	sld [smem:$0x3FA2]  }
0x29: {  	s4 =	sld [smem:$0x3FA4]  }
0x2a: {  	p0 =	seq.s32 s5, $0x0;
	s5 =	sld [smem:$0x3FA5]  }
0x2b: {  	s6 =	sld [smem:$0x3FA6]  }
0x2c: {  	s7 =	sld [smem:$0x3FA7]  }
0x2d: {  	s3 =	simm.s32 $0x108;
	s8 =	sld [smem:$0x3FA8]  }
0x2e: {  	s3 =	simm.s32 @!p0 $0x1082;
	s9 =	sld [smem:$0x3FA9]  }
0x2f: {  	lr =	sadd.s32 s0, s3;
	s0 =	sld [smem:$0x3FA0]  }
0x30: {  	s3 =	sld [smem:$0x3FA3]  }
0x31: {  	[smem:$0x3FAC] =	sst s10  }
0x32: {  	s10 =	sld [smem:$0x3FAA];
	_ =	sdelay $0x3  }
0x33: {  	p0 =	seq.s32 s10, $0x1;
	s10 =	sld [smem:$0x3FAC];
	_ =	sdelay $0x3  }
0x34: {  	[smem:$0x3FAC] =	sst s10  }
0x35: {  	s10 =	sld [smem:$0x3FAB];
	_ =	sdelay $0x3  }
0x36: {  	p1 =	seq.s32 s10, $0x1;
	s10 =	sld [smem:$0x3FAC];
	_ =	sdelay $0x3  }
0x37: {  	[smem:$0x3FAC] =	sst s10  }
0x38: {  	s10 =	sld [smem:$0x3FAD]  }
0x39: {  	_ = 	snop;
	(pc) =	sbr.ind lr, $3  }
0x3a: {  	_ = 	snop  }
0x3b: {  	_ = 	snop  }
0x3c: {  	p2 =	seq.s32 s10, $0x1;
	s10 =	sld [smem:$0x3FAC]  }
0x3d: {  	_ =	shalt  }
0x3e: {  	_ =	shalt  }
0x3f: {  	_ =	shalt  }
0x40: {  	_ =	shalt  }
0x41: {  	_ =	shalt  }
0x42: {  	_ =	shalt  }
0x43: {  	_ =	shalt  }
0x44: {  	_ =	shalt  }
0x45: {  	_ =	shalt  }
0x46: {  	_ =	shalt  }
0x47: {  	_ =	shalt  }
0x48: {  	_ =	shalt  }
0x49: {  	_ =	shalt  }
0x4a: {  	_ =	shalt  }
0x4b: {  	_ =	shalt  }
0x4c: {  	_ =	shalt  }
0x4d: {  	_ =	shalt  }
0x4e: {  	_ =	shalt  }
0x4f: {  	_ =	shalt  }
0x50: {  	_ =	shalt  }
0x51: {  	_ =	shalt  }
0x52: {  	_ =	shalt  }
0x53: {  	_ =	shalt  }
0x54: {  	_ =	shalt  }
0x55: {  	_ =	shalt  }
0x56: {  	_ =	shalt  }
0x57: {  	_ =	shalt  }
0x58: {  	_ =	shalt  }
0x59: {  	_ =	shalt  }
0x5a: {  	_ =	shalt  }
0x5b: {  	_ =	shalt  }
0x5c: {  	_ =	shalt  }
0x5d: {  	_ =	shalt  }
0x5e: {  	_ =	shalt  }
0x5f: {  	_ =	shalt  }
0x60: {  	_ =	shalt  }
0x61: {  	_ =	shalt  }
0x62: {  	_ =	shalt  }
0x63: {  	_ =	shalt  }
0x64: {  	_ =	shalt  }
0x65: {  	_ =	shalt  }
0x66: {  	_ =	shalt  }
0x67: {  	_ =	shalt  }
0x68: {  	_ =	shalt  }
0x69: {  	_ =	shalt  }
0x6a: {  	_ =	shalt  }
0x6b: {  	_ =	shalt  }
0x6c: {  	_ =	shalt  }
0x6d: {  	_ =	shalt  }
0x6e: {  	_ =	shalt  }
0x6f: {  	_ =	shalt  }
0x70: {  	_ =	shalt  }
0x71: {  	_ =	shalt  }
0x72: {  	_ =	shalt  }
0x73: {  	_ =	shalt  }
0x74: {  	_ =	shalt  }
0x75: {  	_ =	shalt  }
0x76: {  	_ =	shalt  }
0x77: {  	_ =	shalt  }
0x78: {  	_ =	shalt  }
0x79: {  	_ =	shalt  }
0x7a: {  	_ =	shalt  }
0x7b: {  	_ =	shalt  }
0x7c: {  	_ =	shalt  }
0x7d: {  	_ =	shalt  }
0x7e: {  	_ =	shalt  }
0x7f: {  	_ =	shalt  }
0x80: {  	_ =	shalt  }
0x81: {  	_ =	shalt  }
0x82: {  	_ =	shalt  }
0x83: {  	_ =	shalt  }
0x84: {  	_ =	shalt  }
0x85: {  	_ =	shalt  }
0x86: {  	_ =	shalt  }
0x87: {  	_ =	shalt  }
.Lfunc_end0:
.L_simem_size_0:
called_computation.2_lowered:
.L_overlay_start_0:
0x88: {  	s2 =	sld [smem:$0x3FD9]  }
0x89: {  	s3 =	sld [smem:$0x3FFE];
	_ =	sdelay $0x1  }
0x8a: {  	s1 =	srdreg.scid  }
0x8b: {  	s0 =	sand.u32 $0x1, s1  }
0x8c: {  	s17 =	sshll.u32 s0, $0xA;
	s2 =	sadd.s32 s3, s2  }
0x8d: {  	s2 =	sadd.s32 s2, s17  }
0x8e: {  	[smem:$0x3FB8] =	sst s2  }
0x8f: {  	_ = 	snop  }
0x90: {  	s2 =	sld [smem:$0x3FD0];
	(tm) =	ssettm $0x1  }
0x91: {  	s18 =	sld [smem:$0x3FFB];
	_ =	sdelay $0x3  }
0x92: {  	_ =	strace s18  }
0x93: {  	s3 =	sld [smem:$0x3FFC];
	_ =	sdelay $0x3  }
0x94: {  	_ =	strace s3  }
0x95: {  	s3 =	sld [smem:$0x3FFD];
	_ =	sdelay $0x3  }
0x96: {  	_ =	strace s3  }
0x97: {  	_ =	strace $0x8FFFFFFF  }
0x98: {  	s19 =	sld [smem:$0x3FDB];
	_ =	sdelay $0x1  }
0x99: {  	s4 =	simm.s32 $_scs_section_size  }
0x9a: {  	s5 =	simm.s32 $_size__tile_overlayer_lowered;
	s6 =	simm.s32 $_tile_overlayer_lowered  }
0x9b: {  	s22 =	simm.s32 $0x1BFF;
	s21 =	sshll.u32 s6, $0x1;
	s3 =	sadd.s32 s4, s19  }
0x9c: {  	s7 =	simm.s32 $0x0;
	s20 =	sshll.u32 s5, $0x1;
	s5 =	sadd.s32 s21, s3  }
0x9d: {  	[timem:s7], [sflag:s22] =	dma.local [hbm:s5], s20  }
0x9e: {  	_ =	swait.ge [sflag:s22], s20  }
0x9f: {  	s4 =	ssub.s32 $0x0, s20;
	[sflag:s22] =	ssyncset.done $0x0  }
0xa0: {  	[sflag:s22] =	ssyncadd.s32 s4;
	_ =	sdelay $0x1  }
0xa1: {  	s23 =	simm.s32 $0x1B8B  }
0xa2: {  	_ =	swait.ge [sflag:s23], $0x1  }
0xa3: {  	[sflag:s23] =	ssyncset.done $0x0  }
0xa4: {  	s25 =	simm.s32 $0x1B8E;
	s24 =	sld [smem:$0x3FFE];
	[sflag:s23] =	ssyncadd.s32 $0xFFFFFFFF  }
0xa5: {  	s26 =	simm.s32 $execute0_lowered;
	[smem:$0x3FD2] =	sst s25  }
0xa6: {  	s5 =	sshll.u32 s26, $0x1;
	_ =	strace $0x8000004C;
	[dreg:$0x1] =	wrdreg $0xFFFFFFFF  }
0xa7: {  	s28 =	simm.s32 $_size_execute0_lowered;
	s3 =	sadd.s32 s3, s5;
	[dreg:$0x0] =	wrdreg $0x0  }
0xa8: {  	s5 =	sshll.u32 s28, $0x1;
	[dreg:$0x2] =	wrdreg s3  }
0xa9: {  	[dreg:$0x3] =	wrdreg s5  }
0xaa: {  	[dreg:$0x4] =	wrdreg $0xC0  }
0xab: {  	_ =	task [dreg:s7], $0x5FFFF  }
0xac: {  	[dreg:$0x1] =	wrdreg $0xFFFFFFFF  }
0xad: {  	[dreg:$0x0] =	wrdreg $0x60  }
0xae: {  	[dreg:$0x2] =	wrdreg s24  }
0xaf: {  	[dreg:$0x3] =	wrdreg s2  }
0xb0: {  	[dreg:$0x4] =	wrdreg $0x29000  }
0xb1: {  	[dreg:$0x5] =	wrdreg $0x9  }
0xb2: {  	_ =	task.clear_ibuf [dreg:s7], $0x6FFFF;
	_ =	strace $0x9000004C  }
0xb3: {  	s29 =	simm.s32 $0x9;
	_ =	strace $0x8000004E  }
0xb4: {  	_ =	swait.ge [sflag:s29], $0x1  }
0xb5: {  	[sflag:s29] =	ssyncadd.s32 $0xFFFFFFFF  }
0xb6: {  	_ =	strace $0x9000004E  }
0xb7: {  	_ =	sfence  }
0xb8: {  	s30 =	sld [smem:$0x0];
	_ =	sdelay $0x2  }
0xb9: {  	s31 =	sshll.u32 s1, $0xD;
	s1 =	sshrl.u32 s1, $0x2  }
0xba: {  	s3 =	sand.u32 $0x4000, s31;
	s1 =	sadd.s32 s1, s30  }
0xbb: {  	s0 =	sor.u32 s3, s0;
	s1 =	sshll.u32 s1, $0x11  }
0xbc: {  	s0 =	sor.u32 s1, s0  }
0xbd: {  	s0 =	sadd.s32 $0x8F2B, s0  }
0xbe: {  	[sflag:s0] =	ssyncadd.remote.s32 $0x1  }
0xbf: {  	_ =	sfence.sel $0xFFFF  }
0xc0: {  	[dreg:$0x0] =	wrdreg $0xFFFFFFFF;
	(pc) =	sbr.abs _section_cstart, $3  }
0xc1: {  	[dreg:$0x1] =	wrdreg $0xFFFFFFFF  }
0xc2: {  	_ =	task.clear_ibuf [dreg:s7], $0x2FFFF;
	_ =	strace $0x9FFFFFFF  }
0xc3: {  	(tm) =	ssettm $0x7FFFFFFF  }
tec
execute0_lowered:
.L_overlay_start_1:
0x0: {  	(tag) =	ssettag $0x1  }
0x1: {  	s5 =	rddreg [dreg:$0x0]  }
0x2: {  	s18 =	rddreg [dreg:$0x1]  }
0x3: {  	s1 =	rddreg [dreg:$0x2]  }
0x4: {  	s0 =	rddreg [dreg:$0x3];
	s3 =	stileid.u32  }
0x5: {  	s2 =	simm.s32 $0x0;
	s7 =	srdreg.scid;
	s6 =	smul.u32 $0x9C4, s3  }
0x6: {  	s23 =	simm.s32 $0x1;
	s24 =	simm.s32 $0x0;
	s8 =	smul.u32 $0x4E000, s3  }
0x7: {  	[smem:$0x7FF] =	sst s2;
	s4 =	sadd.s32 $0xDC00, s5;
	s14 =	smul.u32 $0x2700, s3  }
0x8: {  	s11 =	sand.u32 $0x1, s7;
	s15 =	sadd.s32 $0x5BE00, s5;
	s22 =	smul.u32 $0x4E20, s3  }
0x9: {  	s13 =	sadd.s32 $0x138000, s1;
	p0 =	sne.s32 s3, $0x0;
	s19 =	smul.u32 $0x4E200, s11  }
0xa: {  	_ =	strace $0x8000004D;
	s28 =	ssub.s32 $0x2, s11;
	s20 =	smul.u32 $0x27100, s11  }
0xb: {  	s21 =	smul.u32 $0x138800, s11;
	s29 =	sshrl.u32 s8, $0x2;
	s30 =	sshrl.u32 s28, $0x1  }
0xc: {  	s17 =	sadd.s32 s6, s5;
	s5 =	sadd.s32 s29, s1;
	s16 =	ssub.s32 s28, s30  }
0xd: {  	s14 =	sadd.s32 s14, s20;
	s31 =	sshrl.u32 s21, $0x3;
	s19 =	sadd.s32 s22, s19  }
0xe: {  	s17 =	sadd.s32 $0x3E00, s17;
	s20 =	simm.s32 $0x2;
	s21 =	simm.s32 $0x80  }
0xf: {  	s22 =	simm.s32 $0x50;
	s6 =	sadd.s32 $0x2800, s5;
	s7 =	sadd.s32 $0x5000, s5  }
0x10: {  	s8 =	sadd.s32 $0x7800, s5;
	s9 =	sadd.s32 $0xA000, s5;
	s10 =	sadd.s32 $0xC800, s5  }
0x11: {  	s11 =	sadd.s32 $0xF000, s5;
	s12 =	sadd.s32 $0x11800, s5;
	s14 =	sadd.s32 s15, s14  }
0x12: {  	s15 =	sadd.s32 s15, s31;
	s16 =	smax.u32 s16, $0x1;
	s19 =	sshrl.u32 s19, $0x3  }
0x13: {  	v0 =	vimm.f32 $0.0e+00;
	s15 =	sadd.s32 $0x27000, s15;
	s18 =	sadd.s32 s19, s18;
	s19 =	simm.s32 $0x100  }
.LBB2_1:
0x14: {  	s25 =	simm.s32 $0x0;
	s26 =	simm.s32 $0x200  }
.LBB2_2:
0x15: {  	p1 =	sne.s32 s26, $0x9E00;
	[tilespmem:s25+$0x170] =	vst v0  }
0x16: {  	[tilespmem:s25+$0x100] =	vst v0  }
0x17: {  	[tilespmem:s25+$0x110] =	vst v0  }
.Ltmp0:
0x18: {  	[tilespmem:s25+$0x120] =	vst v0;
	(pc) =	sbr.rel @p1 .LBB2_2-.Ltmp0, $4  }
0x19: {  	[tilespmem:s25+$0x130] =	vst v0  }
0x1a: {  	[tilespmem:s25+$0x140] =	vst v0  }
0x1b: {  	[tilespmem:s25+$0x150] =	vst v0  }
0x1c: {  	[tilespmem:s25+$0x160] =	vst v0;
	s25 =	sshra.s32 s26, $0x2;
	s26 =	sadd.s32 $0x200, s26  }
0x1d: {  	[tilespmem:s25+$0x170] =	vst v0  }
0x1e: {  	[tilespmem:s25+$0x100] =	vst v0  }
0x1f: {  	[tilespmem:s25+$0x110] =	vst v0  }
0x20: {  	[tilespmem:s25+$0x120] =	vst v0  }
0x21: {  	[tilespmem:s25+$0x130] =	vst v0  }
0x22: {  	[tilespmem:s25+$0x140] =	vst v0  }
0x23: {  	[tilespmem:s25+$0x150] =	vst v0  }
0x24: {  	[tilespmem:s25+$0x160] =	vst v0  }
0x25: {  	[spmem:s5] =	stream.linear.scatter [tilespmem:s19], [sflag:$0x2], $0x2800, $0x38;
	[tilespmem:$0x161C0] =	vst v63  }
0x26: {  	_ =	swait.ge [sflag:s20], $0x2800  }
0x27: {  	[sflag:s20] =	ssyncset.done $0x0  }
0x28: {  	[sflag:s20] =	ssyncadd.s32 $0xFFFFD800  }
0x29: {  	[spmem:s6] =	stream.linear.scatter [tilespmem:s19], [sflag:$0x2], $0x2800, $0x38;
	[tilespmem:$0x161C0] =	vst v63  }
0x2a: {  	_ =	swait.ge [sflag:s20], $0x2800  }
0x2b: {  	[sflag:s20] =	ssyncset.done $0x0  }
0x2c: {  	[sflag:s20] =	ssyncadd.s32 $0xFFFFD800  }
0x2d: {  	[spmem:s7] =	stream.linear.scatter [tilespmem:s19], [sflag:$0x2], $0x2800, $0x38;
	[tilespmem:$0x161C0] =	vst v63  }
0x2e: {  	_ =	swait.ge [sflag:s20], $0x2800  }
0x2f: {  	[sflag:s20] =	ssyncset.done $0x0  }
0x30: {  	[sflag:s20] =	ssyncadd.s32 $0xFFFFD800  }
0x31: {  	[spmem:s8] =	stream.linear.scatter [tilespmem:s19], [sflag:$0x2], $0x2800, $0x38;
	[tilespmem:$0x161C0] =	vst v63  }
0x32: {  	_ =	swait.ge [sflag:s20], $0x2800  }
0x33: {  	[sflag:s20] =	ssyncset.done $0x0  }
0x34: {  	[sflag:s20] =	ssyncadd.s32 $0xFFFFD800  }
0x35: {  	[spmem:s9] =	stream.linear.scatter [tilespmem:s19], [sflag:$0x2], $0x2800, $0x38;
	[tilespmem:$0x161C0] =	vst v63  }
0x36: {  	_ =	swait.ge [sflag:s20], $0x2800  }
0x37: {  	[sflag:s20] =	ssyncset.done $0x0  }
0x38: {  	[sflag:s20] =	ssyncadd.s32 $0xFFFFD800  }
0x39: {  	[spmem:s10] =	stream.linear.scatter [tilespmem:s19], [sflag:$0x2], $0x2800, $0x38;
	[tilespmem:$0x161C0] =	vst v63  }
0x3a: {  	_ =	swait.ge [sflag:s20], $0x2800  }
0x3b: {  	[sflag:s20] =	ssyncset.done $0x0  }
0x3c: {  	[sflag:s20] =	ssyncadd.s32 $0xFFFFD800  }
0x3d: {  	[spmem:s11] =	stream.linear.scatter [tilespmem:s19], [sflag:$0x2], $0x2800, $0x38;
	[tilespmem:$0x161C0] =	vst v63  }
0x3e: {  	_ =	swait.ge [sflag:s20], $0x2800  }
0x3f: {  	[sflag:s20] =	ssyncset.done $0x0  }
0x40: {  	[sflag:s20] =	ssyncadd.s32 $0xFFFFD800  }
0x41: {  	[spmem:s12] =	stream.linear.scatter [tilespmem:s19], [sflag:$0x2], $0x2000, $0x38;
	[tilespmem:$0x161C0] =	vst v63  }
0x42: {  	_ =	swait.ge [sflag:s20], $0x2000  }
0x43: {  	[sflag:s20] =	ssyncset.done $0x0  }
0x44: {  	s25 =	simm.s32 @!p0 $0x100;
	[sflag:s20] =	ssyncadd.s32 $0xFFFFE000  }
0x45: {  	[spmem:s13] =	stream.linear.scatter @!p0 [tilespmem:s25], [sflag:$0x2], $0xC00, $0x38;
	[tilespmem:$0x161C0] =	vst v63  }
0x46: {  	s25 =	simm.s32 @!p0 $0x2  }
0x47: {  	_ =	swait.ge @!p0 [sflag:s25], $0xC00  }
0x48: {  	[sflag:s25] =	ssyncset.done @!p0 $0x0  }
0x49: {  	[sflag:s25] =	ssyncadd.s32 @!p0 $0xFFFFF400  }
0x4a: {  	s30 =	sadd.s32 $0x0, s18;
	[bflag:$0x0] =	sbarrier.arrive $0xFFFF  }
0x4b: {  	[tilespmem:s2], [sflag:$0x2] =	stream.linear.gather [hbm4b:s30+s2], $0x50, $0x38;
	[tilespmem:$0x161C0] =	vst v63  }
0x4c: {  	_ =	swait.ge [sflag:s20], $0x50  }
0x4d: {  	[sflag:s20] =	ssyncset.done $0x0  }
0x4e: {  	s31 =	sadd.s32 $0x0, s17;
	[sflag:s20] =	ssyncadd.s32 $0xFFFFFFB0  }
0x4f: {  	[tilespmem:s21], [sflag:$0x2] =	stream.linear.gather [hbm4b:s31+s2], $0x50, $0x38;
	[tilespmem:$0x161C0] =	vst v63  }
0x50: {  	_ =	swait.ge [sflag:s20], $0x50  }
0x51: {  	[sflag:s20] =	ssyncset.done $0x0  }
0x52: {  	[sflag:s20] =	ssyncadd.s32 $0xFFFFFFB0  }
0x53: {  	[tilespmem:s19], [sflag:$0x1] =	stream.indirect.gather [hbm4b:s4+s22], $0x80, s2, s22, $0xb8;
	[tilespmem:$0x161C0] =	vst v63  }
0x54: {  	_ =	swait.ge [sflag:s23], $0x2800  }
0x55: {  	[sflag:s23] =	ssyncset.done $0x0  }
0x56: {  	[sflag:s23] =	ssyncadd.s32 $0xFFFFD800  }
0x57: {  	[spmem:s1] =	stream.indirect.scatter.add.f32 [tilespmem:s19], [sflag:$0x2], $0x80, s21, s22, $0xb8;
	[tilespmem:$0x161C0] =	vst v63  }
0x58: {  	_ =	swait.ge [sflag:s20], $0x2800  }
0x59: {  	s26 =	simm.s32 $0x14;
	s25 =	simm.s32 $0xA;
	[sflag:s20] =	ssyncset.done $0x0  }
.LBB2_4:
0x5a: {  	s28 =	sadd.s32 s25, s18  }
0x5b: {  	[sflag:s20] =	ssyncadd.s32 $0xFFFFD800;
	s29 =	smov.u32 s26;
	s30 =	sadd.s32 $0xA, s26  }
0x5c: {  	[tilespmem:s2], [sflag:$0x2] =	stream.linear.gather [hbm4b:s28+s2], $0x50, $0x38;
	[tilespmem:$0x161C0] =	vst v63  }
0x5d: {  	p1 =	sne.s32 s26, $0x9BA;
	_ =	swait.ge [sflag:s20], $0x50  }
0x5e: {  	[sflag:s20] =	ssyncset.done $0x0  }
0x5f: {  	s26 =	sadd.s32 s25, s17;
	s25 =	smov.u32 s29;
	[sflag:s20] =	ssyncadd.s32 $0xFFFFFFB0  }
0x60: {  	[tilespmem:s21], [sflag:$0x2] =	stream.linear.gather [hbm4b:s26+s2], $0x50, $0x38;
	[tilespmem:$0x161C0] =	vst v63  }
0x61: {  	_ =	swait.ge [sflag:s20], $0x50  }
0x62: {  	[sflag:s20] =	ssyncset.done $0x0  }
0x63: {  	[sflag:s20] =	ssyncadd.s32 $0xFFFFFFB0  }
0x64: {  	[tilespmem:s19], [sflag:$0x1] =	stream.indirect.gather [hbm4b:s4+s22], $0x80, s2, s22, $0xb8;
	[tilespmem:$0x161C0] =	vst v63  }
0x65: {  	_ =	swait.ge [sflag:s23], $0x2800  }
.Ltmp1:
0x66: {  	[sflag:s23] =	ssyncset.done $0x0;
	(pc) =	sbr.rel @p1 .LBB2_4-.Ltmp1, $4  }
0x67: {  	[sflag:s23] =	ssyncadd.s32 $0xFFFFD800  }
0x68: {  	[spmem:s1] =	stream.indirect.scatter.add.f32 [tilespmem:s19], [sflag:$0x2], $0x80, s21, s22, $0xb8;
	[tilespmem:$0x161C0] =	vst v63  }
0x69: {  	_ =	swait.ge [sflag:s20], $0x2800  }
0x6a: {  	s26 =	smov.u32 s30;
	[sflag:s20] =	ssyncset.done $0x0  }
0x6b: {  	s26 =	sadd.s32 s25, s18;
	[sflag:s20] =	ssyncadd.s32 $0xFFFFD800  }
0x6c: {  	[tilespmem:s2], [sflag:$0x2] =	stream.linear.gather [hbm4b:s26+s2], $0x50, $0x38;
	[tilespmem:$0x161C0] =	vst v63  }
0x6d: {  	_ =	swait.ge [sflag:s20], $0x50  }
0x6e: {  	[sflag:s20] =	ssyncset.done $0x0  }
0x6f: {  	s29 =	sadd.s32 s25, s17;
	[sflag:s20] =	ssyncadd.s32 $0xFFFFFFB0  }
0x70: {  	[tilespmem:s21], [sflag:$0x2] =	stream.linear.gather [hbm4b:s29+s2], $0x50, $0x38;
	[tilespmem:$0x161C0] =	vst v63  }
0x71: {  	_ =	swait.ge [sflag:s20], $0x50  }
0x72: {  	[sflag:s20] =	ssyncset.done $0x0  }
0x73: {  	[sflag:s20] =	ssyncadd.s32 $0xFFFFFFB0  }
0x74: {  	[tilespmem:s19], [sflag:$0x1] =	stream.indirect.gather [hbm4b:s4+s22], $0x80, s2, s22, $0xb8;
	[tilespmem:$0x161C0] =	vst v63  }
0x75: {  	_ =	swait.ge [sflag:s23], $0x2800  }
0x76: {  	[sflag:s23] =	ssyncset.done $0x0  }
0x77: {  	[sflag:s23] =	ssyncadd.s32 $0xFFFFD800  }
0x78: {  	[spmem:s1] =	stream.indirect.scatter.add.f32 [tilespmem:s19], [sflag:$0x2], $0x80, s21, s22, $0xb8;
	[tilespmem:$0x161C0] =	vst v63  }
0x79: {  	_ =	swait.ge [sflag:s20], $0x2800  }
0x7a: {  	[sflag:s20] =	ssyncset.done $0x0  }
0x7b: {  	s30 =	sshll.u32 s3, $0x6;
	[sflag:s20] =	ssyncadd.s32 $0xFFFFD800  }
0x7c: {  	s31 =	sshrl.u32 s5, $0x3;
	s25 =	sor.u32 $0x1C02, s30;
	[bflag:$0x0] =	sbarrier.arrive $0xFFFF  }
0x7d: {  	[hbm:s14], [sflag:s25] =	dma.local [spmem:s31], $0x2700  }
0x7e: {  	_ =	swait.ge [sflag:s20], $0x2700  }
0x7f: {  	s24 =	sadd.s32 $0x1, s24;
	[sflag:s20] =	ssyncset.done $0x0  }
0x80: {  	s26 =	sshrl.u32 @!p0 s13, $0x3;
	p1 =	sne.s32 s24, s16;
	[sflag:s20] =	ssyncadd.s32 $0xFFFFD900  }
0x81: {  	[hbm:s15], [sflag:s25] =	dma.local @!p0 [spmem:s26], $0x100  }
.Ltmp2:
0x82: {  	_ = 	snop;
	(pc) =	sbr.rel @p1 .LBB2_1-.Ltmp2, $4  }
0x83: {  	s25 =	simm.s32 @!p0 $0x2  }
0x84: {  	_ =	swait.ge @!p0 [sflag:s25], $0x100  }
0x85: {  	[sflag:s25] =	ssyncset.done @!p0 $0x0  }
0x86: {  	[sflag:s25] =	ssyncadd.s32 @!p0 $0xFFFFFF00  }
0x87: {  	_ =	sfence.sel $0x180000  }
0x88: {  	[bflag:$0x0] =	sbarrier.arrive $0xFFFF  }
0x89: {  	_ =	strace $0x9000004D  }
0x8a: {  	s0 =	sadd.s32 @!p0 $0x100000, s0;
	[bflag:$0x2] =	sbarrier.arrive $0xFFFF  }
0x8b: {  	[sflag:s0] =	ssyncadd.tile.s32 @!p0 $0x1;
	_ =	shalt  }
.Lfunc_end2:
_tile_overlayer_lowered:
.L_overlay_start_2:
0x8c: {  	(tag) =	ssettag $0x2  }
0x8d: {  	s0 =	rddreg [dreg:$0x0];
	s2 =	stileid.u32  }
0x8e: {  	s1 =	rddreg [dreg:$0x1];
	p0 =	sne.s32 s2, $0x0  }
0x8f: {  	s3 =	rddreg [dreg:$0x2];
	[bflag:$0x3] =	sbarrier.arrive $0xFFFF;
	s2 =	simm.s32 @!p0 $0x1C02  }
0x90: {  	[timem:s3], [sflag:s2] =	dma.local @!p0 [hbm:s0], s1  }
0x91: {  	s0 =	simm.s32 @!p0 $0x2  }
0x92: {  	_ =	swait.ge @!p0 [sflag:s0], s1  }
0x93: {  	s1 =	ssub.s32 @!p0 $0x0, s1;
	[sflag:s0] =	ssyncset.done @!p0 $0x0  }
0x94: {  	[sflag:s0] =	ssyncadd.s32 @!p0 s1  }
0x95: {  	[bflag:$0x3] =	sbarrier.arrive $0xFFFF  }
0x96: {  	_ =	shalt  }

// kernel: kernel.22.cloned.1.call-start
scs
__scs_entry_jumppad:
0x0: {  	(pc) =	sbr.rel $0x88, $3  }
0x1: {  	(tag) =	ssettag $0x0;
	lr =	simm.s32 $0x1  }
0x2: {  	[smem:$0x3F91] =	sst lr;
	_ =	strace $0xD0000000  }
0x3: {  	_ = 	snop  }
0x4: {  	_ = 	snop  }
0x5: {  	_ = 	snop  }
0x6: {  	_ = 	snop  }
0x7: {  	_ = 	snop  }
__scs_overlays_trampoline_lowered:
0x8: {  	[smem:$0x3FA0] =	sst s0  }
0x9: {  	[smem:$0x3FA1] =	sst s1  }
0xa: {  	[smem:$0x3FA2] =	sst s2  }
0xb: {  	[smem:$0x3FA3] =	sst s3  }
0xc: {  	[smem:$0x3FA4] =	sst s4  }
0xd: {  	[smem:$0x3FA5] =	sst s5  }
0xe: {  	[smem:$0x3FA6] =	sst s6  }
0xf: {  	[smem:$0x3FA7] =	sst s7  }
0x10: {  	[smem:$0x3FA8] =	sst s8  }
0x11: {  	[smem:$0x3FA9] =	sst s9;
	s0 =	simm.s32 @!p0 $0x0  }
0x12: {  	s1 =	sld [smem:$0x3F8F];
	s0 =	simm.s32 @p0 $0x1  }
0x13: {  	[smem:$0x3FAA] =	sst s0;
	s0 =	simm.s32 @!p1 $0x0  }
0x14: {  	s2 =	sld [smem:$0x3F8E];
	s0 =	simm.s32 @p1 $0x1  }
0x15: {  	[smem:$0x3FAB] =	sst s0;
	s0 =	simm.s32 @!p2 $0x0  }
0x16: {  	s3 =	sld [smem:$0x3FDB];
	s0 =	simm.s32 @p2 $0x1  }
0x17: {  	s4 =	simm.s32 $0x1BF5;
	[smem:$0x3FAD] =	sst s0  }
0x18: {  	s0 =	sld [smem:$0x3F90];
	_ =	swait.ge [sflag:s4], $0x0  }
0x19: {  	s7 =	sld [smem:$0x3F91]  }
0x1a: {  	s8 =	sadd.s32 $0xFFFFE003, lr  }
0x1b: {  	s9 =	sadd.s32 $0xFFFFFEF7, lr;
	s5 =	simm.s32 $0xFFFFFFFF;
	p2 =	slt.u32 s8, $0xFFFFF086  }
0x1c: {  	p1 =	slt.u32 s9, $0xF7A;
	s5 =	simm.s32 @!p2 $0x0  }
0x1d: {  	s5 =	simm.s32 @p1 $0x1;
	p0 =	seq.s32 s7, s2  }
0x1e: {  	s7 =	smul.u32 @!p0 $0xF7A, s2;
	p2 =	seq.s32 @!p0 s5, $0x0  }
0x1f: {  	s9 =	smul.u32 $0xF7A, s1;
	s8 =	simm.s32 @!p0 $0x1BF5;
	p2 =	por !p2, p0  }
0x20: {  	[sflag:s8] =	ssyncset.s32 @!p0 $0xFFFFF086;
	s6 =	sadd.s32 @!p0 s3, s7;
	s7 =	simm.s32 @!p0 $0x108  }
0x21: {  	s3 =	sadd.s32 s3, s9;
	s6 =	sadd.s32 @!p0 $0x88, s6;
	s7 =	simm.s32 @p2 $0x1082  }
0x22: {  	[simem:s7], [sflag:s8] =	dma.local @!p0 [hbm:s6], $0xF7A  }
0x23: {  	s9 =	sor.u32 $0xD0000000, s2;
	s6 =	simm.s32 $0x108;
	_ =	swait.ge @!p0 [sflag:s8], $0x0  }
0x24: {  	s3 =	sadd.s32 $0x88, s3;
	s6 =	simm.s32 @!p1 $0x1082;
	[sflag:s4] =	ssyncset.s32 $0xFFFFF086  }
0x25: {  	[simem:s6], [sflag:s4] =	dma.local [hbm:s3], $0xF7A  }
0x26: {  	[smem:$0x3F91] =	sst s1;
	(tag) =	ssettag s2;
	_ =	strace s9  }
0x27: {  	s1 =	sld [smem:$0x3FA1]  }
0x28: {  	s2 =	sld [smem:$0x3FA2]  }
0x29: {  	s4 =	sld [smem:$0x3FA4]  }
0x2a: {  	p0 =	seq.s32 s5, $0x0;
	s5 =	sld [smem:$0x3FA5]  }
0x2b: {  	s6 =	sld [smem:$0x3FA6]  }
0x2c: {  	s7 =	sld [smem:$0x3FA7]  }
0x2d: {  	s3 =	simm.s32 $0x108;
	s8 =	sld [smem:$0x3FA8]  }
0x2e: {  	s3 =	simm.s32 @!p0 $0x1082;
	s9 =	sld [smem:$0x3FA9]  }
0x2f: {  	lr =	sadd.s32 s0, s3;
	s0 =	sld [smem:$0x3FA0]  }
0x30: {  	s3 =	sld [smem:$0x3FA3]  }
0x31: {  	[smem:$0x3FAC] =	sst s10  }
0x32: {  	s10 =	sld [smem:$0x3FAA];
	_ =	sdelay $0x3  }
0x33: {  	p0 =	seq.s32 s10, $0x1;
	s10 =	sld [smem:$0x3FAC];
	_ =	sdelay $0x3  }
0x34: {  	[smem:$0x3FAC] =	sst s10  }
0x35: {  	s10 =	sld [smem:$0x3FAB];
	_ =	sdelay $0x3  }
0x36: {  	p1 =	seq.s32 s10, $0x1;
	s10 =	sld [smem:$0x3FAC];
	_ =	sdelay $0x3  }
0x37: {  	[smem:$0x3FAC] =	sst s10  }
0x38: {  	s10 =	sld [smem:$0x3FAD]  }
0x39: {  	_ = 	snop;
	(pc) =	sbr.ind lr, $3  }
0x3a: {  	_ = 	snop  }
0x3b: {  	_ = 	snop  }
0x3c: {  	p2 =	seq.s32 s10, $0x1;
	s10 =	sld [smem:$0x3FAC]  }
0x3d: {  	_ =	shalt  }
0x3e: {  	_ =	shalt  }
0x3f: {  	_ =	shalt  }
0x40: {  	_ =	shalt  }
0x41: {  	_ =	shalt  }
0x42: {  	_ =	shalt  }
0x43: {  	_ =	shalt  }
0x44: {  	_ =	shalt  }
0x45: {  	_ =	shalt  }
0x46: {  	_ =	shalt  }
0x47: {  	_ =	shalt  }
0x48: {  	_ =	shalt  }
0x49: {  	_ =	shalt  }
0x4a: {  	_ =	shalt  }
0x4b: {  	_ =	shalt  }
0x4c: {  	_ =	shalt  }
0x4d: {  	_ =	shalt  }
0x4e: {  	_ =	shalt  }
0x4f: {  	_ =	shalt  }
0x50: {  	_ =	shalt  }
0x51: {  	_ =	shalt  }
0x52: {  	_ =	shalt  }
0x53: {  	_ =	shalt  }
0x54: {  	_ =	shalt  }
0x55: {  	_ =	shalt  }
0x56: {  	_ =	shalt  }
0x57: {  	_ =	shalt  }
0x58: {  	_ =	shalt  }
0x59: {  	_ =	shalt  }
0x5a: {  	_ =	shalt  }
0x5b: {  	_ =	shalt  }
0x5c: {  	_ =	shalt  }
0x5d: {  	_ =	shalt  }
0x5e: {  	_ =	shalt  }
0x5f: {  	_ =	shalt  }
0x60: {  	_ =	shalt  }
0x61: {  	_ =	shalt  }
0x62: {  	_ =	shalt  }
0x63: {  	_ =	shalt  }
0x64: {  	_ =	shalt  }
0x65: {  	_ =	shalt  }
0x66: {  	_ =	shalt  }
0x67: {  	_ =	shalt  }
0x68: {  	_ =	shalt  }
0x69: {  	_ =	shalt  }
0x6a: {  	_ =	shalt  }
0x6b: {  	_ =	shalt  }
0x6c: {  	_ =	shalt  }
0x6d: {  	_ =	shalt  }
0x6e: {  	_ =	shalt  }
0x6f: {  	_ =	shalt  }
0x70: {  	_ =	shalt  }
0x71: {  	_ =	shalt  }
0x72: {  	_ =	shalt  }
0x73: {  	_ =	shalt  }
0x74: {  	_ =	shalt  }
0x75: {  	_ =	shalt  }
0x76: {  	_ =	shalt  }
0x77: {  	_ =	shalt  }
0x78: {  	_ =	shalt  }
0x79: {  	_ =	shalt  }
0x7a: {  	_ =	shalt  }
0x7b: {  	_ =	shalt  }
0x7c: {  	_ =	shalt  }
0x7d: {  	_ =	shalt  }
0x7e: {  	_ =	shalt  }
0x7f: {  	_ =	shalt  }
0x80: {  	_ =	shalt  }
0x81: {  	_ =	shalt  }
0x82: {  	_ =	shalt  }
0x83: {  	_ =	shalt  }
0x84: {  	_ =	shalt  }
0x85: {  	_ =	shalt  }
0x86: {  	_ =	shalt  }
0x87: {  	_ =	shalt  }
.Lfunc_end0:
.L_simem_size_0:
called_computation.3_lowered:
.L_overlay_start_0:
0x88: {  	s2 =	sld [smem:$0x3FD9]  }
0x89: {  	s3 =	sld [smem:$0x3FFE];
	_ =	sdelay $0x1  }
0x8a: {  	s1 =	srdreg.scid  }
0x8b: {  	s0 =	sand.u32 $0x1, s1  }
0x8c: {  	s17 =	sshll.u32 s0, $0xA;
	s2 =	sadd.s32 s3, s2  }
0x8d: {  	s2 =	sadd.s32 s2, s17  }
0x8e: {  	[smem:$0x3FB8] =	sst s2  }
0x8f: {  	_ = 	snop  }
0x90: {  	s2 =	sld [smem:$0x3FD0];
	(tm) =	ssettm $0x1  }
0x91: {  	s18 =	sld [smem:$0x3FFB];
	_ =	sdelay $0x3  }
0x92: {  	_ =	strace s18  }
0x93: {  	s3 =	sld [smem:$0x3FFC];
	_ =	sdelay $0x3  }
0x94: {  	_ =	strace s3  }
0x95: {  	s3 =	sld [smem:$0x3FFD];
	_ =	sdelay $0x3  }
0x96: {  	_ =	strace s3  }
0x97: {  	_ =	strace $0x8FFFFFFF  }
0x98: {  	s19 =	sld [smem:$0x3FDB];
	_ =	sdelay $0x1  }
0x99: {  	s4 =	simm.s32 $_scs_section_size  }
0x9a: {  	s5 =	simm.s32 $_size__tile_overlayer_lowered;
	s6 =	simm.s32 $_tile_overlayer_lowered  }
0x9b: {  	s22 =	simm.s32 $0x1BFF;
	s21 =	sshll.u32 s6, $0x1;
	s3 =	sadd.s32 s4, s19  }
0x9c: {  	s7 =	simm.s32 $0x0;
	s20 =	sshll.u32 s5, $0x1;
	s5 =	sadd.s32 s21, s3  }
0x9d: {  	[timem:s7], [sflag:s22] =	dma.local [hbm:s5], s20  }
0x9e: {  	_ =	swait.ge [sflag:s22], s20  }
0x9f: {  	s4 =	ssub.s32 $0x0, s20;
	[sflag:s22] =	ssyncset.done $0x0  }
0xa0: {  	[sflag:s22] =	ssyncadd.s32 s4;
	_ =	sdelay $0x1  }
0xa1: {  	s23 =	simm.s32 $0x1B8B  }
0xa2: {  	_ =	swait.ge [sflag:s23], $0x1  }
0xa3: {  	[sflag:s23] =	ssyncset.done $0x0  }
0xa4: {  	s25 =	simm.s32 $0x1B8E;
	s24 =	sld [smem:$0x3FFE];
	[sflag:s23] =	ssyncadd.s32 $0xFFFFFFFF  }
0xa5: {  	s26 =	simm.s32 $execute0_lowered;
	[smem:$0x3FD2] =	sst s25  }
0xa6: {  	s5 =	sshll.u32 s26, $0x1;
	_ =	strace $0x8000004F;
	[dreg:$0x1] =	wrdreg $0xFFFFFFFF  }
0xa7: {  	s28 =	simm.s32 $_size_execute0_lowered;
	s3 =	sadd.s32 s3, s5;
	[dreg:$0x0] =	wrdreg $0x0  }
0xa8: {  	s5 =	sshll.u32 s28, $0x1;
	[dreg:$0x2] =	wrdreg s3  }
0xa9: {  	[dreg:$0x3] =	wrdreg s5  }
0xaa: {  	[dreg:$0x4] =	wrdreg $0xC0  }
0xab: {  	_ =	task [dreg:s7], $0x5FFFF  }
0xac: {  	[dreg:$0x1] =	wrdreg $0xFFFFFFFF  }
0xad: {  	[dreg:$0x0] =	wrdreg $0x60  }
0xae: {  	[dreg:$0x2] =	wrdreg s24  }
0xaf: {  	[dreg:$0x3] =	wrdreg s2  }
0xb0: {  	[dreg:$0x4] =	wrdreg $0x29000  }
0xb1: {  	[dreg:$0x5] =	wrdreg $0x9  }
0xb2: {  	_ =	task.clear_ibuf [dreg:s7], $0x6FFFF;
	_ =	strace $0x9000004F  }
0xb3: {  	s29 =	simm.s32 $0x9;
	_ =	strace $0x80000051  }
0xb4: {  	_ =	swait.ge [sflag:s29], $0x1  }
0xb5: {  	[sflag:s29] =	ssyncadd.s32 $0xFFFFFFFF  }
0xb6: {  	_ =	strace $0x90000051  }
0xb7: {  	_ =	sfence  }
0xb8: {  	s30 =	sld [smem:$0x0];
	_ =	sdelay $0x2  }
0xb9: {  	s31 =	sshll.u32 s1, $0xD;
	s1 =	sshrl.u32 s1, $0x2  }
0xba: {  	s3 =	sand.u32 $0x4000, s31;
	s1 =	sadd.s32 s1, s30  }
0xbb: {  	s0 =	sor.u32 s3, s0;
	s1 =	sshll.u32 s1, $0x11  }
0xbc: {  	s0 =	sor.u32 s1, s0  }
0xbd: {  	s0 =	sadd.s32 $0x8F2B, s0  }
0xbe: {  	[sflag:s0] =	ssyncadd.remote.s32 $0x1  }
0xbf: {  	_ =	sfence.sel $0xFFFF  }
0xc0: {  	[dreg:$0x0] =	wrdreg $0xFFFFFFFF;
	(pc) =	sbr.abs _section_cstart, $3  }
0xc1: {  	[dreg:$0x1] =	wrdreg $0xFFFFFFFF  }
0xc2: {  	_ =	task.clear_ibuf [dreg:s7], $0x2FFFF;
	_ =	strace $0x9FFFFFFF  }
0xc3: {  	(tm) =	ssettm $0x7FFFFFFF  }
tec
execute0_lowered:
.L_overlay_start_1:
0x0: {  	(tag) =	ssettag $0x1  }
0x1: {  	s5 =	rddreg [dreg:$0x0]  }
0x2: {  	s18 =	rddreg [dreg:$0x1]  }
0x3: {  	s1 =	rddreg [dreg:$0x2]  }
0x4: {  	s0 =	rddreg [dreg:$0x3];
	s3 =	stileid.u32  }
0x5: {  	s2 =	simm.s32 $0x0;
	s7 =	srdreg.scid;
	s6 =	smul.u32 $0x9C4, s3  }
0x6: {  	s23 =	simm.s32 $0x1;
	s24 =	simm.s32 $0x0;
	s8 =	smul.u32 $0x4E000, s3  }
0x7: {  	[smem:$0x7FF] =	sst s2;
	s4 =	sadd.s32 $0xDC00, s5;
	s14 =	smul.u32 $0x2700, s3  }
0x8: {  	s11 =	sand.u32 $0x1, s7;
	s15 =	sadd.s32 $0x5BE00, s5;
	s22 =	smul.u32 $0x4E20, s3  }
0x9: {  	s13 =	sadd.s32 $0x138000, s1;
	p0 =	sne.s32 s3, $0x0;
	s19 =	smul.u32 $0x4E200, s11  }
0xa: {  	_ =	strace $0x80000050;
	s28 =	ssub.s32 $0x2, s11;
	s20 =	smul.u32 $0x27100, s11  }
0xb: {  	s21 =	smul.u32 $0x138800, s11;
	s29 =	sshrl.u32 s8, $0x2;
	s30 =	sshrl.u32 s28, $0x1  }
0xc: {  	s17 =	sadd.s32 s6, s5;
	s5 =	sadd.s32 s29, s1;
	s16 =	ssub.s32 s28, s30  }
0xd: {  	s14 =	sadd.s32 s14, s20;
	s31 =	sshrl.u32 s21, $0x3;
	s19 =	sadd.s32 s22, s19  }
0xe: {  	s17 =	sadd.s32 $0x3E00, s17;
	s20 =	simm.s32 $0x2;
	s21 =	simm.s32 $0x80  }
0xf: {  	s22 =	simm.s32 $0x50;
	s6 =	sadd.s32 $0x2800, s5;
	s7 =	sadd.s32 $0x5000, s5  }
0x10: {  	s8 =	sadd.s32 $0x7800, s5;
	s9 =	sadd.s32 $0xA000, s5;
	s10 =	sadd.s32 $0xC800, s5  }
0x11: {  	s11 =	sadd.s32 $0xF000, s5;
	s12 =	sadd.s32 $0x11800, s5;
	s14 =	sadd.s32 s15, s14  }
0x12: {  	s15 =	sadd.s32 s15, s31;
	s16 =	smax.u32 s16, $0x1;
	s19 =	sshrl.u32 s19, $0x3  }
0x13: {  	v0 =	vimm.f32 $0.0e+00;
	s15 =	sadd.s32 $0x27000, s15;
	s18 =	sadd.s32 s19, s18;
	s19 =	simm.s32 $0x100  }
.LBB2_1:
0x14: {  	s25 =	simm.s32 $0x0;
	s26 =	simm.s32 $0x200  }
.LBB2_2:
0x15: {  	p1 =	sne.s32 s26, $0x9E00;
	[tilespmem:s25+$0x170] =	vst v0  }
0x16: {  	[tilespmem:s25+$0x100] =	vst v0  }
0x17: {  	[tilespmem:s25+$0x110] =	vst v0  }
.Ltmp0:
0x18: {  	[tilespmem:s25+$0x120] =	vst v0;
	(pc) =	sbr.rel @p1 .LBB2_2-.Ltmp0, $4  }
0x19: {  	[tilespmem:s25+$0x130] =	vst v0  }
0x1a: {  	[tilespmem:s25+$0x140] =	vst v0  }
0x1b: {  	[tilespmem:s25+$0x150] =	vst v0  }
0x1c: {  	[tilespmem:s25+$0x160] =	vst v0;
	s25 =	sshra.s32 s26, $0x2;
	s26 =	sadd.s32 $0x200, s26  }
0x1d: {  	[tilespmem:s25+$0x170] =	vst v0  }
0x1e: {  	[tilespmem:s25+$0x100] =	vst v0  }
0x1f: {  	[tilespmem:s25+$0x110] =	vst v0  }
0x20: {  	[tilespmem:s25+$0x120] =	vst v0  }
0x21: {  	[tilespmem:s25+$0x130] =	vst v0  }
0x22: {  	[tilespmem:s25+$0x140] =	vst v0  }
0x23: {  	[tilespmem:s25+$0x150] =	vst v0  }
0x24: {  	[tilespmem:s25+$0x160] =	vst v0  }
0x25: {  	[spmem:s5] =	stream.linear.scatter [tilespmem:s19], [sflag:$0x2], $0x2800, $0x38;
	[tilespmem:$0x161C0] =	vst v63  }
0x26: {  	_ =	swait.ge [sflag:s20], $0x2800  }
0x27: {  	[sflag:s20] =	ssyncset.done $0x0  }
0x28: {  	[sflag:s20] =	ssyncadd.s32 $0xFFFFD800  }
0x29: {  	[spmem:s6] =	stream.linear.scatter [tilespmem:s19], [sflag:$0x2], $0x2800, $0x38;
	[tilespmem:$0x161C0] =	vst v63  }
0x2a: {  	_ =	swait.ge [sflag:s20], $0x2800  }
0x2b: {  	[sflag:s20] =	ssyncset.done $0x0  }
0x2c: {  	[sflag:s20] =	ssyncadd.s32 $0xFFFFD800  }
0x2d: {  	[spmem:s7] =	stream.linear.scatter [tilespmem:s19], [sflag:$0x2], $0x2800, $0x38;
	[tilespmem:$0x161C0] =	vst v63  }
0x2e: {  	_ =	swait.ge [sflag:s20], $0x2800  }
0x2f: {  	[sflag:s20] =	ssyncset.done $0x0  }
0x30: {  	[sflag:s20] =	ssyncadd.s32 $0xFFFFD800  }
0x31: {  	[spmem:s8] =	stream.linear.scatter [tilespmem:s19], [sflag:$0x2], $0x2800, $0x38;
	[tilespmem:$0x161C0] =	vst v63  }
0x32: {  	_ =	swait.ge [sflag:s20], $0x2800  }
0x33: {  	[sflag:s20] =	ssyncset.done $0x0  }
0x34: {  	[sflag:s20] =	ssyncadd.s32 $0xFFFFD800  }
0x35: {  	[spmem:s9] =	stream.linear.scatter [tilespmem:s19], [sflag:$0x2], $0x2800, $0x38;
	[tilespmem:$0x161C0] =	vst v63  }
0x36: {  	_ =	swait.ge [sflag:s20], $0x2800  }
0x37: {  	[sflag:s20] =	ssyncset.done $0x0  }
0x38: {  	[sflag:s20] =	ssyncadd.s32 $0xFFFFD800  }
0x39: {  	[spmem:s10] =	stream.linear.scatter [tilespmem:s19], [sflag:$0x2], $0x2800, $0x38;
	[tilespmem:$0x161C0] =	vst v63  }
0x3a: {  	_ =	swait.ge [sflag:s20], $0x2800  }
0x3b: {  	[sflag:s20] =	ssyncset.done $0x0  }
0x3c: {  	[sflag:s20] =	ssyncadd.s32 $0xFFFFD800  }
0x3d: {  	[spmem:s11] =	stream.linear.scatter [tilespmem:s19], [sflag:$0x2], $0x2800, $0x38;
	[tilespmem:$0x161C0] =	vst v63  }
0x3e: {  	_ =	swait.ge [sflag:s20], $0x2800  }
0x3f: {  	[sflag:s20] =	ssyncset.done $0x0  }
0x40: {  	[sflag:s20] =	ssyncadd.s32 $0xFFFFD800  }
0x41: {  	[spmem:s12] =	stream.linear.scatter [tilespmem:s19], [sflag:$0x2], $0x2000, $0x38;
	[tilespmem:$0x161C0] =	vst v63  }
0x42: {  	_ =	swait.ge [sflag:s20], $0x2000  }
0x43: {  	[sflag:s20] =	ssyncset.done $0x0  }
0x44: {  	s25 =	simm.s32 @!p0 $0x100;
	[sflag:s20] =	ssyncadd.s32 $0xFFFFE000  }
0x45: {  	[spmem:s13] =	stream.linear.scatter @!p0 [tilespmem:s25], [sflag:$0x2], $0xC00, $0x38;
	[tilespmem:$0x161C0] =	vst v63  }
0x46: {  	s25 =	simm.s32 @!p0 $0x2  }
0x47: {  	_ =	swait.ge @!p0 [sflag:s25], $0xC00  }
0x48: {  	[sflag:s25] =	ssyncset.done @!p0 $0x0  }
0x49: {  	[sflag:s25] =	ssyncadd.s32 @!p0 $0xFFFFF400  }
0x4a: {  	s30 =	sadd.s32 $0x0, s18;
	[bflag:$0x0] =	sbarrier.arrive $0xFFFF  }
0x4b: {  	[tilespmem:s2], [sflag:$0x2] =	stream.linear.gather [hbm4b:s30+s2], $0x50, $0x38;
	[tilespmem:$0x161C0] =	vst v63  }
0x4c: {  	_ =	swait.ge [sflag:s20], $0x50  }
0x4d: {  	[sflag:s20] =	ssyncset.done $0x0  }
0x4e: {  	s31 =	sadd.s32 $0x0, s17;
	[sflag:s20] =	ssyncadd.s32 $0xFFFFFFB0  }
0x4f: {  	[tilespmem:s21], [sflag:$0x2] =	stream.linear.gather [hbm4b:s31+s2], $0x50, $0x38;
	[tilespmem:$0x161C0] =	vst v63  }
0x50: {  	_ =	swait.ge [sflag:s20], $0x50  }
0x51: {  	[sflag:s20] =	ssyncset.done $0x0  }
0x52: {  	[sflag:s20] =	ssyncadd.s32 $0xFFFFFFB0  }
0x53: {  	[tilespmem:s19], [sflag:$0x1] =	stream.indirect.gather [hbm4b:s4+s22], $0x80, s2, s22, $0xb8;
	[tilespmem:$0x161C0] =	vst v63  }
0x54: {  	_ =	swait.ge [sflag:s23], $0x2800  }
0x55: {  	[sflag:s23] =	ssyncset.done $0x0  }
0x56: {  	[sflag:s23] =	ssyncadd.s32 $0xFFFFD800  }
0x57: {  	[spmem:s1] =	stream.indirect.scatter.add.f32 [tilespmem:s19], [sflag:$0x2], $0x80, s21, s22, $0xb8;
	[tilespmem:$0x161C0] =	vst v63  }
0x58: {  	_ =	swait.ge [sflag:s20], $0x2800  }
0x59: {  	s26 =	simm.s32 $0x14;
	s25 =	simm.s32 $0xA;
	[sflag:s20] =	ssyncset.done $0x0  }
.LBB2_4:
0x5a: {  	s28 =	sadd.s32 s25, s18  }
0x5b: {  	[sflag:s20] =	ssyncadd.s32 $0xFFFFD800;
	s29 =	smov.u32 s26;
	s30 =	sadd.s32 $0xA, s26  }
0x5c: {  	[tilespmem:s2], [sflag:$0x2] =	stream.linear.gather [hbm4b:s28+s2], $0x50, $0x38;
	[tilespmem:$0x161C0] =	vst v63  }
0x5d: {  	p1 =	sne.s32 s26, $0x9BA;
	_ =	swait.ge [sflag:s20], $0x50  }
0x5e: {  	[sflag:s20] =	ssyncset.done $0x0  }
0x5f: {  	s26 =	sadd.s32 s25, s17;
	s25 =	smov.u32 s29;
	[sflag:s20] =	ssyncadd.s32 $0xFFFFFFB0  }
0x60: {  	[tilespmem:s21], [sflag:$0x2] =	stream.linear.gather [hbm4b:s26+s2], $0x50, $0x38;
	[tilespmem:$0x161C0] =	vst v63  }
0x61: {  	_ =	swait.ge [sflag:s20], $0x50  }
0x62: {  	[sflag:s20] =	ssyncset.done $0x0  }
0x63: {  	[sflag:s20] =	ssyncadd.s32 $0xFFFFFFB0  }
0x64: {  	[tilespmem:s19], [sflag:$0x1] =	stream.indirect.gather [hbm4b:s4+s22], $0x80, s2, s22, $0xb8;
	[tilespmem:$0x161C0] =	vst v63  }
0x65: {  	_ =	swait.ge [sflag:s23], $0x2800  }
.Ltmp1:
0x66: {  	[sflag:s23] =	ssyncset.done $0x0;
	(pc) =	sbr.rel @p1 .LBB2_4-.Ltmp1, $4  }
0x67: {  	[sflag:s23] =	ssyncadd.s32 $0xFFFFD800  }
0x68: {  	[spmem:s1] =	stream.indirect.scatter.add.f32 [tilespmem:s19], [sflag:$0x2], $0x80, s21, s22, $0xb8;
	[tilespmem:$0x161C0] =	vst v63  }
0x69: {  	_ =	swait.ge [sflag:s20], $0x2800  }
0x6a: {  	s26 =	smov.u32 s30;
	[sflag:s20] =	ssyncset.done $0x0  }
0x6b: {  	s26 =	sadd.s32 s25, s18;
	[sflag:s20] =	ssyncadd.s32 $0xFFFFD800  }
0x6c: {  	[tilespmem:s2], [sflag:$0x2] =	stream.linear.gather [hbm4b:s26+s2], $0x50, $0x38;
	[tilespmem:$0x161C0] =	vst v63  }
0x6d: {  	_ =	swait.ge [sflag:s20], $0x50  }
0x6e: {  	[sflag:s20] =	ssyncset.done $0x0  }
0x6f: {  	s29 =	sadd.s32 s25, s17;
	[sflag:s20] =	ssyncadd.s32 $0xFFFFFFB0  }
0x70: {  	[tilespmem:s21], [sflag:$0x2] =	stream.linear.gather [hbm4b:s29+s2], $0x50, $0x38;
	[tilespmem:$0x161C0] =	vst v63  }
0x71: {  	_ =	swait.ge [sflag:s20], $0x50  }
0x72: {  	[sflag:s20] =	ssyncset.done $0x0  }
0x73: {  	[sflag:s20] =	ssyncadd.s32 $0xFFFFFFB0  }
0x74: {  	[tilespmem:s19], [sflag:$0x1] =	stream.indirect.gather [hbm4b:s4+s22], $0x80, s2, s22, $0xb8;
	[tilespmem:$0x161C0] =	vst v63  }
0x75: {  	_ =	swait.ge [sflag:s23], $0x2800  }
0x76: {  	[sflag:s23] =	ssyncset.done $0x0  }
0x77: {  	[sflag:s23] =	ssyncadd.s32 $0xFFFFD800  }
0x78: {  	[spmem:s1] =	stream.indirect.scatter.add.f32 [tilespmem:s19], [sflag:$0x2], $0x80, s21, s22, $0xb8;
	[tilespmem:$0x161C0] =	vst v63  }
0x79: {  	_ =	swait.ge [sflag:s20], $0x2800  }
0x7a: {  	[sflag:s20] =	ssyncset.done $0x0  }
0x7b: {  	s30 =	sshll.u32 s3, $0x6;
	[sflag:s20] =	ssyncadd.s32 $0xFFFFD800  }
0x7c: {  	s31 =	sshrl.u32 s5, $0x3;
	s25 =	sor.u32 $0x1C02, s30;
	[bflag:$0x0] =	sbarrier.arrive $0xFFFF  }
0x7d: {  	[hbm:s14], [sflag:s25] =	dma.local [spmem:s31], $0x2700  }
0x7e: {  	_ =	swait.ge [sflag:s20], $0x2700  }
0x7f: {  	s24 =	sadd.s32 $0x1, s24;
	[sflag:s20] =	ssyncset.done $0x0  }
0x80: {  	s26 =	sshrl.u32 @!p0 s13, $0x3;
	p1 =	sne.s32 s24, s16;
	[sflag:s20] =	ssyncadd.s32 $0xFFFFD900  }
0x81: {  	[hbm:s15], [sflag:s25] =	dma.local @!p0 [spmem:s26], $0x100  }
.Ltmp2:
0x82: {  	_ = 	snop;
	(pc) =	sbr.rel @p1 .LBB2_1-.Ltmp2, $4  }
0x83: {  	s25 =	simm.s32 @!p0 $0x2  }
0x84: {  	_ =	swait.ge @!p0 [sflag:s25], $0x100  }
0x85: {  	[sflag:s25] =	ssyncset.done @!p0 $0x0  }
0x86: {  	[sflag:s25] =	ssyncadd.s32 @!p0 $0xFFFFFF00  }
0x87: {  	_ =	sfence.sel $0x180000  }
0x88: {  	[bflag:$0x0] =	sbarrier.arrive $0xFFFF  }
0x89: {  	_ =	strace $0x90000050  }
0x8a: {  	s0 =	sadd.s32 @!p0 $0x100000, s0;
	[bflag:$0x2] =	sbarrier.arrive $0xFFFF  }
0x8b: {  	[sflag:s0] =	ssyncadd.tile.s32 @!p0 $0x1;
	_ =	shalt  }
.Lfunc_end2:
_tile_overlayer_lowered:
.L_overlay_start_2:
0x8c: {  	(tag) =	ssettag $0x2  }
0x8d: {  	s0 =	rddreg [dreg:$0x0];
	s2 =	stileid.u32  }
0x8e: {  	s1 =	rddreg [dreg:$0x1];
	p0 =	sne.s32 s2, $0x0  }
0x8f: {  	s3 =	rddreg [dreg:$0x2];
	[bflag:$0x3] =	sbarrier.arrive $0xFFFF;
	s2 =	simm.s32 @!p0 $0x1C02  }
0x90: {  	[timem:s3], [sflag:s2] =	dma.local @!p0 [hbm:s0], s1  }
0x91: {  	s0 =	simm.s32 @!p0 $0x2  }
0x92: {  	_ =	swait.ge @!p0 [sflag:s0], s1  }
0x93: {  	s1 =	ssub.s32 @!p0 $0x0, s1;
	[sflag:s0] =	ssyncset.done @!p0 $0x0  }
0x94: {  	[sflag:s0] =	ssyncadd.s32 @!p0 s1  }
0x95: {  	[bflag:$0x3] =	sbarrier.arrive $0xFFFF  }
0x96: {  	_ =	shalt  }

</sc_bundles>
